<compile_context>
chip_gen: v7x
topology: tpu7x:2x2x1
jax: 0.10.2.dev20260603
libtpu: 0.0.44.dev20260713+nightly
codegen_flags: <defaults>
</compile_context>

<pallas_src>
import functools

import jax
import jax.numpy as jnp
from jax import lax
from jax.experimental import pallas as pl
from jax.experimental.pallas import tpu as pltpu
from jax.experimental.pallas import tpu_sc as plsc

NC = 2
NS = 16
NW = NC * NS
CB = 100


def _mesh():
    return plsc.VectorSubcoreMesh(core_axis_name="c", subcore_axis_name="s")


def _sc_params():
    return pltpu.CompilerParams(use_tc_tiling_on_sc=False)


def _gather_body(table_h, idx_h, out_h, idx_v, big, sem, *, rw,
                 pass_sizes):
    c = lax.axis_index("c")
    s = lax.axis_index("s")
    wid = c * NS + s
    base = wid * rw
    pltpu.sync_copy(idx_h.at[wid], idx_v)
    off = 0
    for sz in pass_sizes:
        o = off

        def fire(j, carry, o=o):
            pltpu.async_copy(table_h.at[idx_v.at[o + j]],
                             big.at[pl.ds(j * CB, CB)], sem)
            return carry

        lax.fori_loop(0, sz, fire, 0)
        pltpu.make_async_copy(table_h.at[pl.ds(0, sz * CB)],
                              big.at[pl.ds(0, sz * CB)], sem).wait()
        pltpu.sync_copy(big.at[pl.ds(0, sz * CB)],
                        out_h.at[pl.ds((base + o) * CB, sz * CB)])
        off += sz


def _sc_gather(table, idx3d, npp):
    nw, rw, cb = idx3d.shape
    nn, d = table.shape
    e = nw * rw * cb
    pass_sizes = [npp] * (rw // npp)
    if rw % npp:
        pass_sizes.append(rw % npp)
    f = pl.kernel(
        functools.partial(_gather_body, rw=rw,
                          pass_sizes=tuple(pass_sizes)),
        out_type=jax.ShapeDtypeStruct((e, d), jnp.float32),
        mesh=_mesh(),
        scratch_types=[
            pltpu.VMEM((rw, cb), jnp.int32),
            pltpu.VMEM((npp * cb, d), jnp.float32),
            pltpu.SemaphoreType.DMA,
        ],
        compiler_params=_sc_params(),
    )
    return f(table, idx3d)



def _scatter_all_edges(msg_h, idx_h, idx_v, msg_v, sum_sh, cnt_sh, ones_v,
                       sem, csem, s, rw):
    for r in range(2):
        w2 = s * 2 + r
        pltpu.sync_copy(idx_h.at[w2], idx_v)
        pltpu.sync_copy(msg_h.at[pl.ds(w2 * rw * CB, rw * CB)], msg_v)

        def fire(j, carry):
            pltpu.async_copy(msg_v.at[pl.ds(j * CB, CB)],
                             sum_sh.at[idx_v.at[j]], sem, add=True)
            if cnt_sh is not None:
                pltpu.async_copy(ones_v, cnt_sh.at[idx_v.at[j]], csem,
                                 add=True)
            return carry

        lax.fori_loop(0, rw, fire, 0)
        pltpu.make_async_copy(msg_h.at[pl.ds(0, rw * CB)], msg_v, sem).wait()
        if cnt_sh is not None:
            pltpu.make_async_copy(msg_h.at[pl.ds(0, rw * CB)], msg_v,
                                  csem).wait()


def _layer0_sc_body(msg_h, dst_h, src4_h, zeros_h, ones_h, root_h,
                    x1two_h, inv_h, xj1_h,
                    idx_v, msg_v, ones_v,
                    sum_sh, cnt_sh, sem, csem, *, rw, n_nodes):
    c = lax.axis_index("c")
    s = lax.axis_index("s")
    rows = n_nodes // NS

    @pl.when(s == 0)
    def _():
        pltpu.sync_copy(zeros_h, sum_sh)
        pltpu.sync_copy(zeros_h, cnt_sh)

    pltpu.sync_copy(ones_h, ones_v)
    plsc.subcore_barrier()
    _scatter_all_edges(msg_h, dst_h, idx_v, msg_v, sum_sh, cnt_sh, ones_v,
                       sem, csem, s, rw)
    plsc.subcore_barrier()

    off = s * rows
    pltpu.sync_copy(sum_sh.at[pl.ds(off, rows)], msg_v.at[pl.ds(0, rows)])
    pltpu.sync_copy(cnt_sh.at[pl.ds(off, rows)],
                    msg_v.at[pl.ds(rows, rows)])
    pltpu.sync_copy(root_h.at[pl.ds(off, rows)],
                    msg_v.at[pl.ds(2 * rows, rows)])

    def epi(i, carry):
        sv = msg_v[i, :]
        cv = msg_v[rows + i, :]
        rv = msg_v[2 * rows + i, :]
        inv = 1.0 / jnp.maximum(cv, 1.0)
        msg_v[i, :] = jnp.maximum(sv * inv + rv, 0.0)
        msg_v[rows + i, :] = inv
        return carry

    lax.fori_loop(0, rows, epi, 0)
    pltpu.sync_copy(msg_v.at[pl.ds(0, rows)],
                    x1two_h.at[pl.ds(c * n_nodes + off, rows)])

    @pl.when(c == 0)
    def _():
        pltpu.sync_copy(msg_v.at[pl.ds(rows, rows)],
                        inv_h.at[pl.ds(off, rows)])

    plsc.subcore_barrier()

    wid = c * NS + s
    pltpu.sync_copy(src4_h.at[c, wid], idx_v)

    def gfire(j, carry):
        pltpu.async_copy(x1two_h.at[idx_v.at[j]],
                         msg_v.at[pl.ds(j * CB, CB)], sem)
        return carry

    lax.fori_loop(0, rw, gfire, 0)
    pltpu.make_async_copy(msg_h.at[pl.ds(0, rw * CB)], msg_v, sem).wait()
    pltpu.sync_copy(msg_v, xj1_h.at[pl.ds(wid * rw * CB, rw * CB)])


def _layer1_sc_body(msg_h, dst_h, zeros_h, inv_h, aggr_h,
                    idx_v, msg_v, sum_v, inv_v,
                    sum_sh, sem, *, rw, n_nodes):
    c = lax.axis_index("c")
    s = lax.axis_index("s")

    @pl.when(s == 0)
    def _():
        pltpu.sync_copy(zeros_h, sum_sh)

    plsc.subcore_barrier()
    _scatter_all_edges(msg_h, dst_h, idx_v, msg_v, sum_sh, None, None,
                       sem, None, s, rw)
    plsc.subcore_barrier()

    wid = c * NS + s
    per = 320
    off = jnp.minimum(wid * per, n_nodes - per)
    pltpu.sync_copy(sum_sh.at[pl.ds(off, per)], sum_v)
    pltpu.sync_copy(inv_h.at[pl.ds(off, per)], inv_v)

    def epi(i, carry):
        sum_v[i, :] = sum_v[i, :] * inv_v[i, :]
        return carry

    lax.fori_loop(0, per, epi, 0)
    pltpu.sync_copy(sum_v, aggr_h.at[pl.ds(off, per)])


def _sc_layer0(msg, dst3d, src4d, zeros, ones, root0, n_nodes):
    nw, rw, cb = dst3d.shape
    e = nw * rw * cb
    f = pl.kernel(
        functools.partial(_layer0_sc_body, rw=rw, n_nodes=n_nodes),
        out_type=[jax.ShapeDtypeStruct((NC * n_nodes, 16), jnp.float32),
                  jax.ShapeDtypeStruct((n_nodes, 16), jnp.float32),
                  jax.ShapeDtypeStruct((e, 16), jnp.float32)],
        mesh=_mesh(),
        scratch_types=[
            pltpu.VMEM((rw, cb), jnp.int32),
            pltpu.VMEM((rw * cb, 16), jnp.float32),
            pltpu.VMEM((cb, 16), jnp.float32),
            pltpu.VMEM_SHARED((n_nodes, 16), jnp.float32),
            pltpu.VMEM_SHARED((n_nodes, 16), jnp.float32),
            pltpu.SemaphoreType.DMA,
            pltpu.SemaphoreType.DMA,
        ],
        compiler_params=_sc_params(),
    )
    return f(msg, dst3d, src4d, zeros, ones, root0)


def _sc_layer1(msg, dst3d, zeros, inv, n_nodes):
    nw, rw, cb = dst3d.shape
    f = pl.kernel(
        functools.partial(_layer1_sc_body, rw=rw, n_nodes=n_nodes),
        out_type=jax.ShapeDtypeStruct((n_nodes, 16), jnp.float32),
        mesh=_mesh(),
        scratch_types=[
            pltpu.VMEM((rw, cb), jnp.int32),
            pltpu.VMEM((rw * cb, 16), jnp.float32),
            pltpu.VMEM((320, 16), jnp.float32),
            pltpu.VMEM((320, 16), jnp.float32),
            pltpu.VMEM_SHARED((n_nodes, 16), jnp.float32),
            pltpu.SemaphoreType.DMA,
        ],
        compiler_params=_sc_params(),
    )
    return f(msg, dst3d, zeros, inv)


def _msg_kernel(eat_ref, xjt_ref, ew1t_ref, eb1_ref, at_ref, bt_ref, out_ref,
                *, h_dim, out_dim):
    h_t = jnp.dot(ew1t_ref[...], eat_ref[...],
                  preferred_element_type=jnp.float32) + eb1_ref[...]
    h_t = h_t * jax.nn.sigmoid(h_t)
    g_t = jnp.dot(at_ref[...], xjt_ref[...],
                  preferred_element_type=jnp.float32)
    acc = jnp.dot(bt_ref[...], xjt_ref[...],
                  preferred_element_type=jnp.float32)
    for k in range(h_dim):
        acc = acc + h_t[k:k + 1, :] * g_t[k * out_dim:(k + 1) * out_dim, :]
    out_ref[...] = acc


def _tc_msg(ea_t, xj_t, ew1, eb1, ew2, eb2, in_dim, h_dim, out_dim, te):
    ed, e = ea_t.shape
    at = ew2.reshape(h_dim, in_dim, out_dim).transpose(0, 2, 1).reshape(
        h_dim * out_dim, in_dim)
    bt = eb2.reshape(in_dim, out_dim).T
    grid = e // te
    return pl.pallas_call(
        functools.partial(_msg_kernel, h_dim=h_dim, out_dim=out_dim),
        grid=(grid,),
        in_specs=[
            pl.BlockSpec((ed, te), lambda i: (0, i)),
            pl.BlockSpec((in_dim, te), lambda i: (0, i)),
            pl.BlockSpec((h_dim, ed), lambda i: (0, 0)),
            pl.BlockSpec((h_dim, 1), lambda i: (0, 0)),
            pl.BlockSpec((h_dim * out_dim, in_dim), lambda i: (0, 0)),
            pl.BlockSpec((out_dim, in_dim), lambda i: (0, 0)),
        ],
        out_specs=pl.BlockSpec((out_dim, te), lambda i: (0, i)),
        out_shape=jax.ShapeDtypeStruct((out_dim, e), jnp.float32),
    )(ea_t, xj_t, ew1.T, eb1.reshape(h_dim, 1), at, bt)


def _root_kernel(x_ref, root_ref, bias_ref, out_ref):
    out_ref[...] = jnp.dot(x_ref[...], root_ref[...],
                           preferred_element_type=jnp.float32) + bias_ref[...]


def _tc_root(x, root, bias):
    n = x.shape[0]
    h = root.shape[1]
    return pl.pallas_call(
        _root_kernel,
        out_shape=jax.ShapeDtypeStruct((n, h), jnp.float32),
    )(x, root, bias.reshape(1, h))


def _final_kernel(aggr_ref, x1_ref, root_ref, bias_ref,
                  w1_ref, b1_ref, w2_ref, b2_ref, out_ref):
    x2 = jnp.maximum(
        aggr_ref[...] + jnp.dot(x1_ref[...], root_ref[...],
                                preferred_element_type=jnp.float32)
        + bias_ref[...], 0.0)
    hmid = jnp.dot(x2, w1_ref[...], preferred_element_type=jnp.float32) \
        + b1_ref[...]
    hmid = hmid * jax.nn.sigmoid(hmid)
    out_ref[...] = jax.nn.sigmoid(
        jnp.dot(hmid, w2_ref[...], preferred_element_type=jnp.float32)
        + b2_ref[...])


def kernel(x, edge_index, edge_attr,
           l0_e_w1, l0_e_b1, l0_e_w2, l0_e_b2, l0_root, l0_bias,
           l1_e_w1, l1_e_b1, l1_e_w2, l1_e_b2, l1_root, l1_bias,
           mlp_w1, mlp_b1, mlp_w2, mlp_b2):
    n, in_dim = x.shape
    e, ed = edge_attr.shape
    h_dim = l0_root.shape[1]
    out_dim = mlp_w2.shape[1]
    te = 6400

    rw = e // (NW * CB)
    src3d = edge_index[0].reshape(NW, rw, CB)
    dst3d = edge_index[1].reshape(NW, rw, CB)
    src4d = jnp.stack([src3d, src3d + n])
    zeros = jnp.zeros((n, 16), jnp.float32)
    ones = jnp.ones((CB, 16), jnp.float32)

    ea_t = edge_attr.T

    xj0 = _sc_gather(x, src3d, npp=10)
    msg0_t = _tc_msg(ea_t, xj0.T, l0_e_w1, l0_e_b1, l0_e_w2, l0_e_b2,
                     in_dim, h_dim, h_dim, te)
    root0 = _tc_root(x, l0_root, l0_bias)
    x1two, inv, xj1 = _sc_layer0(msg0_t.T, dst3d, src4d, zeros, ones,
                                 root0, n)
    x1 = x1two[:n]

    msg1_t = _tc_msg(ea_t, xj1.T, l1_e_w1, l1_e_b1, l1_e_w2, l1_e_b2,
                     h_dim, h_dim, h_dim, te)
    aggr1 = _sc_layer1(msg1_t.T, dst3d, zeros, inv, n)
    out = pl.pallas_call(
        _final_kernel,
        out_shape=jax.ShapeDtypeStruct((n, out_dim), jnp.float32),
    )(aggr1, x1, l1_root, l1_bias.reshape(1, h_dim),
      mlp_w1, mlp_b1.reshape(1, h_dim), mlp_w2, mlp_b2.reshape(1, out_dim))
    return out

# --- scband reference (transcript-rebuilt; emitter-appended) ---
"""Pipeline reference for scband-nnconv-net-23811298689134 (READ-ONLY COPY).

The authoritative reference and input builder live on the scoring server;
editing this copy changes nothing except your own understanding.
"""

import jax, jax.numpy as jnp
import numpy as np

N = 10000
E = 160000
IN = 32
ED = 16
H = 16
OUT = 16


def setup_inputs(seed: int = 0) -> dict:
    key = jax.random.key(seed)
    ks = jax.random.split(key, 24)

    def init(k, shape, fan_in):
        return jax.random.normal(k, shape, dtype=jnp.float32) * (1.0 / np.sqrt(fan_in))

    inp = {}
    inp["x"] = jax.random.normal(ks[0], (N, IN), dtype=jnp.float32)
    inp["edge_index"] = jax.random.randint(ks[1], (2, E), 0, N, dtype=jnp.int32)
    inp["edge_attr"] = jax.random.normal(ks[2], (E, ED), dtype=jnp.float32)
    # layer 0 (in=IN, out=H): edge net Linear(ED,H)->SiLU->Linear(H, IN*H), root Linear(IN,H)
    inp["l0_e_w1"] = init(ks[3], (ED, H), ED)
    inp["l0_e_b1"] = jnp.zeros((H,), jnp.float32)
    inp["l0_e_w2"] = init(ks[4], (H, IN * H), H)
    inp["l0_e_b2"] = jnp.zeros((IN * H,), jnp.float32)
    inp["l0_root"] = init(ks[5], (IN, H), IN)
    inp["l0_bias"] = jnp.zeros((H,), jnp.float32)
    # layer 1 (in=H, out=H)
    inp["l1_e_w1"] = init(ks[6], (ED, H), ED)
    inp["l1_e_b1"] = jnp.zeros((H,), jnp.float32)
    inp["l1_e_w2"] = init(ks[7], (H, H * H), H)
    inp["l1_e_b2"] = jnp.zeros((H * H,), jnp.float32)
    inp["l1_root"] = init(ks[8], (H, H), H)
    inp["l1_bias"] = jnp.zeros((H,), jnp.float32)
    # final MLP: Linear(H,H)->SiLU->Linear(H,OUT)->Sigmoid
    inp["mlp_w1"] = init(ks[9], (H, H), H)
    inp["mlp_b1"] = jnp.zeros((H,), jnp.float32)
    inp["mlp_w2"] = init(ks[10], (H, OUT), H)
    inp["mlp_b2"] = jnp.zeros((OUT,), jnp.float32)
    return inp


def _nnconv_mean(x, edge_index, edge_attr, ew1, eb1, ew2, eb2, root, bias, in_dim, out_dim):
    # PyG NNConv: out_i = x_i @ root + bias + mean_{j in N(i)} x_j @ h_Theta(e_ji)
    src = edge_index[0]
    dst = edge_index[1]
    h = jax.nn.silu(edge_attr @ ew1 + eb1)
    W = (h @ ew2 + eb2).reshape(-1, in_dim, out_dim)  # [E, in, out] dynamic per-edge weights
    x_j = jnp.take(x, src, axis=0)  # gather source node features [E, in]
    msg = jnp.einsum('ei,eio->eo', x_j, W)  # [E, out]
    summed = jax.ops.segment_sum(msg, dst, num_segments=N)
    cnt = jax.ops.segment_sum(jnp.ones((msg.shape[0],), jnp.float32), dst, num_segments=N)
    aggr = summed / jnp.maximum(cnt, 1.0)[:, None]
    return aggr + x @ root + bias


def reference(x, edge_index, edge_attr,
              l0_e_w1, l0_e_b1, l0_e_w2, l0_e_b2, l0_root, l0_bias,
              l1_e_w1, l1_e_b1, l1_e_w2, l1_e_b2, l1_root, l1_bias,
              mlp_w1, mlp_b1, mlp_w2, mlp_b2):
    x1 = jax.nn.relu(_nnconv_mean(x, edge_index, edge_attr,
                                  l0_e_w1, l0_e_b1, l0_e_w2, l0_e_b2, l0_root, l0_bias, IN, H))
    x2 = jax.nn.relu(_nnconv_mean(x1, edge_index, edge_attr,
                                  l1_e_w1, l1_e_b1, l1_e_w2, l1_e_b2, l1_root, l1_bias, H, H))
    hmid = jax.nn.silu(x2 @ mlp_w1 + mlp_b1)
    out = jax.nn.sigmoid(hmid @ mlp_w2 + mlp_b2)
    return out

if __name__ == "__main__":
    import jax
    _d = setup_inputs()
    print(jax.jit(kernel)(*tuple(_d.values())))

</pallas_src>

<mosaic_0001>
#map = affine_map<(d0, d1) -> (0, 0)>
#map1 = affine_map<(d0, d1) -> (0, 0, 0)>
module attributes {stable_mosaic.version = 14 : i64} {
  func.func @_layer1_sc_body(%arg0: i32, %arg1: i32, %arg2: memref<160000x16xf32, #tpu.memory_space<hbm>>, %arg3: memref<32x50x100xi32, #tpu.memory_space<hbm>>, %arg4: memref<10000x16xf32, #tpu.memory_space<hbm>>, %arg5: memref<10000x16xf32, #tpu.memory_space<hbm>>, %arg6: memref<10000x16xf32, #tpu.memory_space<hbm>>, %arg7: memref<50x100xi32, #tpu.memory_space<vmem>>, %arg8: memref<5000x16xf32, #tpu.memory_space<vmem>>, %arg9: memref<320x16xf32, #tpu.memory_space<vmem>>, %arg10: memref<320x16xf32, #tpu.memory_space<vmem>>, %arg11: memref<10000x16xf32, #tpu.memory_space<vmem_shared>>, %arg12: memref<!tpu.dma_semaphore, #tpu.memory_space<semaphore_mem>>) attributes {dimension_semantics = [#tpu.dimension_semantics<core_parallel>, #tpu.dimension_semantics<subcore_parallel>], iteration_bounds = array<i64: 2, 16>, scalar_prefetch = 0 : i64, scratch_operands = 6 : i64, tpu.core_type = #tpu.core_type<sc_vector_subcore>, window_params = [{transform_indices = #map}, {transform_indices = #map1}, {transform_indices = #map}, {transform_indices = #map}, {transform_indices = #map}]} {
    %eq3A = arith.constant 0 : i32
    %eq3A_0 = arith.cmpi eq, %arg1, %eq3A : i32
    %convert_element_type3A = arith.extui %eq3A_0 : i1 to i32
    %cond3A = arith.constant 0 : i32
    %cond3A_1 = arith.cmpi ne, %convert_element_type3A, %cond3A : i32
    scf.if %cond3A_1 {
      "tpu.region"() ({
        %run_scoped3A = tpu.sem_alloc : memref<!tpu.dma_semaphore, #tpu.memory_space<semaphore_mem>>
        tpu.enqueue_dma source(%arg4 : memref<10000x16xf32, #tpu.memory_space<hbm>>) target(%arg11 : memref<10000x16xf32, #tpu.memory_space<vmem_shared>>) target_semaphore(%run_scoped3A : memref<!tpu.dma_semaphore, #tpu.memory_space<semaphore_mem>>)
        tpu.wait_dma2 semaphore(%run_scoped3A : memref<!tpu.dma_semaphore, #tpu.memory_space<semaphore_mem>>) src(%arg4 : memref<10000x16xf32, #tpu.memory_space<hbm>>) dst(%arg11 : memref<10000x16xf32, #tpu.memory_space<vmem_shared>>)
        tpu.yield
      }) : () -> ()
    } else {
    }
    %barrier3A = arith.constant 0 : index
    tpu.barrier barrier_id(%barrier3A)
    %mul3A = arith.constant 2 : i32
    %mul3A_2 = arith.muli %arg1, %mul3A : i32
    %add3A = arith.constant 0 : i32
    %add3A_3 = arith.addi %mul3A_2, %add3A : i32
    "tpu.region"() ({
      %run_scoped3A = tpu.sem_alloc : memref<!tpu.dma_semaphore, #tpu.memory_space<semaphore_mem>>
      %dma_start3A = arith.constant 0 : i32
      %dma_start3A_51 = arith.constant 0 : i32
      %dma_start3A_52 = tpu.memref_slice %arg3[%add3A_3, %dma_start3A, %dma_start3A_51] : memref<32x50x100xi32, #tpu.memory_space<hbm>> -> memref<1x50x100xi32, #tpu.memory_space<hbm>>
      %dma_start3A_53 = tpu.memref_squeeze %dma_start3A_52 : memref<1x50x100xi32, #tpu.memory_space<hbm>> -> memref<50x100xi32, #tpu.memory_space<hbm>>
      %dma_start3A_54 = arith.constant 0 : i32
      %dma_start3A_55 = arith.constant 0 : i32
      %dma_start3A_56 = tpu.memref_slice %arg3[%add3A_3, %dma_start3A_54, %dma_start3A_55] : memref<32x50x100xi32, #tpu.memory_space<hbm>> -> memref<1x50x100xi32, #tpu.memory_space<hbm>>
      %dma_start3A_57 = tpu.memref_squeeze %dma_start3A_56 : memref<1x50x100xi32, #tpu.memory_space<hbm>> -> memref<50x100xi32, #tpu.memory_space<hbm>>
      tpu.enqueue_dma source(%dma_start3A_57 : memref<50x100xi32, #tpu.memory_space<hbm>>) target(%arg7 : memref<50x100xi32, #tpu.memory_space<vmem>>) target_semaphore(%run_scoped3A : memref<!tpu.dma_semaphore, #tpu.memory_space<semaphore_mem>>)
      %dma_wait3A_58 = arith.constant 0 : i32
      %dma_wait3A_59 = arith.constant 0 : i32
      %dma_wait3A_60 = tpu.memref_slice %arg3[%add3A_3, %dma_wait3A_58, %dma_wait3A_59] : memref<32x50x100xi32, #tpu.memory_space<hbm>> -> memref<1x50x100xi32, #tpu.memory_space<hbm>>
      %dma_wait3A_61 = tpu.memref_squeeze %dma_wait3A_60 : memref<1x50x100xi32, #tpu.memory_space<hbm>> -> memref<50x100xi32, #tpu.memory_space<hbm>>
      %dma_wait3A_62 = arith.constant 0 : i32
      %dma_wait3A_63 = arith.constant 0 : i32
      %dma_wait3A_64 = tpu.memref_slice %arg3[%add3A_3, %dma_wait3A_62, %dma_wait3A_63] : memref<32x50x100xi32, #tpu.memory_space<hbm>> -> memref<1x50x100xi32, #tpu.memory_space<hbm>>
      %dma_wait3A_65 = tpu.memref_squeeze %dma_wait3A_64 : memref<1x50x100xi32, #tpu.memory_space<hbm>> -> memref<50x100xi32, #tpu.memory_space<hbm>>
      tpu.wait_dma2 semaphore(%run_scoped3A : memref<!tpu.dma_semaphore, #tpu.memory_space<semaphore_mem>>) src(%dma_wait3A_65 : memref<50x100xi32, #tpu.memory_space<hbm>>) dst(%arg7 : memref<50x100xi32, #tpu.memory_space<vmem>>)
      tpu.yield
    }) : () -> ()
    %mul3A_4 = arith.constant 50 : i32
    %mul3A_5 = arith.muli %add3A_3, %mul3A_4 : i32
    %mul3A_6 = arith.constant 100 : i32
    %mul3A_7 = arith.muli %mul3A_5, %mul3A_6 : i32
    "tpu.region"() ({
      %run_scoped3A = tpu.sem_alloc : memref<!tpu.dma_semaphore, #tpu.memory_space<semaphore_mem>>
      %dma_start3A = arith.constant 0 : i32
      %dma_start3A_51 = tpu.memref_slice %arg2[%mul3A_7, %dma_start3A] : memref<160000x16xf32, #tpu.memory_space<hbm>> -> memref<5000x16xf32, #tpu.memory_space<hbm>>
      %dma_start3A_52 = arith.constant 0 : i32
      %dma_start3A_53 = tpu.memref_slice %arg2[%mul3A_7, %dma_start3A_52] : memref<160000x16xf32, #tpu.memory_space<hbm>> -> memref<5000x16xf32, #tpu.memory_space<hbm>>
      tpu.enqueue_dma source(%dma_start3A_53 : memref<5000x16xf32, #tpu.memory_space<hbm>>) target(%arg8 : memref<5000x16xf32, #tpu.memory_space<vmem>>) target_semaphore(%run_scoped3A : memref<!tpu.dma_semaphore, #tpu.memory_space<semaphore_mem>>)
      %dma_wait3A_54 = arith.constant 0 : i32
      %dma_wait3A_55 = tpu.memref_slice %arg2[%mul3A_7, %dma_wait3A_54] : memref<160000x16xf32, #tpu.memory_space<hbm>> -> memref<5000x16xf32, #tpu.memory_space<hbm>>
      %dma_wait3A_56 = arith.constant 0 : i32
      %dma_wait3A_57 = tpu.memref_slice %arg2[%mul3A_7, %dma_wait3A_56] : memref<160000x16xf32, #tpu.memory_space<hbm>> -> memref<5000x16xf32, #tpu.memory_space<hbm>>
      tpu.wait_dma2 semaphore(%run_scoped3A : memref<!tpu.dma_semaphore, #tpu.memory_space<semaphore_mem>>) src(%dma_wait3A_57 : memref<5000x16xf32, #tpu.memory_space<hbm>>) dst(%arg8 : memref<5000x16xf32, #tpu.memory_space<vmem>>)
      tpu.yield
    }) : () -> ()
    %scan3A = arith.constant 0 : i32
    %scan3A_8 = arith.constant 0 : i32
    %scan3A_9 = arith.constant 50 : i32
    %scan3A_10 = arith.addi %scan3A_8, %scan3A_9 : i32
    %scan3A_11 = arith.constant 1 : i32
    scf.for %scan3A_51 = %scan3A_8 to %scan3A_10 step %scan3A_11  : i32 {
      %mul3A_52 = arith.constant 100 : i32
      %mul3A_53 = arith.muli %scan3A_51, %mul3A_52 : i32
      %dma_start3A = arith.constant 0 : i32
      %dma_start3A_54 = tpu.memref_slice %arg8[%mul3A_53, %dma_start3A] : memref<5000x16xf32, #tpu.memory_space<vmem>> -> memref<100x16xf32, #tpu.memory_space<vmem>>
      %dma_start3A_55 = arith.constant 0 : i32
      %dma_start3A_56 = tpu.memref_slice %arg7[%scan3A_51, %dma_start3A_55] : memref<50x100xi32, #tpu.memory_space<vmem>> -> memref<1x100xi32, #tpu.memory_space<vmem>>
      %dma_start3A_57 = tpu.memref_squeeze %dma_start3A_56 : memref<1x100xi32, #tpu.memory_space<vmem>> -> memref<100xi32, #tpu.memory_space<vmem>>
      %dma_start3A_58 = arith.constant 0 : i32
      %dma_start3A_59 = arith.constant 0 : i32
      %dma_start3A_60 = tpu.memref_slice %arg11[%dma_start3A_58, %dma_start3A_59] : memref<10000x16xf32, #tpu.memory_space<vmem_shared>> -> memref<10000x16xf32, #tpu.memory_space<vmem_shared>>
      tpu.enqueue_indirect_dma source(%dma_start3A_54 : memref<100x16xf32, #tpu.memory_space<vmem>>) target(%dma_start3A_60 : memref<10000x16xf32, #tpu.memory_space<vmem_shared>>) offsets(%dma_start3A_57 : memref<100xi32, #tpu.memory_space<vmem>>) semaphore(%arg12 : memref<!tpu.dma_semaphore, #tpu.memory_space<semaphore_mem>>) {add = true}
    }
    %scan3A_12 = arith.constant 50 : i32
    %dma_wait3A = arith.constant 0 : i32
    %dma_wait3A_13 = arith.constant 0 : i32
    %dma_wait3A_14 = tpu.memref_slice %arg2[%dma_wait3A, %dma_wait3A_13] : memref<160000x16xf32, #tpu.memory_space<hbm>> -> memref<5000x16xf32, #tpu.memory_space<hbm>>
    %dma_wait3A_15 = arith.constant 0 : i32
    %dma_wait3A_16 = arith.constant 0 : i32
    %dma_wait3A_17 = tpu.memref_slice %arg2[%dma_wait3A_15, %dma_wait3A_16] : memref<160000x16xf32, #tpu.memory_space<hbm>> -> memref<5000x16xf32, #tpu.memory_space<hbm>>
    tpu.wait_dma2 semaphore(%arg12 : memref<!tpu.dma_semaphore, #tpu.memory_space<semaphore_mem>>) src(%dma_wait3A_17 : memref<5000x16xf32, #tpu.memory_space<hbm>>) dst(%arg8 : memref<5000x16xf32, #tpu.memory_space<vmem>>)
    %mul3A_18 = arith.constant 2 : i32
    %mul3A_19 = arith.muli %arg1, %mul3A_18 : i32
    %add3A_20 = arith.constant 1 : i32
    %add3A_21 = arith.addi %mul3A_19, %add3A_20 : i32
    "tpu.region"() ({
      %run_scoped3A = tpu.sem_alloc : memref<!tpu.dma_semaphore, #tpu.memory_space<semaphore_mem>>
      %dma_start3A = arith.constant 0 : i32
      %dma_start3A_51 = arith.constant 0 : i32
      %dma_start3A_52 = tpu.memref_slice %arg3[%add3A_21, %dma_start3A, %dma_start3A_51] : memref<32x50x100xi32, #tpu.memory_space<hbm>> -> memref<1x50x100xi32, #tpu.memory_space<hbm>>
      %dma_start3A_53 = tpu.memref_squeeze %dma_start3A_52 : memref<1x50x100xi32, #tpu.memory_space<hbm>> -> memref<50x100xi32, #tpu.memory_space<hbm>>
      %dma_start3A_54 = arith.constant 0 : i32
      %dma_start3A_55 = arith.constant 0 : i32
      %dma_start3A_56 = tpu.memref_slice %arg3[%add3A_21, %dma_start3A_54, %dma_start3A_55] : memref<32x50x100xi32, #tpu.memory_space<hbm>> -> memref<1x50x100xi32, #tpu.memory_space<hbm>>
      %dma_start3A_57 = tpu.memref_squeeze %dma_start3A_56 : memref<1x50x100xi32, #tpu.memory_space<hbm>> -> memref<50x100xi32, #tpu.memory_space<hbm>>
      tpu.enqueue_dma source(%dma_start3A_57 : memref<50x100xi32, #tpu.memory_space<hbm>>) target(%arg7 : memref<50x100xi32, #tpu.memory_space<vmem>>) target_semaphore(%run_scoped3A : memref<!tpu.dma_semaphore, #tpu.memory_space<semaphore_mem>>)
      %dma_wait3A_58 = arith.constant 0 : i32
      %dma_wait3A_59 = arith.constant 0 : i32
      %dma_wait3A_60 = tpu.memref_slice %arg3[%add3A_21, %dma_wait3A_58, %dma_wait3A_59] : memref<32x50x100xi32, #tpu.memory_space<hbm>> -> memref<1x50x100xi32, #tpu.memory_space<hbm>>
      %dma_wait3A_61 = tpu.memref_squeeze %dma_wait3A_60 : memref<1x50x100xi32, #tpu.memory_space<hbm>> -> memref<50x100xi32, #tpu.memory_space<hbm>>
      %dma_wait3A_62 = arith.constant 0 : i32
      %dma_wait3A_63 = arith.constant 0 : i32
      %dma_wait3A_64 = tpu.memref_slice %arg3[%add3A_21, %dma_wait3A_62, %dma_wait3A_63] : memref<32x50x100xi32, #tpu.memory_space<hbm>> -> memref<1x50x100xi32, #tpu.memory_space<hbm>>
      %dma_wait3A_65 = tpu.memref_squeeze %dma_wait3A_64 : memref<1x50x100xi32, #tpu.memory_space<hbm>> -> memref<50x100xi32, #tpu.memory_space<hbm>>
      tpu.wait_dma2 semaphore(%run_scoped3A : memref<!tpu.dma_semaphore, #tpu.memory_space<semaphore_mem>>) src(%dma_wait3A_65 : memref<50x100xi32, #tpu.memory_space<hbm>>) dst(%arg7 : memref<50x100xi32, #tpu.memory_space<vmem>>)
      tpu.yield
    }) : () -> ()
    %mul3A_22 = arith.constant 50 : i32
    %mul3A_23 = arith.muli %add3A_21, %mul3A_22 : i32
    %mul3A_24 = arith.constant 100 : i32
    %mul3A_25 = arith.muli %mul3A_23, %mul3A_24 : i32
    "tpu.region"() ({
      %run_scoped3A = tpu.sem_alloc : memref<!tpu.dma_semaphore, #tpu.memory_space<semaphore_mem>>
      %dma_start3A = arith.constant 0 : i32
      %dma_start3A_51 = tpu.memref_slice %arg2[%mul3A_25, %dma_start3A] : memref<160000x16xf32, #tpu.memory_space<hbm>> -> memref<5000x16xf32, #tpu.memory_space<hbm>>
      %dma_start3A_52 = arith.constant 0 : i32
      %dma_start3A_53 = tpu.memref_slice %arg2[%mul3A_25, %dma_start3A_52] : memref<160000x16xf32, #tpu.memory_space<hbm>> -> memref<5000x16xf32, #tpu.memory_space<hbm>>
      tpu.enqueue_dma source(%dma_start3A_53 : memref<5000x16xf32, #tpu.memory_space<hbm>>) target(%arg8 : memref<5000x16xf32, #tpu.memory_space<vmem>>) target_semaphore(%run_scoped3A : memref<!tpu.dma_semaphore, #tpu.memory_space<semaphore_mem>>)
      %dma_wait3A_54 = arith.constant 0 : i32
      %dma_wait3A_55 = tpu.memref_slice %arg2[%mul3A_25, %dma_wait3A_54] : memref<160000x16xf32, #tpu.memory_space<hbm>> -> memref<5000x16xf32, #tpu.memory_space<hbm>>
      %dma_wait3A_56 = arith.constant 0 : i32
      %dma_wait3A_57 = tpu.memref_slice %arg2[%mul3A_25, %dma_wait3A_56] : memref<160000x16xf32, #tpu.memory_space<hbm>> -> memref<5000x16xf32, #tpu.memory_space<hbm>>
      tpu.wait_dma2 semaphore(%run_scoped3A : memref<!tpu.dma_semaphore, #tpu.memory_space<semaphore_mem>>) src(%dma_wait3A_57 : memref<5000x16xf32, #tpu.memory_space<hbm>>) dst(%arg8 : memref<5000x16xf32, #tpu.memory_space<vmem>>)
      tpu.yield
    }) : () -> ()
    %scan3A_26 = arith.constant 0 : i32
    %scan3A_27 = arith.constant 0 : i32
    %scan3A_28 = arith.constant 50 : i32
    %scan3A_29 = arith.addi %scan3A_27, %scan3A_28 : i32
    %scan3A_30 = arith.constant 1 : i32
    scf.for %scan3A_51 = %scan3A_27 to %scan3A_29 step %scan3A_30  : i32 {
      %mul3A_52 = arith.constant 100 : i32
      %mul3A_53 = arith.muli %scan3A_51, %mul3A_52 : i32
      %dma_start3A = arith.constant 0 : i32
      %dma_start3A_54 = tpu.memref_slice %arg8[%mul3A_53, %dma_start3A] : memref<5000x16xf32, #tpu.memory_space<vmem>> -> memref<100x16xf32, #tpu.memory_space<vmem>>
      %dma_start3A_55 = arith.constant 0 : i32
      %dma_start3A_56 = tpu.memref_slice %arg7[%scan3A_51, %dma_start3A_55] : memref<50x100xi32, #tpu.memory_space<vmem>> -> memref<1x100xi32, #tpu.memory_space<vmem>>
      %dma_start3A_57 = tpu.memref_squeeze %dma_start3A_56 : memref<1x100xi32, #tpu.memory_space<vmem>> -> memref<100xi32, #tpu.memory_space<vmem>>
      %dma_start3A_58 = arith.constant 0 : i32
      %dma_start3A_59 = arith.constant 0 : i32
      %dma_start3A_60 = tpu.memref_slice %arg11[%dma_start3A_58, %dma_start3A_59] : memref<10000x16xf32, #tpu.memory_space<vmem_shared>> -> memref<10000x16xf32, #tpu.memory_space<vmem_shared>>
      tpu.enqueue_indirect_dma source(%dma_start3A_54 : memref<100x16xf32, #tpu.memory_space<vmem>>) target(%dma_start3A_60 : memref<10000x16xf32, #tpu.memory_space<vmem_shared>>) offsets(%dma_start3A_57 : memref<100xi32, #tpu.memory_space<vmem>>) semaphore(%arg12 : memref<!tpu.dma_semaphore, #tpu.memory_space<semaphore_mem>>) {add = true}
    }
    %scan3A_31 = arith.constant 50 : i32
    %dma_wait3A_32 = arith.constant 0 : i32
    %dma_wait3A_33 = arith.constant 0 : i32
    %dma_wait3A_34 = tpu.memref_slice %arg2[%dma_wait3A_32, %dma_wait3A_33] : memref<160000x16xf32, #tpu.memory_space<hbm>> -> memref<5000x16xf32, #tpu.memory_space<hbm>>
    %dma_wait3A_35 = arith.constant 0 : i32
    %dma_wait3A_36 = arith.constant 0 : i32
    %dma_wait3A_37 = tpu.memref_slice %arg2[%dma_wait3A_35, %dma_wait3A_36] : memref<160000x16xf32, #tpu.memory_space<hbm>> -> memref<5000x16xf32, #tpu.memory_space<hbm>>
    tpu.wait_dma2 semaphore(%arg12 : memref<!tpu.dma_semaphore, #tpu.memory_space<semaphore_mem>>) src(%dma_wait3A_37 : memref<5000x16xf32, #tpu.memory_space<hbm>>) dst(%arg8 : memref<5000x16xf32, #tpu.memory_space<vmem>>)
    %barrier3A_38 = arith.constant 0 : index
    tpu.barrier barrier_id(%barrier3A_38)
    %mul3A_39 = arith.constant 16 : i32
    %mul3A_40 = arith.muli %arg0, %mul3A_39 : i32
    %add3A_41 = arith.addi %mul3A_40, %arg1 : i32
    %mul3A_42 = arith.constant 320 : i32
    %mul3A_43 = arith.muli %add3A_41, %mul3A_42 : i32
    %min3A = arith.constant 9680 : i32
    %min3A_44 = arith.minsi %mul3A_43, %min3A : i32
    "tpu.region"() ({
      %run_scoped3A = tpu.sem_alloc : memref<!tpu.dma_semaphore, #tpu.memory_space<semaphore_mem>>
      %dma_start3A = arith.constant 0 : i32
      %dma_start3A_51 = tpu.memref_slice %arg11[%min3A_44, %dma_start3A] : memref<10000x16xf32, #tpu.memory_space<vmem_shared>> -> memref<320x16xf32, #tpu.memory_space<vmem_shared>>
      %dma_start3A_52 = arith.constant 0 : i32
      %dma_start3A_53 = tpu.memref_slice %arg11[%min3A_44, %dma_start3A_52] : memref<10000x16xf32, #tpu.memory_space<vmem_shared>> -> memref<320x16xf32, #tpu.memory_space<vmem_shared>>
      tpu.enqueue_dma source(%dma_start3A_53 : memref<320x16xf32, #tpu.memory_space<vmem_shared>>) target(%arg9 : memref<320x16xf32, #tpu.memory_space<vmem>>) target_semaphore(%run_scoped3A : memref<!tpu.dma_semaphore, #tpu.memory_space<semaphore_mem>>)
      %dma_wait3A_54 = arith.constant 0 : i32
      %dma_wait3A_55 = tpu.memref_slice %arg11[%min3A_44, %dma_wait3A_54] : memref<10000x16xf32, #tpu.memory_space<vmem_shared>> -> memref<320x16xf32, #tpu.memory_space<vmem_shared>>
      %dma_wait3A_56 = arith.constant 0 : i32
      %dma_wait3A_57 = tpu.memref_slice %arg11[%min3A_44, %dma_wait3A_56] : memref<10000x16xf32, #tpu.memory_space<vmem_shared>> -> memref<320x16xf32, #tpu.memory_space<vmem_shared>>
      tpu.wait_dma2 semaphore(%run_scoped3A : memref<!tpu.dma_semaphore, #tpu.memory_space<semaphore_mem>>) src(%dma_wait3A_57 : memref<320x16xf32, #tpu.memory_space<vmem_shared>>) dst(%arg9 : memref<320x16xf32, #tpu.memory_space<vmem>>)
      tpu.yield
    }) : () -> ()
    "tpu.region"() ({
      %run_scoped3A = tpu.sem_alloc : memref<!tpu.dma_semaphore, #tpu.memory_space<semaphore_mem>>
      %dma_start3A = arith.constant 0 : i32
      %dma_start3A_51 = tpu.memref_slice %arg5[%min3A_44, %dma_start3A] : memref<10000x16xf32, #tpu.memory_space<hbm>> -> memref<320x16xf32, #tpu.memory_space<hbm>>
      %dma_start3A_52 = arith.constant 0 : i32
      %dma_start3A_53 = tpu.memref_slice %arg5[%min3A_44, %dma_start3A_52] : memref<10000x16xf32, #tpu.memory_space<hbm>> -> memref<320x16xf32, #tpu.memory_space<hbm>>
      tpu.enqueue_dma source(%dma_start3A_53 : memref<320x16xf32, #tpu.memory_space<hbm>>) target(%arg10 : memref<320x16xf32, #tpu.memory_space<vmem>>) target_semaphore(%run_scoped3A : memref<!tpu.dma_semaphore, #tpu.memory_space<semaphore_mem>>)
      %dma_wait3A_54 = arith.constant 0 : i32
      %dma_wait3A_55 = tpu.memref_slice %arg5[%min3A_44, %dma_wait3A_54] : memref<10000x16xf32, #tpu.memory_space<hbm>> -> memref<320x16xf32, #tpu.memory_space<hbm>>
      %dma_wait3A_56 = arith.constant 0 : i32
      %dma_wait3A_57 = tpu.memref_slice %arg5[%min3A_44, %dma_wait3A_56] : memref<10000x16xf32, #tpu.memory_space<hbm>> -> memref<320x16xf32, #tpu.memory_space<hbm>>
      tpu.wait_dma2 semaphore(%run_scoped3A : memref<!tpu.dma_semaphore, #tpu.memory_space<semaphore_mem>>) src(%dma_wait3A_57 : memref<320x16xf32, #tpu.memory_space<hbm>>) dst(%arg10 : memref<320x16xf32, #tpu.memory_space<vmem>>)
      tpu.yield
    }) : () -> ()
    %scan3A_45 = arith.constant 0 : i32
    %scan3A_46 = arith.constant 0 : i32
    %scan3A_47 = arith.constant 320 : i32
    %scan3A_48 = arith.addi %scan3A_46, %scan3A_47 : i32
    %scan3A_49 = arith.constant 1 : i32
    scf.for %scan3A_51 = %scan3A_46 to %scan3A_48 step %scan3A_49  : i32 {
      %get3A = arith.index_cast %scan3A_51 : i32 to index
      %get3A_52 = arith.constant 0 : index
      %get3A_53 = tpu.vector_load %arg9[%get3A, %get3A_52] {strides = array<i32>} : memref<320x16xf32, #tpu.memory_space<vmem>>, vector<1x16xf32>,
      %get3A_54 = vector.shape_cast %get3A_53 : vector<1x16xf32> to vector<16xf32>
      %get3A_55 = arith.index_cast %scan3A_51 : i32 to index
      %get3A_56 = arith.constant 0 : index
      %get3A_57 = tpu.vector_load %arg10[%get3A_55, %get3A_56] {strides = array<i32>} : memref<320x16xf32, #tpu.memory_space<vmem>>, vector<1x16xf32>,
      %get3A_58 = vector.shape_cast %get3A_57 : vector<1x16xf32> to vector<16xf32>
      %mul3A_59 = arith.mulf %get3A_54, %get3A_58 : vector<16xf32>
      %swap3A = arith.index_cast %scan3A_51 : i32 to index
      %swap3A_60 = arith.constant 0 : index
      %swap3A_61 = tpu.vector_load %arg9[%swap3A, %swap3A_60] {strides = array<i32>} : memref<320x16xf32, #tpu.memory_space<vmem>>, vector<1x16xf32>,
      %swap3A_62 = vector.shape_cast %swap3A_61 : vector<1x16xf32> to vector<16xf32>
      %swap3A_63 = vector.shape_cast %mul3A_59 : vector<16xf32> to vector<1x16xf32>
      tpu.vector_store %arg9[%swap3A, %swap3A_60], %swap3A_63 {strides = array<i32>} : memref<320x16xf32, #tpu.memory_space<vmem>>, vector<1x16xf32>,
    }
    %scan3A_50 = arith.constant 320 : i32
    "tpu.region"() ({
      %run_scoped3A = tpu.sem_alloc : memref<!tpu.dma_semaphore, #tpu.memory_space<semaphore_mem>>
      %dma_start3A = arith.constant 0 : i32
      %dma_start3A_51 = tpu.memref_slice %arg6[%min3A_44, %dma_start3A] : memref<10000x16xf32, #tpu.memory_space<hbm>> -> memref<320x16xf32, #tpu.memory_space<hbm>>
      %dma_start3A_52 = arith.constant 0 : i32
      %dma_start3A_53 = tpu.memref_slice %arg6[%min3A_44, %dma_start3A_52] : memref<10000x16xf32, #tpu.memory_space<hbm>> -> memref<320x16xf32, #tpu.memory_space<hbm>>
      tpu.enqueue_dma source(%arg9 : memref<320x16xf32, #tpu.memory_space<vmem>>) target(%dma_start3A_53 : memref<320x16xf32, #tpu.memory_space<hbm>>) target_semaphore(%run_scoped3A : memref<!tpu.dma_semaphore, #tpu.memory_space<semaphore_mem>>)
      %dma_wait3A_54 = arith.constant 0 : i32
      %dma_wait3A_55 = tpu.memref_slice %arg6[%min3A_44, %dma_wait3A_54] : memref<10000x16xf32, #tpu.memory_space<hbm>> -> memref<320x16xf32, #tpu.memory_space<hbm>>
      %dma_wait3A_56 = arith.constant 0 : i32
      %dma_wait3A_57 = tpu.memref_slice %arg6[%min3A_44, %dma_wait3A_56] : memref<10000x16xf32, #tpu.memory_space<hbm>> -> memref<320x16xf32, #tpu.memory_space<hbm>>
      tpu.wait_dma2 semaphore(%run_scoped3A : memref<!tpu.dma_semaphore, #tpu.memory_space<semaphore_mem>>) src(%arg9 : memref<320x16xf32, #tpu.memory_space<vmem>>) dst(%dma_wait3A_57 : memref<320x16xf32, #tpu.memory_space<hbm>>)
      tpu.yield
    }) : () -> ()
    return
  }
}

#map = affine_map<(d0, d1) -> (0, 0)>
#map1 = affine_map<(d0, d1) -> (0, 0, 0)>
#map2 = affine_map<(d0, d1) -> (0, 0, 0, 0)>
module attributes {stable_mosaic.version = 14 : i64} {
  func.func @_layer0_sc_body(%arg0: i32, %arg1: i32, %arg2: memref<160000x16xf32, #tpu.memory_space<hbm>>, %arg3: memref<32x50x100xi32, #tpu.memory_space<hbm>>, %arg4: memref<2x32x50x100xi32, #tpu.memory_space<hbm>>, %arg5: memref<10000x16xf32, #tpu.memory_space<hbm>>, %arg6: memref<100x16xf32, #tpu.memory_space<hbm>>, %arg7: memref<10000x16xf32, #tpu.memory_space<hbm>>, %arg8: memref<20000x16xf32, #tpu.memory_space<hbm>>, %arg9: memref<10000x16xf32, #tpu.memory_space<hbm>>, %arg10: memref<160000x16xf32, #tpu.memory_space<hbm>>, %arg11: memref<50x100xi32, #tpu.memory_space<vmem>>, %arg12: memref<5000x16xf32, #tpu.memory_space<vmem>>, %arg13: memref<100x16xf32, #tpu.memory_space<vmem>>, %arg14: memref<10000x16xf32, #tpu.memory_space<vmem_shared>>, %arg15: memref<10000x16xf32, #tpu.memory_space<vmem_shared>>, %arg16: memref<!tpu.dma_semaphore, #tpu.memory_space<semaphore_mem>>, %arg17: memref<!tpu.dma_semaphore, #tpu.memory_space<semaphore_mem>>) attributes {dimension_semantics = [#tpu.dimension_semantics<core_parallel>, #tpu.dimension_semantics<subcore_parallel>], iteration_bounds = array<i64: 2, 16>, scalar_prefetch = 0 : i64, scratch_operands = 7 : i64, tpu.core_type = #tpu.core_type<sc_vector_subcore>, window_params = [{transform_indices = #map}, {transform_indices = #map1}, {transform_indices = #map2}, {transform_indices = #map}, {transform_indices = #map}, {transform_indices = #map}, {transform_indices = #map}, {transform_indices = #map}, {transform_indices = #map}]} {
    %eq3A = arith.constant 0 : i32
    %eq3A_0 = arith.cmpi eq, %arg1, %eq3A : i32
    %convert_element_type3A = arith.extui %eq3A_0 : i1 to i32
    %cond3A = arith.constant 0 : i32
    %cond3A_1 = arith.cmpi ne, %convert_element_type3A, %cond3A : i32
    scf.if %cond3A_1 {
      "tpu.region"() ({
        %run_scoped3A = tpu.sem_alloc : memref<!tpu.dma_semaphore, #tpu.memory_space<semaphore_mem>>
        tpu.enqueue_dma source(%arg5 : memref<10000x16xf32, #tpu.memory_space<hbm>>) target(%arg14 : memref<10000x16xf32, #tpu.memory_space<vmem_shared>>) target_semaphore(%run_scoped3A : memref<!tpu.dma_semaphore, #tpu.memory_space<semaphore_mem>>)
        tpu.wait_dma2 semaphore(%run_scoped3A : memref<!tpu.dma_semaphore, #tpu.memory_space<semaphore_mem>>) src(%arg5 : memref<10000x16xf32, #tpu.memory_space<hbm>>) dst(%arg14 : memref<10000x16xf32, #tpu.memory_space<vmem_shared>>)
        tpu.yield
      }) : () -> ()
      "tpu.region"() ({
        %run_scoped3A = tpu.sem_alloc : memref<!tpu.dma_semaphore, #tpu.memory_space<semaphore_mem>>
        tpu.enqueue_dma source(%arg5 : memref<10000x16xf32, #tpu.memory_space<hbm>>) target(%arg15 : memref<10000x16xf32, #tpu.memory_space<vmem_shared>>) target_semaphore(%run_scoped3A : memref<!tpu.dma_semaphore, #tpu.memory_space<semaphore_mem>>)
        tpu.wait_dma2 semaphore(%run_scoped3A : memref<!tpu.dma_semaphore, #tpu.memory_space<semaphore_mem>>) src(%arg5 : memref<10000x16xf32, #tpu.memory_space<hbm>>) dst(%arg15 : memref<10000x16xf32, #tpu.memory_space<vmem_shared>>)
        tpu.yield
      }) : () -> ()
    } else {
    }
    "tpu.region"() ({
      %run_scoped3A = tpu.sem_alloc : memref<!tpu.dma_semaphore, #tpu.memory_space<semaphore_mem>>
      tpu.enqueue_dma source(%arg6 : memref<100x16xf32, #tpu.memory_space<hbm>>) target(%arg13 : memref<100x16xf32, #tpu.memory_space<vmem>>) target_semaphore(%run_scoped3A : memref<!tpu.dma_semaphore, #tpu.memory_space<semaphore_mem>>)
      tpu.wait_dma2 semaphore(%run_scoped3A : memref<!tpu.dma_semaphore, #tpu.memory_space<semaphore_mem>>) src(%arg6 : memref<100x16xf32, #tpu.memory_space<hbm>>) dst(%arg13 : memref<100x16xf32, #tpu.memory_space<vmem>>)
      tpu.yield
    }) : () -> ()
    %barrier3A = arith.constant 0 : index
    tpu.barrier barrier_id(%barrier3A)
    %mul3A = arith.constant 2 : i32
    %mul3A_2 = arith.muli %arg1, %mul3A : i32
    %add3A = arith.constant 0 : i32
    %add3A_3 = arith.addi %mul3A_2, %add3A : i32
    "tpu.region"() ({
      %run_scoped3A = tpu.sem_alloc : memref<!tpu.dma_semaphore, #tpu.memory_space<semaphore_mem>>
      %dma_start3A = arith.constant 0 : i32
      %dma_start3A_87 = arith.constant 0 : i32
      %dma_start3A_88 = tpu.memref_slice %arg3[%add3A_3, %dma_start3A, %dma_start3A_87] : memref<32x50x100xi32, #tpu.memory_space<hbm>> -> memref<1x50x100xi32, #tpu.memory_space<hbm>>
      %dma_start3A_89 = tpu.memref_squeeze %dma_start3A_88 : memref<1x50x100xi32, #tpu.memory_space<hbm>> -> memref<50x100xi32, #tpu.memory_space<hbm>>
      %dma_start3A_90 = arith.constant 0 : i32
      %dma_start3A_91 = arith.constant 0 : i32
      %dma_start3A_92 = tpu.memref_slice %arg3[%add3A_3, %dma_start3A_90, %dma_start3A_91] : memref<32x50x100xi32, #tpu.memory_space<hbm>> -> memref<1x50x100xi32, #tpu.memory_space<hbm>>
      %dma_start3A_93 = tpu.memref_squeeze %dma_start3A_92 : memref<1x50x100xi32, #tpu.memory_space<hbm>> -> memref<50x100xi32, #tpu.memory_space<hbm>>
      tpu.enqueue_dma source(%dma_start3A_93 : memref<50x100xi32, #tpu.memory_space<hbm>>) target(%arg11 : memref<50x100xi32, #tpu.memory_space<vmem>>) target_semaphore(%run_scoped3A : memref<!tpu.dma_semaphore, #tpu.memory_space<semaphore_mem>>)
      %dma_wait3A_94 = arith.constant 0 : i32
      %dma_wait3A_95 = arith.constant 0 : i32
      %dma_wait3A_96 = tpu.memref_slice %arg3[%add3A_3, %dma_wait3A_94, %dma_wait3A_95] : memref<32x50x100xi32, #tpu.memory_space<hbm>> -> memref<1x50x100xi32, #tpu.memory_space<hbm>>
      %dma_wait3A_97 = tpu.memref_squeeze %dma_wait3A_96 : memref<1x50x100xi32, #tpu.memory_space<hbm>> -> memref<50x100xi32, #tpu.memory_space<hbm>>
      %dma_wait3A_98 = arith.constant 0 : i32
      %dma_wait3A_99 = arith.constant 0 : i32
      %dma_wait3A_100 = tpu.memref_slice %arg3[%add3A_3, %dma_wait3A_98, %dma_wait3A_99] : memref<32x50x100xi32, #tpu.memory_space<hbm>> -> memref<1x50x100xi32, #tpu.memory_space<hbm>>
      %dma_wait3A_101 = tpu.memref_squeeze %dma_wait3A_100 : memref<1x50x100xi32, #tpu.memory_space<hbm>> -> memref<50x100xi32, #tpu.memory_space<hbm>>
      tpu.wait_dma2 semaphore(%run_scoped3A : memref<!tpu.dma_semaphore, #tpu.memory_space<semaphore_mem>>) src(%dma_wait3A_101 : memref<50x100xi32, #tpu.memory_space<hbm>>) dst(%arg11 : memref<50x100xi32, #tpu.memory_space<vmem>>)
      tpu.yield
    }) : () -> ()
    %mul3A_4 = arith.constant 50 : i32
    %mul3A_5 = arith.muli %add3A_3, %mul3A_4 : i32
    %mul3A_6 = arith.constant 100 : i32
    %mul3A_7 = arith.muli %mul3A_5, %mul3A_6 : i32
    "tpu.region"() ({
      %run_scoped3A = tpu.sem_alloc : memref<!tpu.dma_semaphore, #tpu.memory_space<semaphore_mem>>
      %dma_start3A = arith.constant 0 : i32
      %dma_start3A_87 = tpu.memref_slice %arg2[%mul3A_7, %dma_start3A] : memref<160000x16xf32, #tpu.memory_space<hbm>> -> memref<5000x16xf32, #tpu.memory_space<hbm>>
      %dma_start3A_88 = arith.constant 0 : i32
      %dma_start3A_89 = tpu.memref_slice %arg2[%mul3A_7, %dma_start3A_88] : memref<160000x16xf32, #tpu.memory_space<hbm>> -> memref<5000x16xf32, #tpu.memory_space<hbm>>
      tpu.enqueue_dma source(%dma_start3A_89 : memref<5000x16xf32, #tpu.memory_space<hbm>>) target(%arg12 : memref<5000x16xf32, #tpu.memory_space<vmem>>) target_semaphore(%run_scoped3A : memref<!tpu.dma_semaphore, #tpu.memory_space<semaphore_mem>>)
      %dma_wait3A_90 = arith.constant 0 : i32
      %dma_wait3A_91 = tpu.memref_slice %arg2[%mul3A_7, %dma_wait3A_90] : memref<160000x16xf32, #tpu.memory_space<hbm>> -> memref<5000x16xf32, #tpu.memory_space<hbm>>
      %dma_wait3A_92 = arith.constant 0 : i32
      %dma_wait3A_93 = tpu.memref_slice %arg2[%mul3A_7, %dma_wait3A_92] : memref<160000x16xf32, #tpu.memory_space<hbm>> -> memref<5000x16xf32, #tpu.memory_space<hbm>>
      tpu.wait_dma2 semaphore(%run_scoped3A : memref<!tpu.dma_semaphore, #tpu.memory_space<semaphore_mem>>) src(%dma_wait3A_93 : memref<5000x16xf32, #tpu.memory_space<hbm>>) dst(%arg12 : memref<5000x16xf32, #tpu.memory_space<vmem>>)
      tpu.yield
    }) : () -> ()
    %scan3A = arith.constant 0 : i32
    %scan3A_8 = arith.constant 0 : i32
    %scan3A_9 = arith.constant 50 : i32
    %scan3A_10 = arith.addi %scan3A_8, %scan3A_9 : i32
    %scan3A_11 = arith.constant 1 : i32
    scf.for %scan3A_87 = %scan3A_8 to %scan3A_10 step %scan3A_11  : i32 {
      %mul3A_88 = arith.constant 100 : i32
      %mul3A_89 = arith.muli %scan3A_87, %mul3A_88 : i32
      %dma_start3A = arith.constant 0 : i32
      %dma_start3A_90 = tpu.memref_slice %arg12[%mul3A_89, %dma_start3A] : memref<5000x16xf32, #tpu.memory_space<vmem>> -> memref<100x16xf32, #tpu.memory_space<vmem>>
      %dma_start3A_91 = arith.constant 0 : i32
      %dma_start3A_92 = tpu.memref_slice %arg11[%scan3A_87, %dma_start3A_91] : memref<50x100xi32, #tpu.memory_space<vmem>> -> memref<1x100xi32, #tpu.memory_space<vmem>>
      %dma_start3A_93 = tpu.memref_squeeze %dma_start3A_92 : memref<1x100xi32, #tpu.memory_space<vmem>> -> memref<100xi32, #tpu.memory_space<vmem>>
      %dma_start3A_94 = arith.constant 0 : i32
      %dma_start3A_95 = arith.constant 0 : i32
      %dma_start3A_96 = tpu.memref_slice %arg14[%dma_start3A_94, %dma_start3A_95] : memref<10000x16xf32, #tpu.memory_space<vmem_shared>> -> memref<10000x16xf32, #tpu.memory_space<vmem_shared>>
      tpu.enqueue_indirect_dma source(%dma_start3A_90 : memref<100x16xf32, #tpu.memory_space<vmem>>) target(%dma_start3A_96 : memref<10000x16xf32, #tpu.memory_space<vmem_shared>>) offsets(%dma_start3A_93 : memref<100xi32, #tpu.memory_space<vmem>>) semaphore(%arg16 : memref<!tpu.dma_semaphore, #tpu.memory_space<semaphore_mem>>) {add = true}
      %dma_start3A_97 = arith.constant 0 : i32
      %dma_start3A_98 = tpu.memref_slice %arg11[%scan3A_87, %dma_start3A_97] : memref<50x100xi32, #tpu.memory_space<vmem>> -> memref<1x100xi32, #tpu.memory_space<vmem>>
      %dma_start3A_99 = tpu.memref_squeeze %dma_start3A_98 : memref<1x100xi32, #tpu.memory_space<vmem>> -> memref<100xi32, #tpu.memory_space<vmem>>
      %dma_start3A_100 = arith.constant 0 : i32
      %dma_start3A_101 = arith.constant 0 : i32
      %dma_start3A_102 = tpu.memref_slice %arg15[%dma_start3A_100, %dma_start3A_101] : memref<10000x16xf32, #tpu.memory_space<vmem_shared>> -> memref<10000x16xf32, #tpu.memory_space<vmem_shared>>
      tpu.enqueue_indirect_dma source(%arg13 : memref<100x16xf32, #tpu.memory_space<vmem>>) target(%dma_start3A_102 : memref<10000x16xf32, #tpu.memory_space<vmem_shared>>) offsets(%dma_start3A_99 : memref<100xi32, #tpu.memory_space<vmem>>) semaphore(%arg17 : memref<!tpu.dma_semaphore, #tpu.memory_space<semaphore_mem>>) {add = true}
    }
    %scan3A_12 = arith.constant 50 : i32
    %dma_wait3A = arith.constant 0 : i32
    %dma_wait3A_13 = arith.constant 0 : i32
    %dma_wait3A_14 = tpu.memref_slice %arg2[%dma_wait3A, %dma_wait3A_13] : memref<160000x16xf32, #tpu.memory_space<hbm>> -> memref<5000x16xf32, #tpu.memory_space<hbm>>
    %dma_wait3A_15 = arith.constant 0 : i32
    %dma_wait3A_16 = arith.constant 0 : i32
    %dma_wait3A_17 = tpu.memref_slice %arg2[%dma_wait3A_15, %dma_wait3A_16] : memref<160000x16xf32, #tpu.memory_space<hbm>> -> memref<5000x16xf32, #tpu.memory_space<hbm>>
    tpu.wait_dma2 semaphore(%arg16 : memref<!tpu.dma_semaphore, #tpu.memory_space<semaphore_mem>>) src(%dma_wait3A_17 : memref<5000x16xf32, #tpu.memory_space<hbm>>) dst(%arg12 : memref<5000x16xf32, #tpu.memory_space<vmem>>)
    %dma_wait3A_18 = arith.constant 0 : i32
    %dma_wait3A_19 = arith.constant 0 : i32
    %dma_wait3A_20 = tpu.memref_slice %arg2[%dma_wait3A_18, %dma_wait3A_19] : memref<160000x16xf32, #tpu.memory_space<hbm>> -> memref<5000x16xf32, #tpu.memory_space<hbm>>
    %dma_wait3A_21 = arith.constant 0 : i32
    %dma_wait3A_22 = arith.constant 0 : i32
    %dma_wait3A_23 = tpu.memref_slice %arg2[%dma_wait3A_21, %dma_wait3A_22] : memref<160000x16xf32, #tpu.memory_space<hbm>> -> memref<5000x16xf32, #tpu.memory_space<hbm>>
    tpu.wait_dma2 semaphore(%arg17 : memref<!tpu.dma_semaphore, #tpu.memory_space<semaphore_mem>>) src(%dma_wait3A_23 : memref<5000x16xf32, #tpu.memory_space<hbm>>) dst(%arg12 : memref<5000x16xf32, #tpu.memory_space<vmem>>)
    %mul3A_24 = arith.constant 2 : i32
    %mul3A_25 = arith.muli %arg1, %mul3A_24 : i32
    %add3A_26 = arith.constant 1 : i32
    %add3A_27 = arith.addi %mul3A_25, %add3A_26 : i32
    "tpu.region"() ({
      %run_scoped3A = tpu.sem_alloc : memref<!tpu.dma_semaphore, #tpu.memory_space<semaphore_mem>>
      %dma_start3A = arith.constant 0 : i32
      %dma_start3A_87 = arith.constant 0 : i32
      %dma_start3A_88 = tpu.memref_slice %arg3[%add3A_27, %dma_start3A, %dma_start3A_87] : memref<32x50x100xi32, #tpu.memory_space<hbm>> -> memref<1x50x100xi32, #tpu.memory_space<hbm>>
      %dma_start3A_89 = tpu.memref_squeeze %dma_start3A_88 : memref<1x50x100xi32, #tpu.memory_space<hbm>> -> memref<50x100xi32, #tpu.memory_space<hbm>>
      %dma_start3A_90 = arith.constant 0 : i32
      %dma_start3A_91 = arith.constant 0 : i32
      %dma_start3A_92 = tpu.memref_slice %arg3[%add3A_27, %dma_start3A_90, %dma_start3A_91] : memref<32x50x100xi32, #tpu.memory_space<hbm>> -> memref<1x50x100xi32, #tpu.memory_space<hbm>>
      %dma_start3A_93 = tpu.memref_squeeze %dma_start3A_92 : memref<1x50x100xi32, #tpu.memory_space<hbm>> -> memref<50x100xi32, #tpu.memory_space<hbm>>
      tpu.enqueue_dma source(%dma_start3A_93 : memref<50x100xi32, #tpu.memory_space<hbm>>) target(%arg11 : memref<50x100xi32, #tpu.memory_space<vmem>>) target_semaphore(%run_scoped3A : memref<!tpu.dma_semaphore, #tpu.memory_space<semaphore_mem>>)
      %dma_wait3A_94 = arith.constant 0 : i32
      %dma_wait3A_95 = arith.constant 0 : i32
      %dma_wait3A_96 = tpu.memref_slice %arg3[%add3A_27, %dma_wait3A_94, %dma_wait3A_95] : memref<32x50x100xi32, #tpu.memory_space<hbm>> -> memref<1x50x100xi32, #tpu.memory_space<hbm>>
      %dma_wait3A_97 = tpu.memref_squeeze %dma_wait3A_96 : memref<1x50x100xi32, #tpu.memory_space<hbm>> -> memref<50x100xi32, #tpu.memory_space<hbm>>
      %dma_wait3A_98 = arith.constant 0 : i32
      %dma_wait3A_99 = arith.constant 0 : i32
      %dma_wait3A_100 = tpu.memref_slice %arg3[%add3A_27, %dma_wait3A_98, %dma_wait3A_99] : memref<32x50x100xi32, #tpu.memory_space<hbm>> -> memref<1x50x100xi32, #tpu.memory_space<hbm>>
      %dma_wait3A_101 = tpu.memref_squeeze %dma_wait3A_100 : memref<1x50x100xi32, #tpu.memory_space<hbm>> -> memref<50x100xi32, #tpu.memory_space<hbm>>
      tpu.wait_dma2 semaphore(%run_scoped3A : memref<!tpu.dma_semaphore, #tpu.memory_space<semaphore_mem>>) src(%dma_wait3A_101 : memref<50x100xi32, #tpu.memory_space<hbm>>) dst(%arg11 : memref<50x100xi32, #tpu.memory_space<vmem>>)
      tpu.yield
    }) : () -> ()
    %mul3A_28 = arith.constant 50 : i32
    %mul3A_29 = arith.muli %add3A_27, %mul3A_28 : i32
    %mul3A_30 = arith.constant 100 : i32
    %mul3A_31 = arith.muli %mul3A_29, %mul3A_30 : i32
    "tpu.region"() ({
      %run_scoped3A = tpu.sem_alloc : memref<!tpu.dma_semaphore, #tpu.memory_space<semaphore_mem>>
      %dma_start3A = arith.constant 0 : i32
      %dma_start3A_87 = tpu.memref_slice %arg2[%mul3A_31, %dma_start3A] : memref<160000x16xf32, #tpu.memory_space<hbm>> -> memref<5000x16xf32, #tpu.memory_space<hbm>>
      %dma_start3A_88 = arith.constant 0 : i32
      %dma_start3A_89 = tpu.memref_slice %arg2[%mul3A_31, %dma_start3A_88] : memref<160000x16xf32, #tpu.memory_space<hbm>> -> memref<5000x16xf32, #tpu.memory_space<hbm>>
      tpu.enqueue_dma source(%dma_start3A_89 : memref<5000x16xf32, #tpu.memory_space<hbm>>) target(%arg12 : memref<5000x16xf32, #tpu.memory_space<vmem>>) target_semaphore(%run_scoped3A : memref<!tpu.dma_semaphore, #tpu.memory_space<semaphore_mem>>)
      %dma_wait3A_90 = arith.constant 0 : i32
      %dma_wait3A_91 = tpu.memref_slice %arg2[%mul3A_31, %dma_wait3A_90] : memref<160000x16xf32, #tpu.memory_space<hbm>> -> memref<5000x16xf32, #tpu.memory_space<hbm>>
      %dma_wait3A_92 = arith.constant 0 : i32
      %dma_wait3A_93 = tpu.memref_slice %arg2[%mul3A_31, %dma_wait3A_92] : memref<160000x16xf32, #tpu.memory_space<hbm>> -> memref<5000x16xf32, #tpu.memory_space<hbm>>
      tpu.wait_dma2 semaphore(%run_scoped3A : memref<!tpu.dma_semaphore, #tpu.memory_space<semaphore_mem>>) src(%dma_wait3A_93 : memref<5000x16xf32, #tpu.memory_space<hbm>>) dst(%arg12 : memref<5000x16xf32, #tpu.memory_space<vmem>>)
      tpu.yield
    }) : () -> ()
    %scan3A_32 = arith.constant 0 : i32
    %scan3A_33 = arith.constant 0 : i32
    %scan3A_34 = arith.constant 50 : i32
    %scan3A_35 = arith.addi %scan3A_33, %scan3A_34 : i32
    %scan3A_36 = arith.constant 1 : i32
    scf.for %scan3A_87 = %scan3A_33 to %scan3A_35 step %scan3A_36  : i32 {
      %mul3A_88 = arith.constant 100 : i32
      %mul3A_89 = arith.muli %scan3A_87, %mul3A_88 : i32
      %dma_start3A = arith.constant 0 : i32
      %dma_start3A_90 = tpu.memref_slice %arg12[%mul3A_89, %dma_start3A] : memref<5000x16xf32, #tpu.memory_space<vmem>> -> memref<100x16xf32, #tpu.memory_space<vmem>>
      %dma_start3A_91 = arith.constant 0 : i32
      %dma_start3A_92 = tpu.memref_slice %arg11[%scan3A_87, %dma_start3A_91] : memref<50x100xi32, #tpu.memory_space<vmem>> -> memref<1x100xi32, #tpu.memory_space<vmem>>
      %dma_start3A_93 = tpu.memref_squeeze %dma_start3A_92 : memref<1x100xi32, #tpu.memory_space<vmem>> -> memref<100xi32, #tpu.memory_space<vmem>>
      %dma_start3A_94 = arith.constant 0 : i32
      %dma_start3A_95 = arith.constant 0 : i32
      %dma_start3A_96 = tpu.memref_slice %arg14[%dma_start3A_94, %dma_start3A_95] : memref<10000x16xf32, #tpu.memory_space<vmem_shared>> -> memref<10000x16xf32, #tpu.memory_space<vmem_shared>>
      tpu.enqueue_indirect_dma source(%dma_start3A_90 : memref<100x16xf32, #tpu.memory_space<vmem>>) target(%dma_start3A_96 : memref<10000x16xf32, #tpu.memory_space<vmem_shared>>) offsets(%dma_start3A_93 : memref<100xi32, #tpu.memory_space<vmem>>) semaphore(%arg16 : memref<!tpu.dma_semaphore, #tpu.memory_space<semaphore_mem>>) {add = true}
      %dma_start3A_97 = arith.constant 0 : i32
      %dma_start3A_98 = tpu.memref_slice %arg11[%scan3A_87, %dma_start3A_97] : memref<50x100xi32, #tpu.memory_space<vmem>> -> memref<1x100xi32, #tpu.memory_space<vmem>>
      %dma_start3A_99 = tpu.memref_squeeze %dma_start3A_98 : memref<1x100xi32, #tpu.memory_space<vmem>> -> memref<100xi32, #tpu.memory_space<vmem>>
      %dma_start3A_100 = arith.constant 0 : i32
      %dma_start3A_101 = arith.constant 0 : i32
      %dma_start3A_102 = tpu.memref_slice %arg15[%dma_start3A_100, %dma_start3A_101] : memref<10000x16xf32, #tpu.memory_space<vmem_shared>> -> memref<10000x16xf32, #tpu.memory_space<vmem_shared>>
      tpu.enqueue_indirect_dma source(%arg13 : memref<100x16xf32, #tpu.memory_space<vmem>>) target(%dma_start3A_102 : memref<10000x16xf32, #tpu.memory_space<vmem_shared>>) offsets(%dma_start3A_99 : memref<100xi32, #tpu.memory_space<vmem>>) semaphore(%arg17 : memref<!tpu.dma_semaphore, #tpu.memory_space<semaphore_mem>>) {add = true}
    }
    %scan3A_37 = arith.constant 50 : i32
    %dma_wait3A_38 = arith.constant 0 : i32
    %dma_wait3A_39 = arith.constant 0 : i32
    %dma_wait3A_40 = tpu.memref_slice %arg2[%dma_wait3A_38, %dma_wait3A_39] : memref<160000x16xf32, #tpu.memory_space<hbm>> -> memref<5000x16xf32, #tpu.memory_space<hbm>>
    %dma_wait3A_41 = arith.constant 0 : i32
    %dma_wait3A_42 = arith.constant 0 : i32
    %dma_wait3A_43 = tpu.memref_slice %arg2[%dma_wait3A_41, %dma_wait3A_42] : memref<160000x16xf32, #tpu.memory_space<hbm>> -> memref<5000x16xf32, #tpu.memory_space<hbm>>
    tpu.wait_dma2 semaphore(%arg16 : memref<!tpu.dma_semaphore, #tpu.memory_space<semaphore_mem>>) src(%dma_wait3A_43 : memref<5000x16xf32, #tpu.memory_space<hbm>>) dst(%arg12 : memref<5000x16xf32, #tpu.memory_space<vmem>>)
    %dma_wait3A_44 = arith.constant 0 : i32
    %dma_wait3A_45 = arith.constant 0 : i32
    %dma_wait3A_46 = tpu.memref_slice %arg2[%dma_wait3A_44, %dma_wait3A_45] : memref<160000x16xf32, #tpu.memory_space<hbm>> -> memref<5000x16xf32, #tpu.memory_space<hbm>>
    %dma_wait3A_47 = arith.constant 0 : i32
    %dma_wait3A_48 = arith.constant 0 : i32
    %dma_wait3A_49 = tpu.memref_slice %arg2[%dma_wait3A_47, %dma_wait3A_48] : memref<160000x16xf32, #tpu.memory_space<hbm>> -> memref<5000x16xf32, #tpu.memory_space<hbm>>
    tpu.wait_dma2 semaphore(%arg17 : memref<!tpu.dma_semaphore, #tpu.memory_space<semaphore_mem>>) src(%dma_wait3A_49 : memref<5000x16xf32, #tpu.memory_space<hbm>>) dst(%arg12 : memref<5000x16xf32, #tpu.memory_space<vmem>>)
    %barrier3A_50 = arith.constant 0 : index
    tpu.barrier barrier_id(%barrier3A_50)
    %mul3A_51 = arith.constant 625 : i32
    %mul3A_52 = arith.muli %arg1, %mul3A_51 : i32
    "tpu.region"() ({
      %run_scoped3A = tpu.sem_alloc : memref<!tpu.dma_semaphore, #tpu.memory_space<semaphore_mem>>
      %dma_start3A = arith.constant 0 : i32
      %dma_start3A_87 = arith.constant 0 : i32
      %dma_start3A_88 = tpu.memref_slice %arg12[%dma_start3A, %dma_start3A_87] : memref<5000x16xf32, #tpu.memory_space<vmem>> -> memref<625x16xf32, #tpu.memory_space<vmem>>
      %dma_start3A_89 = arith.constant 0 : i32
      %dma_start3A_90 = tpu.memref_slice %arg14[%mul3A_52, %dma_start3A_89] : memref<10000x16xf32, #tpu.memory_space<vmem_shared>> -> memref<625x16xf32, #tpu.memory_space<vmem_shared>>
      %dma_start3A_91 = arith.constant 0 : i32
      %dma_start3A_92 = arith.constant 0 : i32
      %dma_start3A_93 = tpu.memref_slice %arg12[%dma_start3A_91, %dma_start3A_92] : memref<5000x16xf32, #tpu.memory_space<vmem>> -> memref<625x16xf32, #tpu.memory_space<vmem>>
      %dma_start3A_94 = arith.constant 0 : i32
      %dma_start3A_95 = tpu.memref_slice %arg14[%mul3A_52, %dma_start3A_94] : memref<10000x16xf32, #tpu.memory_space<vmem_shared>> -> memref<625x16xf32, #tpu.memory_space<vmem_shared>>
      tpu.enqueue_dma source(%dma_start3A_95 : memref<625x16xf32, #tpu.memory_space<vmem_shared>>) target(%dma_start3A_93 : memref<625x16xf32, #tpu.memory_space<vmem>>) target_semaphore(%run_scoped3A : memref<!tpu.dma_semaphore, #tpu.memory_space<semaphore_mem>>)
      %dma_wait3A_96 = arith.constant 0 : i32
      %dma_wait3A_97 = arith.constant 0 : i32
      %dma_wait3A_98 = tpu.memref_slice %arg12[%dma_wait3A_96, %dma_wait3A_97] : memref<5000x16xf32, #tpu.memory_space<vmem>> -> memref<625x16xf32, #tpu.memory_space<vmem>>
      %dma_wait3A_99 = arith.constant 0 : i32
      %dma_wait3A_100 = tpu.memref_slice %arg14[%mul3A_52, %dma_wait3A_99] : memref<10000x16xf32, #tpu.memory_space<vmem_shared>> -> memref<625x16xf32, #tpu.memory_space<vmem_shared>>
      %dma_wait3A_101 = arith.constant 0 : i32
      %dma_wait3A_102 = arith.constant 0 : i32
      %dma_wait3A_103 = tpu.memref_slice %arg12[%dma_wait3A_101, %dma_wait3A_102] : memref<5000x16xf32, #tpu.memory_space<vmem>> -> memref<625x16xf32, #tpu.memory_space<vmem>>
      %dma_wait3A_104 = arith.constant 0 : i32
      %dma_wait3A_105 = tpu.memref_slice %arg14[%mul3A_52, %dma_wait3A_104] : memref<10000x16xf32, #tpu.memory_space<vmem_shared>> -> memref<625x16xf32, #tpu.memory_space<vmem_shared>>
      tpu.wait_dma2 semaphore(%run_scoped3A : memref<!tpu.dma_semaphore, #tpu.memory_space<semaphore_mem>>) src(%dma_wait3A_105 : memref<625x16xf32, #tpu.memory_space<vmem_shared>>) dst(%dma_wait3A_103 : memref<625x16xf32, #tpu.memory_space<vmem>>)
      tpu.yield
    }) : () -> ()
    "tpu.region"() ({
      %run_scoped3A = tpu.sem_alloc : memref<!tpu.dma_semaphore, #tpu.memory_space<semaphore_mem>>
      %dma_start3A = arith.constant 625 : i32
      %dma_start3A_87 = arith.constant 0 : i32
      %dma_start3A_88 = tpu.memref_slice %arg12[%dma_start3A, %dma_start3A_87] : memref<5000x16xf32, #tpu.memory_space<vmem>> -> memref<625x16xf32, #tpu.memory_space<vmem>>
      %dma_start3A_89 = arith.constant 0 : i32
      %dma_start3A_90 = tpu.memref_slice %arg15[%mul3A_52, %dma_start3A_89] : memref<10000x16xf32, #tpu.memory_space<vmem_shared>> -> memref<625x16xf32, #tpu.memory_space<vmem_shared>>
      %dma_start3A_91 = arith.constant 625 : i32
      %dma_start3A_92 = arith.constant 0 : i32
      %dma_start3A_93 = tpu.memref_slice %arg12[%dma_start3A_91, %dma_start3A_92] : memref<5000x16xf32, #tpu.memory_space<vmem>> -> memref<625x16xf32, #tpu.memory_space<vmem>>
      %dma_start3A_94 = arith.constant 0 : i32
      %dma_start3A_95 = tpu.memref_slice %arg15[%mul3A_52, %dma_start3A_94] : memref<10000x16xf32, #tpu.memory_space<vmem_shared>> -> memref<625x16xf32, #tpu.memory_space<vmem_shared>>
      tpu.enqueue_dma source(%dma_start3A_95 : memref<625x16xf32, #tpu.memory_space<vmem_shared>>) target(%dma_start3A_93 : memref<625x16xf32, #tpu.memory_space<vmem>>) target_semaphore(%run_scoped3A : memref<!tpu.dma_semaphore, #tpu.memory_space<semaphore_mem>>)
      %dma_wait3A_96 = arith.constant 625 : i32
      %dma_wait3A_97 = arith.constant 0 : i32
      %dma_wait3A_98 = tpu.memref_slice %arg12[%dma_wait3A_96, %dma_wait3A_97] : memref<5000x16xf32, #tpu.memory_space<vmem>> -> memref<625x16xf32, #tpu.memory_space<vmem>>
      %dma_wait3A_99 = arith.constant 0 : i32
      %dma_wait3A_100 = tpu.memref_slice %arg15[%mul3A_52, %dma_wait3A_99] : memref<10000x16xf32, #tpu.memory_space<vmem_shared>> -> memref<625x16xf32, #tpu.memory_space<vmem_shared>>
      %dma_wait3A_101 = arith.constant 625 : i32
      %dma_wait3A_102 = arith.constant 0 : i32
      %dma_wait3A_103 = tpu.memref_slice %arg12[%dma_wait3A_101, %dma_wait3A_102] : memref<5000x16xf32, #tpu.memory_space<vmem>> -> memref<625x16xf32, #tpu.memory_space<vmem>>
      %dma_wait3A_104 = arith.constant 0 : i32
      %dma_wait3A_105 = tpu.memref_slice %arg15[%mul3A_52, %dma_wait3A_104] : memref<10000x16xf32, #tpu.memory_space<vmem_shared>> -> memref<625x16xf32, #tpu.memory_space<vmem_shared>>
      tpu.wait_dma2 semaphore(%run_scoped3A : memref<!tpu.dma_semaphore, #tpu.memory_space<semaphore_mem>>) src(%dma_wait3A_105 : memref<625x16xf32, #tpu.memory_space<vmem_shared>>) dst(%dma_wait3A_103 : memref<625x16xf32, #tpu.memory_space<vmem>>)
      tpu.yield
    }) : () -> ()
    "tpu.region"() ({
      %run_scoped3A = tpu.sem_alloc : memref<!tpu.dma_semaphore, #tpu.memory_space<semaphore_mem>>
      %dma_start3A = arith.constant 1250 : i32
      %dma_start3A_87 = arith.constant 0 : i32
      %dma_start3A_88 = tpu.memref_slice %arg12[%dma_start3A, %dma_start3A_87] : memref<5000x16xf32, #tpu.memory_space<vmem>> -> memref<625x16xf32, #tpu.memory_space<vmem>>
      %dma_start3A_89 = arith.constant 0 : i32
      %dma_start3A_90 = tpu.memref_slice %arg7[%mul3A_52, %dma_start3A_89] : memref<10000x16xf32, #tpu.memory_space<hbm>> -> memref<625x16xf32, #tpu.memory_space<hbm>>
      %dma_start3A_91 = arith.constant 1250 : i32
      %dma_start3A_92 = arith.constant 0 : i32
      %dma_start3A_93 = tpu.memref_slice %arg12[%dma_start3A_91, %dma_start3A_92] : memref<5000x16xf32, #tpu.memory_space<vmem>> -> memref<625x16xf32, #tpu.memory_space<vmem>>
      %dma_start3A_94 = arith.constant 0 : i32
      %dma_start3A_95 = tpu.memref_slice %arg7[%mul3A_52, %dma_start3A_94] : memref<10000x16xf32, #tpu.memory_space<hbm>> -> memref<625x16xf32, #tpu.memory_space<hbm>>
      tpu.enqueue_dma source(%dma_start3A_95 : memref<625x16xf32, #tpu.memory_space<hbm>>) target(%dma_start3A_93 : memref<625x16xf32, #tpu.memory_space<vmem>>) target_semaphore(%run_scoped3A : memref<!tpu.dma_semaphore, #tpu.memory_space<semaphore_mem>>)
      %dma_wait3A_96 = arith.constant 1250 : i32
      %dma_wait3A_97 = arith.constant 0 : i32
      %dma_wait3A_98 = tpu.memref_slice %arg12[%dma_wait3A_96, %dma_wait3A_97] : memref<5000x16xf32, #tpu.memory_space<vmem>> -> memref<625x16xf32, #tpu.memory_space<vmem>>
      %dma_wait3A_99 = arith.constant 0 : i32
      %dma_wait3A_100 = tpu.memref_slice %arg7[%mul3A_52, %dma_wait3A_99] : memref<10000x16xf32, #tpu.memory_space<hbm>> -> memref<625x16xf32, #tpu.memory_space<hbm>>
      %dma_wait3A_101 = arith.constant 1250 : i32
      %dma_wait3A_102 = arith.constant 0 : i32
      %dma_wait3A_103 = tpu.memref_slice %arg12[%dma_wait3A_101, %dma_wait3A_102] : memref<5000x16xf32, #tpu.memory_space<vmem>> -> memref<625x16xf32, #tpu.memory_space<vmem>>
      %dma_wait3A_104 = arith.constant 0 : i32
      %dma_wait3A_105 = tpu.memref_slice %arg7[%mul3A_52, %dma_wait3A_104] : memref<10000x16xf32, #tpu.memory_space<hbm>> -> memref<625x16xf32, #tpu.memory_space<hbm>>
      tpu.wait_dma2 semaphore(%run_scoped3A : memref<!tpu.dma_semaphore, #tpu.memory_space<semaphore_mem>>) src(%dma_wait3A_105 : memref<625x16xf32, #tpu.memory_space<hbm>>) dst(%dma_wait3A_103 : memref<625x16xf32, #tpu.memory_space<vmem>>)
      tpu.yield
    }) : () -> ()
    %scan3A_53 = arith.constant 0 : i32
    %scan3A_54 = arith.constant 0 : i32
    %scan3A_55 = arith.constant 625 : i32
    %scan3A_56 = arith.addi %scan3A_54, %scan3A_55 : i32
    %scan3A_57 = arith.constant 1 : i32
    scf.for %scan3A_87 = %scan3A_54 to %scan3A_56 step %scan3A_57  : i32 {
      %get3A = arith.index_cast %scan3A_87 : i32 to index
      %get3A_88 = arith.constant 0 : index
      %get3A_89 = tpu.vector_load %arg12[%get3A, %get3A_88] {strides = array<i32>} : memref<5000x16xf32, #tpu.memory_space<vmem>>, vector<1x16xf32>,
      %get3A_90 = vector.shape_cast %get3A_89 : vector<1x16xf32> to vector<16xf32>
      %add3A_91 = arith.constant 625 : i32
      %add3A_92 = arith.addi %add3A_91, %scan3A_87 : i32
      %get3A_93 = arith.index_cast %add3A_92 : i32 to index
      %get3A_94 = arith.constant 0 : index
      %get3A_95 = tpu.vector_load %arg12[%get3A_93, %get3A_94] {strides = array<i32>} : memref<5000x16xf32, #tpu.memory_space<vmem>>, vector<1x16xf32>,
      %get3A_96 = vector.shape_cast %get3A_95 : vector<1x16xf32> to vector<16xf32>
      %add3A_97 = arith.constant 1250 : i32
      %add3A_98 = arith.addi %add3A_97, %scan3A_87 : i32
      %get3A_99 = arith.index_cast %add3A_98 : i32 to index
      %get3A_100 = arith.constant 0 : index
      %get3A_101 = tpu.vector_load %arg12[%get3A_99, %get3A_100] {strides = array<i32>} : memref<5000x16xf32, #tpu.memory_space<vmem>>, vector<1x16xf32>,
      %get3A_102 = vector.shape_cast %get3A_101 : vector<1x16xf32> to vector<16xf32>
      %max3A = arith.constant 1.000000e+00 : f32
      %max3A_103 = vector.broadcast %max3A : f32 to vector<16xf32>
      %max3A_104 = arith.maximumf %get3A_96, %max3A_103 : vector<16xf32>
      %div3A = arith.constant 1.000000e+00 : f32
      %div3A_105 = vector.broadcast %div3A : f32 to vector<16xf32>
      %div3A_106 = arith.divf %div3A_105, %max3A_104 : vector<16xf32>
      %mul3A_107 = arith.mulf %get3A_90, %div3A_106 : vector<16xf32>
      %add3A_108 = arith.addf %mul3A_107, %get3A_102 : vector<16xf32>
      %max3A_109 = arith.constant 0.000000e+00 : f32
      %max3A_110 = vector.broadcast %max3A_109 : f32 to vector<16xf32>
      %max3A_111 = arith.maximumf %add3A_108, %max3A_110 : vector<16xf32>
      %swap3A = arith.index_cast %scan3A_87 : i32 to index
      %swap3A_112 = arith.constant 0 : index
      %swap3A_113 = tpu.vector_load %arg12[%swap3A, %swap3A_112] {strides = array<i32>} : memref<5000x16xf32, #tpu.memory_space<vmem>>, vector<1x16xf32>,
      %swap3A_114 = vector.shape_cast %swap3A_113 : vector<1x16xf32> to vector<16xf32>
      %swap3A_115 = vector.shape_cast %max3A_111 : vector<16xf32> to vector<1x16xf32>
      tpu.vector_store %arg12[%swap3A, %swap3A_112], %swap3A_115 {strides = array<i32>} : memref<5000x16xf32, #tpu.memory_space<vmem>>, vector<1x16xf32>,
      %add3A_116 = arith.constant 625 : i32
      %add3A_117 = arith.addi %add3A_116, %scan3A_87 : i32
      %swap3A_118 = arith.index_cast %add3A_117 : i32 to index
      %swap3A_119 = arith.constant 0 : index
      %swap3A_120 = tpu.vector_load %arg12[%swap3A_118, %swap3A_119] {strides = array<i32>} : memref<5000x16xf32, #tpu.memory_space<vmem>>, vector<1x16xf32>,
      %swap3A_121 = vector.shape_cast %swap3A_120 : vector<1x16xf32> to vector<16xf32>
      %swap3A_122 = vector.shape_cast %div3A_106 : vector<16xf32> to vector<1x16xf32>
      tpu.vector_store %arg12[%swap3A_118, %swap3A_119], %swap3A_122 {strides = array<i32>} : memref<5000x16xf32, #tpu.memory_space<vmem>>, vector<1x16xf32>,
    }
    %scan3A_58 = arith.constant 625 : i32
    %mul3A_59 = arith.constant 10000 : i32
    %mul3A_60 = arith.muli %arg0, %mul3A_59 : i32
    %add3A_61 = arith.addi %mul3A_60, %mul3A_52 : i32
    "tpu.region"() ({
      %run_scoped3A = tpu.sem_alloc : memref<!tpu.dma_semaphore, #tpu.memory_space<semaphore_mem>>
      %dma_start3A = arith.constant 0 : i32
      %dma_start3A_87 = arith.constant 0 : i32
      %dma_start3A_88 = tpu.memref_slice %arg12[%dma_start3A, %dma_start3A_87] : memref<5000x16xf32, #tpu.memory_space<vmem>> -> memref<625x16xf32, #tpu.memory_space<vmem>>
      %dma_start3A_89 = arith.constant 0 : i32
      %dma_start3A_90 = tpu.memref_slice %arg8[%add3A_61, %dma_start3A_89] : memref<20000x16xf32, #tpu.memory_space<hbm>> -> memref<625x16xf32, #tpu.memory_space<hbm>>
      %dma_start3A_91 = arith.constant 0 : i32
      %dma_start3A_92 = tpu.memref_slice %arg8[%add3A_61, %dma_start3A_91] : memref<20000x16xf32, #tpu.memory_space<hbm>> -> memref<625x16xf32, #tpu.memory_space<hbm>>
      %dma_start3A_93 = arith.constant 0 : i32
      %dma_start3A_94 = arith.constant 0 : i32
      %dma_start3A_95 = tpu.memref_slice %arg12[%dma_start3A_93, %dma_start3A_94] : memref<5000x16xf32, #tpu.memory_space<vmem>> -> memref<625x16xf32, #tpu.memory_space<vmem>>
      tpu.enqueue_dma source(%dma_start3A_95 : memref<625x16xf32, #tpu.memory_space<vmem>>) target(%dma_start3A_92 : memref<625x16xf32, #tpu.memory_space<hbm>>) target_semaphore(%run_scoped3A : memref<!tpu.dma_semaphore, #tpu.memory_space<semaphore_mem>>)
      %dma_wait3A_96 = arith.constant 0 : i32
      %dma_wait3A_97 = arith.constant 0 : i32
      %dma_wait3A_98 = tpu.memref_slice %arg12[%dma_wait3A_96, %dma_wait3A_97] : memref<5000x16xf32, #tpu.memory_space<vmem>> -> memref<625x16xf32, #tpu.memory_space<vmem>>
      %dma_wait3A_99 = arith.constant 0 : i32
      %dma_wait3A_100 = tpu.memref_slice %arg8[%add3A_61, %dma_wait3A_99] : memref<20000x16xf32, #tpu.memory_space<hbm>> -> memref<625x16xf32, #tpu.memory_space<hbm>>
      %dma_wait3A_101 = arith.constant 0 : i32
      %dma_wait3A_102 = tpu.memref_slice %arg8[%add3A_61, %dma_wait3A_101] : memref<20000x16xf32, #tpu.memory_space<hbm>> -> memref<625x16xf32, #tpu.memory_space<hbm>>
      %dma_wait3A_103 = arith.constant 0 : i32
      %dma_wait3A_104 = arith.constant 0 : i32
      %dma_wait3A_105 = tpu.memref_slice %arg12[%dma_wait3A_103, %dma_wait3A_104] : memref<5000x16xf32, #tpu.memory_space<vmem>> -> memref<625x16xf32, #tpu.memory_space<vmem>>
      tpu.wait_dma2 semaphore(%run_scoped3A : memref<!tpu.dma_semaphore, #tpu.memory_space<semaphore_mem>>) src(%dma_wait3A_105 : memref<625x16xf32, #tpu.memory_space<vmem>>) dst(%dma_wait3A_102 : memref<625x16xf32, #tpu.memory_space<hbm>>)
      tpu.yield
    }) : () -> ()
    %eq3A_62 = arith.constant 0 : i32
    %eq3A_63 = arith.cmpi eq, %arg0, %eq3A_62 : i32
    %convert_element_type3A_64 = arith.extui %eq3A_63 : i1 to i32
    %cond3A_65 = arith.constant 0 : i32
    %cond3A_66 = arith.cmpi ne, %convert_element_type3A_64, %cond3A_65 : i32
    scf.if %cond3A_66 {
      "tpu.region"() ({
        %run_scoped3A = tpu.sem_alloc : memref<!tpu.dma_semaphore, #tpu.memory_space<semaphore_mem>>
        %dma_start3A = arith.constant 625 : i32
        %dma_start3A_87 = arith.constant 0 : i32
        %dma_start3A_88 = tpu.memref_slice %arg12[%dma_start3A, %dma_start3A_87] : memref<5000x16xf32, #tpu.memory_space<vmem>> -> memref<625x16xf32, #tpu.memory_space<vmem>>
        %dma_start3A_89 = arith.constant 0 : i32
        %dma_start3A_90 = tpu.memref_slice %arg9[%mul3A_52, %dma_start3A_89] : memref<10000x16xf32, #tpu.memory_space<hbm>> -> memref<625x16xf32, #tpu.memory_space<hbm>>
        %dma_start3A_91 = arith.constant 0 : i32
        %dma_start3A_92 = tpu.memref_slice %arg9[%mul3A_52, %dma_start3A_91] : memref<10000x16xf32, #tpu.memory_space<hbm>> -> memref<625x16xf32, #tpu.memory_space<hbm>>
        %dma_start3A_93 = arith.constant 625 : i32
        %dma_start3A_94 = arith.constant 0 : i32
        %dma_start3A_95 = tpu.memref_slice %arg12[%dma_start3A_93, %dma_start3A_94] : memref<5000x16xf32, #tpu.memory_space<vmem>> -> memref<625x16xf32, #tpu.memory_space<vmem>>
        tpu.enqueue_dma source(%dma_start3A_95 : memref<625x16xf32, #tpu.memory_space<vmem>>) target(%dma_start3A_92 : memref<625x16xf32, #tpu.memory_space<hbm>>) target_semaphore(%run_scoped3A : memref<!tpu.dma_semaphore, #tpu.memory_space<semaphore_mem>>)
        %dma_wait3A_96 = arith.constant 625 : i32
        %dma_wait3A_97 = arith.constant 0 : i32
        %dma_wait3A_98 = tpu.memref_slice %arg12[%dma_wait3A_96, %dma_wait3A_97] : memref<5000x16xf32, #tpu.memory_space<vmem>> -> memref<625x16xf32, #tpu.memory_space<vmem>>
        %dma_wait3A_99 = arith.constant 0 : i32
        %dma_wait3A_100 = tpu.memref_slice %arg9[%mul3A_52, %dma_wait3A_99] : memref<10000x16xf32, #tpu.memory_space<hbm>> -> memref<625x16xf32, #tpu.memory_space<hbm>>
        %dma_wait3A_101 = arith.constant 0 : i32
        %dma_wait3A_102 = tpu.memref_slice %arg9[%mul3A_52, %dma_wait3A_101] : memref<10000x16xf32, #tpu.memory_space<hbm>> -> memref<625x16xf32, #tpu.memory_space<hbm>>
        %dma_wait3A_103 = arith.constant 625 : i32
        %dma_wait3A_104 = arith.constant 0 : i32
        %dma_wait3A_105 = tpu.memref_slice %arg12[%dma_wait3A_103, %dma_wait3A_104] : memref<5000x16xf32, #tpu.memory_space<vmem>> -> memref<625x16xf32, #tpu.memory_space<vmem>>
        tpu.wait_dma2 semaphore(%run_scoped3A : memref<!tpu.dma_semaphore, #tpu.memory_space<semaphore_mem>>) src(%dma_wait3A_105 : memref<625x16xf32, #tpu.memory_space<vmem>>) dst(%dma_wait3A_102 : memref<625x16xf32, #tpu.memory_space<hbm>>)
        tpu.yield
      }) : () -> ()
    } else {
    }
    %barrier3A_67 = arith.constant 0 : index
    tpu.barrier barrier_id(%barrier3A_67)
    %mul3A_68 = arith.constant 16 : i32
    %mul3A_69 = arith.muli %arg0, %mul3A_68 : i32
    %add3A_70 = arith.addi %mul3A_69, %arg1 : i32
    "tpu.region"() ({
      %run_scoped3A = tpu.sem_alloc : memref<!tpu.dma_semaphore, #tpu.memory_space<semaphore_mem>>
      %dma_start3A = arith.constant 0 : i32
      %dma_start3A_87 = arith.constant 0 : i32
      %dma_start3A_88 = tpu.memref_slice %arg4[%arg0, %add3A_70, %dma_start3A, %dma_start3A_87] : memref<2x32x50x100xi32, #tpu.memory_space<hbm>> -> memref<1x1x50x100xi32, #tpu.memory_space<hbm>>
      %dma_start3A_89 = tpu.memref_squeeze %dma_start3A_88 : memref<1x1x50x100xi32, #tpu.memory_space<hbm>> -> memref<50x100xi32, #tpu.memory_space<hbm>>
      %dma_start3A_90 = arith.constant 0 : i32
      %dma_start3A_91 = arith.constant 0 : i32
      %dma_start3A_92 = tpu.memref_slice %arg4[%arg0, %add3A_70, %dma_start3A_90, %dma_start3A_91] : memref<2x32x50x100xi32, #tpu.memory_space<hbm>> -> memref<1x1x50x100xi32, #tpu.memory_space<hbm>>
      %dma_start3A_93 = tpu.memref_squeeze %dma_start3A_92 : memref<1x1x50x100xi32, #tpu.memory_space<hbm>> -> memref<50x100xi32, #tpu.memory_space<hbm>>
      tpu.enqueue_dma source(%dma_start3A_93 : memref<50x100xi32, #tpu.memory_space<hbm>>) target(%arg11 : memref<50x100xi32, #tpu.memory_space<vmem>>) target_semaphore(%run_scoped3A : memref<!tpu.dma_semaphore, #tpu.memory_space<semaphore_mem>>)
      %dma_wait3A_94 = arith.constant 0 : i32
      %dma_wait3A_95 = arith.constant 0 : i32
      %dma_wait3A_96 = tpu.memref_slice %arg4[%arg0, %add3A_70, %dma_wait3A_94, %dma_wait3A_95] : memref<2x32x50x100xi32, #tpu.memory_space<hbm>> -> memref<1x1x50x100xi32, #tpu.memory_space<hbm>>
      %dma_wait3A_97 = tpu.memref_squeeze %dma_wait3A_96 : memref<1x1x50x100xi32, #tpu.memory_space<hbm>> -> memref<50x100xi32, #tpu.memory_space<hbm>>
      %dma_wait3A_98 = arith.constant 0 : i32
      %dma_wait3A_99 = arith.constant 0 : i32
      %dma_wait3A_100 = tpu.memref_slice %arg4[%arg0, %add3A_70, %dma_wait3A_98, %dma_wait3A_99] : memref<2x32x50x100xi32, #tpu.memory_space<hbm>> -> memref<1x1x50x100xi32, #tpu.memory_space<hbm>>
      %dma_wait3A_101 = tpu.memref_squeeze %dma_wait3A_100 : memref<1x1x50x100xi32, #tpu.memory_space<hbm>> -> memref<50x100xi32, #tpu.memory_space<hbm>>
      tpu.wait_dma2 semaphore(%run_scoped3A : memref<!tpu.dma_semaphore, #tpu.memory_space<semaphore_mem>>) src(%dma_wait3A_101 : memref<50x100xi32, #tpu.memory_space<hbm>>) dst(%arg11 : memref<50x100xi32, #tpu.memory_space<vmem>>)
      tpu.yield
    }) : () -> ()
    %scan3A_71 = arith.constant 0 : i32
    %scan3A_72 = arith.constant 0 : i32
    %scan3A_73 = arith.constant 50 : i32
    %scan3A_74 = arith.addi %scan3A_72, %scan3A_73 : i32
    %scan3A_75 = arith.constant 1 : i32
    scf.for %scan3A_87 = %scan3A_72 to %scan3A_74 step %scan3A_75  : i32 {
      %mul3A_88 = arith.constant 100 : i32
      %mul3A_89 = arith.muli %scan3A_87, %mul3A_88 : i32
      %dma_start3A = arith.constant 0 : i32
      %dma_start3A_90 = tpu.memref_slice %arg12[%mul3A_89, %dma_start3A] : memref<5000x16xf32, #tpu.memory_space<vmem>> -> memref<100x16xf32, #tpu.memory_space<vmem>>
      %dma_start3A_91 = arith.constant 0 : i32
      %dma_start3A_92 = tpu.memref_slice %arg11[%scan3A_87, %dma_start3A_91] : memref<50x100xi32, #tpu.memory_space<vmem>> -> memref<1x100xi32, #tpu.memory_space<vmem>>
      %dma_start3A_93 = tpu.memref_squeeze %dma_start3A_92 : memref<1x100xi32, #tpu.memory_space<vmem>> -> memref<100xi32, #tpu.memory_space<vmem>>
      %dma_start3A_94 = arith.constant 0 : i32
      %dma_start3A_95 = arith.constant 0 : i32
      %dma_start3A_96 = tpu.memref_slice %arg8[%dma_start3A_94, %dma_start3A_95] : memref<20000x16xf32, #tpu.memory_space<hbm>> -> memref<20000x16xf32, #tpu.memory_space<hbm>>
      tpu.enqueue_indirect_dma source(%dma_start3A_96 : memref<20000x16xf32, #tpu.memory_space<hbm>>) target(%dma_start3A_90 : memref<100x16xf32, #tpu.memory_space<vmem>>) offsets(%dma_start3A_93 : memref<100xi32, #tpu.memory_space<vmem>>) semaphore(%arg16 : memref<!tpu.dma_semaphore, #tpu.memory_space<semaphore_mem>>)
    }
    %scan3A_76 = arith.constant 50 : i32
    %dma_wait3A_77 = arith.constant 0 : i32
    %dma_wait3A_78 = arith.constant 0 : i32
    %dma_wait3A_79 = tpu.memref_slice %arg2[%dma_wait3A_77, %dma_wait3A_78] : memref<160000x16xf32, #tpu.memory_space<hbm>> -> memref<5000x16xf32, #tpu.memory_space<hbm>>
    %dma_wait3A_80 = arith.constant 0 : i32
    %dma_wait3A_81 = arith.constant 0 : i32
    %dma_wait3A_82 = tpu.memref_slice %arg2[%dma_wait3A_80, %dma_wait3A_81] : memref<160000x16xf32, #tpu.memory_space<hbm>> -> memref<5000x16xf32, #tpu.memory_space<hbm>>
    tpu.wait_dma2 semaphore(%arg16 : memref<!tpu.dma_semaphore, #tpu.memory_space<semaphore_mem>>) src(%dma_wait3A_82 : memref<5000x16xf32, #tpu.memory_space<hbm>>) dst(%arg12 : memref<5000x16xf32, #tpu.memory_space<vmem>>)
    %mul3A_83 = arith.constant 50 : i32
    %mul3A_84 = arith.muli %add3A_70, %mul3A_83 : i32
    %mul3A_85 = arith.constant 100 : i32
    %mul3A_86 = arith.muli %mul3A_84, %mul3A_85 : i32
    "tpu.region"() ({
      %run_scoped3A = tpu.sem_alloc : memref<!tpu.dma_semaphore, #tpu.memory_space<semaphore_mem>>
      %dma_start3A = arith.constant 0 : i32
      %dma_start3A_87 = tpu.memref_slice %arg10[%mul3A_86, %dma_start3A] : memref<160000x16xf32, #tpu.memory_space<hbm>> -> memref<5000x16xf32, #tpu.memory_space<hbm>>
      %dma_start3A_88 = arith.constant 0 : i32
      %dma_start3A_89 = tpu.memref_slice %arg10[%mul3A_86, %dma_start3A_88] : memref<160000x16xf32, #tpu.memory_space<hbm>> -> memref<5000x16xf32, #tpu.memory_space<hbm>>
      tpu.enqueue_dma source(%arg12 : memref<5000x16xf32, #tpu.memory_space<vmem>>) target(%dma_start3A_89 : memref<5000x16xf32, #tpu.memory_space<hbm>>) target_semaphore(%run_scoped3A : memref<!tpu.dma_semaphore, #tpu.memory_space<semaphore_mem>>)
      %dma_wait3A_90 = arith.constant 0 : i32
      %dma_wait3A_91 = tpu.memref_slice %arg10[%mul3A_86, %dma_wait3A_90] : memref<160000x16xf32, #tpu.memory_space<hbm>> -> memref<5000x16xf32, #tpu.memory_space<hbm>>
      %dma_wait3A_92 = arith.constant 0 : i32
      %dma_wait3A_93 = tpu.memref_slice %arg10[%mul3A_86, %dma_wait3A_92] : memref<160000x16xf32, #tpu.memory_space<hbm>> -> memref<5000x16xf32, #tpu.memory_space<hbm>>
      tpu.wait_dma2 semaphore(%run_scoped3A : memref<!tpu.dma_semaphore, #tpu.memory_space<semaphore_mem>>) src(%arg12 : memref<5000x16xf32, #tpu.memory_space<vmem>>) dst(%dma_wait3A_93 : memref<5000x16xf32, #tpu.memory_space<hbm>>)
      tpu.yield
    }) : () -> ()
    return
  }
}

#map = affine_map<(d0, d1) -> (0, 0)>
#map1 = affine_map<(d0, d1) -> (0, 0, 0)>
module attributes {stable_mosaic.version = 14 : i64} {
  func.func @_gather_body(%arg0: i32, %arg1: i32, %arg2: memref<10000x32xf32, #tpu.memory_space<hbm>>, %arg3: memref<32x50x100xi32, #tpu.memory_space<hbm>>, %arg4: memref<160000x32xf32, #tpu.memory_space<hbm>>, %arg5: memref<50x100xi32, #tpu.memory_space<vmem>>, %arg6: memref<1000x32xf32, #tpu.memory_space<vmem>>, %arg7: memref<!tpu.dma_semaphore, #tpu.memory_space<semaphore_mem>>) attributes {dimension_semantics = [#tpu.dimension_semantics<core_parallel>, #tpu.dimension_semantics<subcore_parallel>], iteration_bounds = array<i64: 2, 16>, scalar_prefetch = 0 : i64, scratch_operands = 3 : i64, tpu.core_type = #tpu.core_type<sc_vector_subcore>, window_params = [{transform_indices = #map}, {transform_indices = #map1}, {transform_indices = #map}]} {
    %mul3A = arith.constant 16 : i32
    %mul3A_0 = arith.muli %arg0, %mul3A : i32
    %add3A = arith.addi %mul3A_0, %arg1 : i32
    %mul3A_1 = arith.constant 50 : i32
    %mul3A_2 = arith.muli %add3A, %mul3A_1 : i32
    "tpu.region"() ({
      %run_scoped3A = tpu.sem_alloc : memref<!tpu.dma_semaphore, #tpu.memory_space<semaphore_mem>>
      %dma_start3A = arith.constant 0 : i32
      %dma_start3A_111 = arith.constant 0 : i32
      %dma_start3A_112 = tpu.memref_slice %arg3[%add3A, %dma_start3A, %dma_start3A_111] : memref<32x50x100xi32, #tpu.memory_space<hbm>> -> memref<1x50x100xi32, #tpu.memory_space<hbm>>
      %dma_start3A_113 = tpu.memref_squeeze %dma_start3A_112 : memref<1x50x100xi32, #tpu.memory_space<hbm>> -> memref<50x100xi32, #tpu.memory_space<hbm>>
      %dma_start3A_114 = arith.constant 0 : i32
      %dma_start3A_115 = arith.constant 0 : i32
      %dma_start3A_116 = tpu.memref_slice %arg3[%add3A, %dma_start3A_114, %dma_start3A_115] : memref<32x50x100xi32, #tpu.memory_space<hbm>> -> memref<1x50x100xi32, #tpu.memory_space<hbm>>
      %dma_start3A_117 = tpu.memref_squeeze %dma_start3A_116 : memref<1x50x100xi32, #tpu.memory_space<hbm>> -> memref<50x100xi32, #tpu.memory_space<hbm>>
      tpu.enqueue_dma source(%dma_start3A_117 : memref<50x100xi32, #tpu.memory_space<hbm>>) target(%arg5 : memref<50x100xi32, #tpu.memory_space<vmem>>) target_semaphore(%run_scoped3A : memref<!tpu.dma_semaphore, #tpu.memory_space<semaphore_mem>>)
      %dma_wait3A_118 = arith.constant 0 : i32
      %dma_wait3A_119 = arith.constant 0 : i32
      %dma_wait3A_120 = tpu.memref_slice %arg3[%add3A, %dma_wait3A_118, %dma_wait3A_119] : memref<32x50x100xi32, #tpu.memory_space<hbm>> -> memref<1x50x100xi32, #tpu.memory_space<hbm>>
      %dma_wait3A_121 = tpu.memref_squeeze %dma_wait3A_120 : memref<1x50x100xi32, #tpu.memory_space<hbm>> -> memref<50x100xi32, #tpu.memory_space<hbm>>
      %dma_wait3A_122 = arith.constant 0 : i32
      %dma_wait3A_123 = arith.constant 0 : i32
      %dma_wait3A_124 = tpu.memref_slice %arg3[%add3A, %dma_wait3A_122, %dma_wait3A_123] : memref<32x50x100xi32, #tpu.memory_space<hbm>> -> memref<1x50x100xi32, #tpu.memory_space<hbm>>
      %dma_wait3A_125 = tpu.memref_squeeze %dma_wait3A_124 : memref<1x50x100xi32, #tpu.memory_space<hbm>> -> memref<50x100xi32, #tpu.memory_space<hbm>>
      tpu.wait_dma2 semaphore(%run_scoped3A : memref<!tpu.dma_semaphore, #tpu.memory_space<semaphore_mem>>) src(%dma_wait3A_125 : memref<50x100xi32, #tpu.memory_space<hbm>>) dst(%arg5 : memref<50x100xi32, #tpu.memory_space<vmem>>)
      tpu.yield
    }) : () -> ()
    %scan3A = arith.constant 0 : i32
    %scan3A_3 = arith.constant 0 : i32
    %scan3A_4 = arith.constant 10 : i32
    %scan3A_5 = arith.addi %scan3A_3, %scan3A_4 : i32
    %scan3A_6 = arith.constant 1 : i32
    scf.for %scan3A_111 = %scan3A_3 to %scan3A_5 step %scan3A_6  : i32 {
      %add3A_112 = arith.constant 0 : i32
      %add3A_113 = arith.addi %add3A_112, %scan3A_111 : i32
      %mul3A_114 = arith.constant 100 : i32
      %mul3A_115 = arith.muli %scan3A_111, %mul3A_114 : i32
      %dma_start3A = arith.constant 0 : i32
      %dma_start3A_116 = tpu.memref_slice %arg6[%mul3A_115, %dma_start3A] : memref<1000x32xf32, #tpu.memory_space<vmem>> -> memref<100x32xf32, #tpu.memory_space<vmem>>
      %dma_start3A_117 = arith.constant 0 : i32
      %dma_start3A_118 = tpu.memref_slice %arg5[%add3A_113, %dma_start3A_117] : memref<50x100xi32, #tpu.memory_space<vmem>> -> memref<1x100xi32, #tpu.memory_space<vmem>>
      %dma_start3A_119 = tpu.memref_squeeze %dma_start3A_118 : memref<1x100xi32, #tpu.memory_space<vmem>> -> memref<100xi32, #tpu.memory_space<vmem>>
      %dma_start3A_120 = arith.constant 0 : i32
      %dma_start3A_121 = arith.constant 0 : i32
      %dma_start3A_122 = tpu.memref_slice %arg2[%dma_start3A_120, %dma_start3A_121] : memref<10000x32xf32, #tpu.memory_space<hbm>> -> memref<10000x32xf32, #tpu.memory_space<hbm>>
      tpu.enqueue_indirect_dma source(%dma_start3A_122 : memref<10000x32xf32, #tpu.memory_space<hbm>>) target(%dma_start3A_116 : memref<100x32xf32, #tpu.memory_space<vmem>>) offsets(%dma_start3A_119 : memref<100xi32, #tpu.memory_space<vmem>>) semaphore(%arg7 : memref<!tpu.dma_semaphore, #tpu.memory_space<semaphore_mem>>)
    }
    %scan3A_7 = arith.constant 10 : i32
    %dma_wait3A = arith.constant 0 : i32
    %dma_wait3A_8 = arith.constant 0 : i32
    %dma_wait3A_9 = tpu.memref_slice %arg6[%dma_wait3A, %dma_wait3A_8] : memref<1000x32xf32, #tpu.memory_space<vmem>> -> memref<1000x32xf32, #tpu.memory_space<vmem>>
    %dma_wait3A_10 = arith.constant 0 : i32
    %dma_wait3A_11 = arith.constant 0 : i32
    %dma_wait3A_12 = tpu.memref_slice %arg2[%dma_wait3A_10, %dma_wait3A_11] : memref<10000x32xf32, #tpu.memory_space<hbm>> -> memref<1000x32xf32, #tpu.memory_space<hbm>>
    %dma_wait3A_13 = arith.constant 0 : i32
    %dma_wait3A_14 = arith.constant 0 : i32
    %dma_wait3A_15 = tpu.memref_slice %arg6[%dma_wait3A_13, %dma_wait3A_14] : memref<1000x32xf32, #tpu.memory_space<vmem>> -> memref<1000x32xf32, #tpu.memory_space<vmem>>
    %dma_wait3A_16 = arith.constant 0 : i32
    %dma_wait3A_17 = arith.constant 0 : i32
    %dma_wait3A_18 = tpu.memref_slice %arg2[%dma_wait3A_16, %dma_wait3A_17] : memref<10000x32xf32, #tpu.memory_space<hbm>> -> memref<1000x32xf32, #tpu.memory_space<hbm>>
    tpu.wait_dma2 semaphore(%arg7 : memref<!tpu.dma_semaphore, #tpu.memory_space<semaphore_mem>>) src(%dma_wait3A_18 : memref<1000x32xf32, #tpu.memory_space<hbm>>) dst(%dma_wait3A_15 : memref<1000x32xf32, #tpu.memory_space<vmem>>)
    %add3A_19 = arith.constant 0 : i32
    %add3A_20 = arith.addi %mul3A_2, %add3A_19 : i32
    %mul3A_21 = arith.constant 100 : i32
    %mul3A_22 = arith.muli %add3A_20, %mul3A_21 : i32
    "tpu.region"() ({
      %run_scoped3A = tpu.sem_alloc : memref<!tpu.dma_semaphore, #tpu.memory_space<semaphore_mem>>
      %dma_start3A = arith.constant 0 : i32
      %dma_start3A_111 = arith.constant 0 : i32
      %dma_start3A_112 = tpu.memref_slice %arg6[%dma_start3A, %dma_start3A_111] : memref<1000x32xf32, #tpu.memory_space<vmem>> -> memref<1000x32xf32, #tpu.memory_space<vmem>>
      %dma_start3A_113 = arith.constant 0 : i32
      %dma_start3A_114 = tpu.memref_slice %arg4[%mul3A_22, %dma_start3A_113] : memref<160000x32xf32, #tpu.memory_space<hbm>> -> memref<1000x32xf32, #tpu.memory_space<hbm>>
      %dma_start3A_115 = arith.constant 0 : i32
      %dma_start3A_116 = tpu.memref_slice %arg4[%mul3A_22, %dma_start3A_115] : memref<160000x32xf32, #tpu.memory_space<hbm>> -> memref<1000x32xf32, #tpu.memory_space<hbm>>
      %dma_start3A_117 = arith.constant 0 : i32
      %dma_start3A_118 = arith.constant 0 : i32
      %dma_start3A_119 = tpu.memref_slice %arg6[%dma_start3A_117, %dma_start3A_118] : memref<1000x32xf32, #tpu.memory_space<vmem>> -> memref<1000x32xf32, #tpu.memory_space<vmem>>
      tpu.enqueue_dma source(%dma_start3A_119 : memref<1000x32xf32, #tpu.memory_space<vmem>>) target(%dma_start3A_116 : memref<1000x32xf32, #tpu.memory_space<hbm>>) target_semaphore(%run_scoped3A : memref<!tpu.dma_semaphore, #tpu.memory_space<semaphore_mem>>)
      %dma_wait3A_120 = arith.constant 0 : i32
      %dma_wait3A_121 = arith.constant 0 : i32
      %dma_wait3A_122 = tpu.memref_slice %arg6[%dma_wait3A_120, %dma_wait3A_121] : memref<1000x32xf32, #tpu.memory_space<vmem>> -> memref<1000x32xf32, #tpu.memory_space<vmem>>
      %dma_wait3A_123 = arith.constant 0 : i32
      %dma_wait3A_124 = tpu.memref_slice %arg4[%mul3A_22, %dma_wait3A_123] : memref<160000x32xf32, #tpu.memory_space<hbm>> -> memref<1000x32xf32, #tpu.memory_space<hbm>>
      %dma_wait3A_125 = arith.constant 0 : i32
      %dma_wait3A_126 = tpu.memref_slice %arg4[%mul3A_22, %dma_wait3A_125] : memref<160000x32xf32, #tpu.memory_space<hbm>> -> memref<1000x32xf32, #tpu.memory_space<hbm>>
      %dma_wait3A_127 = arith.constant 0 : i32
      %dma_wait3A_128 = arith.constant 0 : i32
      %dma_wait3A_129 = tpu.memref_slice %arg6[%dma_wait3A_127, %dma_wait3A_128] : memref<1000x32xf32, #tpu.memory_space<vmem>> -> memref<1000x32xf32, #tpu.memory_space<vmem>>
      tpu.wait_dma2 semaphore(%run_scoped3A : memref<!tpu.dma_semaphore, #tpu.memory_space<semaphore_mem>>) src(%dma_wait3A_129 : memref<1000x32xf32, #tpu.memory_space<vmem>>) dst(%dma_wait3A_126 : memref<1000x32xf32, #tpu.memory_space<hbm>>)
      tpu.yield
    }) : () -> ()
    %scan3A_23 = arith.constant 0 : i32
    %scan3A_24 = arith.constant 0 : i32
    %scan3A_25 = arith.constant 10 : i32
    %scan3A_26 = arith.addi %scan3A_24, %scan3A_25 : i32
    %scan3A_27 = arith.constant 1 : i32
    scf.for %scan3A_111 = %scan3A_24 to %scan3A_26 step %scan3A_27  : i32 {
      %add3A_112 = arith.constant 10 : i32
      %add3A_113 = arith.addi %add3A_112, %scan3A_111 : i32
      %mul3A_114 = arith.constant 100 : i32
      %mul3A_115 = arith.muli %scan3A_111, %mul3A_114 : i32
      %dma_start3A = arith.constant 0 : i32
      %dma_start3A_116 = tpu.memref_slice %arg6[%mul3A_115, %dma_start3A] : memref<1000x32xf32, #tpu.memory_space<vmem>> -> memref<100x32xf32, #tpu.memory_space<vmem>>
      %dma_start3A_117 = arith.constant 0 : i32
      %dma_start3A_118 = tpu.memref_slice %arg5[%add3A_113, %dma_start3A_117] : memref<50x100xi32, #tpu.memory_space<vmem>> -> memref<1x100xi32, #tpu.memory_space<vmem>>
      %dma_start3A_119 = tpu.memref_squeeze %dma_start3A_118 : memref<1x100xi32, #tpu.memory_space<vmem>> -> memref<100xi32, #tpu.memory_space<vmem>>
      %dma_start3A_120 = arith.constant 0 : i32
      %dma_start3A_121 = arith.constant 0 : i32
      %dma_start3A_122 = tpu.memref_slice %arg2[%dma_start3A_120, %dma_start3A_121] : memref<10000x32xf32, #tpu.memory_space<hbm>> -> memref<10000x32xf32, #tpu.memory_space<hbm>>
      tpu.enqueue_indirect_dma source(%dma_start3A_122 : memref<10000x32xf32, #tpu.memory_space<hbm>>) target(%dma_start3A_116 : memref<100x32xf32, #tpu.memory_space<vmem>>) offsets(%dma_start3A_119 : memref<100xi32, #tpu.memory_space<vmem>>) semaphore(%arg7 : memref<!tpu.dma_semaphore, #tpu.memory_space<semaphore_mem>>)
    }
    %scan3A_28 = arith.constant 10 : i32
    %dma_wait3A_29 = arith.constant 0 : i32
    %dma_wait3A_30 = arith.constant 0 : i32
    %dma_wait3A_31 = tpu.memref_slice %arg6[%dma_wait3A_29, %dma_wait3A_30] : memref<1000x32xf32, #tpu.memory_space<vmem>> -> memref<1000x32xf32, #tpu.memory_space<vmem>>
    %dma_wait3A_32 = arith.constant 0 : i32
    %dma_wait3A_33 = arith.constant 0 : i32
    %dma_wait3A_34 = tpu.memref_slice %arg2[%dma_wait3A_32, %dma_wait3A_33] : memref<10000x32xf32, #tpu.memory_space<hbm>> -> memref<1000x32xf32, #tpu.memory_space<hbm>>
    %dma_wait3A_35 = arith.constant 0 : i32
    %dma_wait3A_36 = arith.constant 0 : i32
    %dma_wait3A_37 = tpu.memref_slice %arg6[%dma_wait3A_35, %dma_wait3A_36] : memref<1000x32xf32, #tpu.memory_space<vmem>> -> memref<1000x32xf32, #tpu.memory_space<vmem>>
    %dma_wait3A_38 = arith.constant 0 : i32
    %dma_wait3A_39 = arith.constant 0 : i32
    %dma_wait3A_40 = tpu.memref_slice %arg2[%dma_wait3A_38, %dma_wait3A_39] : memref<10000x32xf32, #tpu.memory_space<hbm>> -> memref<1000x32xf32, #tpu.memory_space<hbm>>
    tpu.wait_dma2 semaphore(%arg7 : memref<!tpu.dma_semaphore, #tpu.memory_space<semaphore_mem>>) src(%dma_wait3A_40 : memref<1000x32xf32, #tpu.memory_space<hbm>>) dst(%dma_wait3A_37 : memref<1000x32xf32, #tpu.memory_space<vmem>>)
    %add3A_41 = arith.constant 10 : i32
    %add3A_42 = arith.addi %mul3A_2, %add3A_41 : i32
    %mul3A_43 = arith.constant 100 : i32
    %mul3A_44 = arith.muli %add3A_42, %mul3A_43 : i32
    "tpu.region"() ({
      %run_scoped3A = tpu.sem_alloc : memref<!tpu.dma_semaphore, #tpu.memory_space<semaphore_mem>>
      %dma_start3A = arith.constant 0 : i32
      %dma_start3A_111 = arith.constant 0 : i32
      %dma_start3A_112 = tpu.memref_slice %arg6[%dma_start3A, %dma_start3A_111] : memref<1000x32xf32, #tpu.memory_space<vmem>> -> memref<1000x32xf32, #tpu.memory_space<vmem>>
      %dma_start3A_113 = arith.constant 0 : i32
      %dma_start3A_114 = tpu.memref_slice %arg4[%mul3A_44, %dma_start3A_113] : memref<160000x32xf32, #tpu.memory_space<hbm>> -> memref<1000x32xf32, #tpu.memory_space<hbm>>
      %dma_start3A_115 = arith.constant 0 : i32
      %dma_start3A_116 = tpu.memref_slice %arg4[%mul3A_44, %dma_start3A_115] : memref<160000x32xf32, #tpu.memory_space<hbm>> -> memref<1000x32xf32, #tpu.memory_space<hbm>>
      %dma_start3A_117 = arith.constant 0 : i32
      %dma_start3A_118 = arith.constant 0 : i32
      %dma_start3A_119 = tpu.memref_slice %arg6[%dma_start3A_117, %dma_start3A_118] : memref<1000x32xf32, #tpu.memory_space<vmem>> -> memref<1000x32xf32, #tpu.memory_space<vmem>>
      tpu.enqueue_dma source(%dma_start3A_119 : memref<1000x32xf32, #tpu.memory_space<vmem>>) target(%dma_start3A_116 : memref<1000x32xf32, #tpu.memory_space<hbm>>) target_semaphore(%run_scoped3A : memref<!tpu.dma_semaphore, #tpu.memory_space<semaphore_mem>>)
      %dma_wait3A_120 = arith.constant 0 : i32
      %dma_wait3A_121 = arith.constant 0 : i32
      %dma_wait3A_122 = tpu.memref_slice %arg6[%dma_wait3A_120, %dma_wait3A_121] : memref<1000x32xf32, #tpu.memory_space<vmem>> -> memref<1000x32xf32, #tpu.memory_space<vmem>>
      %dma_wait3A_123 = arith.constant 0 : i32
      %dma_wait3A_124 = tpu.memref_slice %arg4[%mul3A_44, %dma_wait3A_123] : memref<160000x32xf32, #tpu.memory_space<hbm>> -> memref<1000x32xf32, #tpu.memory_space<hbm>>
      %dma_wait3A_125 = arith.constant 0 : i32
      %dma_wait3A_126 = tpu.memref_slice %arg4[%mul3A_44, %dma_wait3A_125] : memref<160000x32xf32, #tpu.memory_space<hbm>> -> memref<1000x32xf32, #tpu.memory_space<hbm>>
      %dma_wait3A_127 = arith.constant 0 : i32
      %dma_wait3A_128 = arith.constant 0 : i32
      %dma_wait3A_129 = tpu.memref_slice %arg6[%dma_wait3A_127, %dma_wait3A_128] : memref<1000x32xf32, #tpu.memory_space<vmem>> -> memref<1000x32xf32, #tpu.memory_space<vmem>>
      tpu.wait_dma2 semaphore(%run_scoped3A : memref<!tpu.dma_semaphore, #tpu.memory_space<semaphore_mem>>) src(%dma_wait3A_129 : memref<1000x32xf32, #tpu.memory_space<vmem>>) dst(%dma_wait3A_126 : memref<1000x32xf32, #tpu.memory_space<hbm>>)
      tpu.yield
    }) : () -> ()
    %scan3A_45 = arith.constant 0 : i32
    %scan3A_46 = arith.constant 0 : i32
    %scan3A_47 = arith.constant 10 : i32
    %scan3A_48 = arith.addi %scan3A_46, %scan3A_47 : i32
    %scan3A_49 = arith.constant 1 : i32
    scf.for %scan3A_111 = %scan3A_46 to %scan3A_48 step %scan3A_49  : i32 {
      %add3A_112 = arith.constant 20 : i32
      %add3A_113 = arith.addi %add3A_112, %scan3A_111 : i32
      %mul3A_114 = arith.constant 100 : i32
      %mul3A_115 = arith.muli %scan3A_111, %mul3A_114 : i32
      %dma_start3A = arith.constant 0 : i32
      %dma_start3A_116 = tpu.memref_slice %arg6[%mul3A_115, %dma_start3A] : memref<1000x32xf32, #tpu.memory_space<vmem>> -> memref<100x32xf32, #tpu.memory_space<vmem>>
      %dma_start3A_117 = arith.constant 0 : i32
      %dma_start3A_118 = tpu.memref_slice %arg5[%add3A_113, %dma_start3A_117] : memref<50x100xi32, #tpu.memory_space<vmem>> -> memref<1x100xi32, #tpu.memory_space<vmem>>
      %dma_start3A_119 = tpu.memref_squeeze %dma_start3A_118 : memref<1x100xi32, #tpu.memory_space<vmem>> -> memref<100xi32, #tpu.memory_space<vmem>>
      %dma_start3A_120 = arith.constant 0 : i32
      %dma_start3A_121 = arith.constant 0 : i32
      %dma_start3A_122 = tpu.memref_slice %arg2[%dma_start3A_120, %dma_start3A_121] : memref<10000x32xf32, #tpu.memory_space<hbm>> -> memref<10000x32xf32, #tpu.memory_space<hbm>>
      tpu.enqueue_indirect_dma source(%dma_start3A_122 : memref<10000x32xf32, #tpu.memory_space<hbm>>) target(%dma_start3A_116 : memref<100x32xf32, #tpu.memory_space<vmem>>) offsets(%dma_start3A_119 : memref<100xi32, #tpu.memory_space<vmem>>) semaphore(%arg7 : memref<!tpu.dma_semaphore, #tpu.memory_space<semaphore_mem>>)
    }
    %scan3A_50 = arith.constant 10 : i32
    %dma_wait3A_51 = arith.constant 0 : i32
    %dma_wait3A_52 = arith.constant 0 : i32
    %dma_wait3A_53 = tpu.memref_slice %arg6[%dma_wait3A_51, %dma_wait3A_52] : memref<1000x32xf32, #tpu.memory_space<vmem>> -> memref<1000x32xf32, #tpu.memory_space<vmem>>
    %dma_wait3A_54 = arith.constant 0 : i32
    %dma_wait3A_55 = arith.constant 0 : i32
    %dma_wait3A_56 = tpu.memref_slice %arg2[%dma_wait3A_54, %dma_wait3A_55] : memref<10000x32xf32, #tpu.memory_space<hbm>> -> memref<1000x32xf32, #tpu.memory_space<hbm>>
    %dma_wait3A_57 = arith.constant 0 : i32
    %dma_wait3A_58 = arith.constant 0 : i32
    %dma_wait3A_59 = tpu.memref_slice %arg6[%dma_wait3A_57, %dma_wait3A_58] : memref<1000x32xf32, #tpu.memory_space<vmem>> -> memref<1000x32xf32, #tpu.memory_space<vmem>>
    %dma_wait3A_60 = arith.constant 0 : i32
    %dma_wait3A_61 = arith.constant 0 : i32
    %dma_wait3A_62 = tpu.memref_slice %arg2[%dma_wait3A_60, %dma_wait3A_61] : memref<10000x32xf32, #tpu.memory_space<hbm>> -> memref<1000x32xf32, #tpu.memory_space<hbm>>
    tpu.wait_dma2 semaphore(%arg7 : memref<!tpu.dma_semaphore, #tpu.memory_space<semaphore_mem>>) src(%dma_wait3A_62 : memref<1000x32xf32, #tpu.memory_space<hbm>>) dst(%dma_wait3A_59 : memref<1000x32xf32, #tpu.memory_space<vmem>>)
    %add3A_63 = arith.constant 20 : i32
    %add3A_64 = arith.addi %mul3A_2, %add3A_63 : i32
    %mul3A_65 = arith.constant 100 : i32
    %mul3A_66 = arith.muli %add3A_64, %mul3A_65 : i32
    "tpu.region"() ({
      %run_scoped3A = tpu.sem_alloc : memref<!tpu.dma_semaphore, #tpu.memory_space<semaphore_mem>>
      %dma_start3A = arith.constant 0 : i32
      %dma_start3A_111 = arith.constant 0 : i32
      %dma_start3A_112 = tpu.memref_slice %arg6[%dma_start3A, %dma_start3A_111] : memref<1000x32xf32, #tpu.memory_space<vmem>> -> memref<1000x32xf32, #tpu.memory_space<vmem>>
      %dma_start3A_113 = arith.constant 0 : i32
      %dma_start3A_114 = tpu.memref_slice %arg4[%mul3A_66, %dma_start3A_113] : memref<160000x32xf32, #tpu.memory_space<hbm>> -> memref<1000x32xf32, #tpu.memory_space<hbm>>
      %dma_start3A_115 = arith.constant 0 : i32
      %dma_start3A_116 = tpu.memref_slice %arg4[%mul3A_66, %dma_start3A_115] : memref<160000x32xf32, #tpu.memory_space<hbm>> -> memref<1000x32xf32, #tpu.memory_space<hbm>>
      %dma_start3A_117 = arith.constant 0 : i32
      %dma_start3A_118 = arith.constant 0 : i32
      %dma_start3A_119 = tpu.memref_slice %arg6[%dma_start3A_117, %dma_start3A_118] : memref<1000x32xf32, #tpu.memory_space<vmem>> -> memref<1000x32xf32, #tpu.memory_space<vmem>>
      tpu.enqueue_dma source(%dma_start3A_119 : memref<1000x32xf32, #tpu.memory_space<vmem>>) target(%dma_start3A_116 : memref<1000x32xf32, #tpu.memory_space<hbm>>) target_semaphore(%run_scoped3A : memref<!tpu.dma_semaphore, #tpu.memory_space<semaphore_mem>>)
      %dma_wait3A_120 = arith.constant 0 : i32
      %dma_wait3A_121 = arith.constant 0 : i32
      %dma_wait3A_122 = tpu.memref_slice %arg6[%dma_wait3A_120, %dma_wait3A_121] : memref<1000x32xf32, #tpu.memory_space<vmem>> -> memref<1000x32xf32, #tpu.memory_space<vmem>>
      %dma_wait3A_123 = arith.constant 0 : i32
      %dma_wait3A_124 = tpu.memref_slice %arg4[%mul3A_66, %dma_wait3A_123] : memref<160000x32xf32, #tpu.memory_space<hbm>> -> memref<1000x32xf32, #tpu.memory_space<hbm>>
      %dma_wait3A_125 = arith.constant 0 : i32
      %dma_wait3A_126 = tpu.memref_slice %arg4[%mul3A_66, %dma_wait3A_125] : memref<160000x32xf32, #tpu.memory_space<hbm>> -> memref<1000x32xf32, #tpu.memory_space<hbm>>
      %dma_wait3A_127 = arith.constant 0 : i32
      %dma_wait3A_128 = arith.constant 0 : i32
      %dma_wait3A_129 = tpu.memref_slice %arg6[%dma_wait3A_127, %dma_wait3A_128] : memref<1000x32xf32, #tpu.memory_space<vmem>> -> memref<1000x32xf32, #tpu.memory_space<vmem>>
      tpu.wait_dma2 semaphore(%run_scoped3A : memref<!tpu.dma_semaphore, #tpu.memory_space<semaphore_mem>>) src(%dma_wait3A_129 : memref<1000x32xf32, #tpu.memory_space<vmem>>) dst(%dma_wait3A_126 : memref<1000x32xf32, #tpu.memory_space<hbm>>)
      tpu.yield
    }) : () -> ()
    %scan3A_67 = arith.constant 0 : i32
    %scan3A_68 = arith.constant 0 : i32
    %scan3A_69 = arith.constant 10 : i32
    %scan3A_70 = arith.addi %scan3A_68, %scan3A_69 : i32
    %scan3A_71 = arith.constant 1 : i32
    scf.for %scan3A_111 = %scan3A_68 to %scan3A_70 step %scan3A_71  : i32 {
      %add3A_112 = arith.constant 30 : i32
      %add3A_113 = arith.addi %add3A_112, %scan3A_111 : i32
      %mul3A_114 = arith.constant 100 : i32
      %mul3A_115 = arith.muli %scan3A_111, %mul3A_114 : i32
      %dma_start3A = arith.constant 0 : i32
      %dma_start3A_116 = tpu.memref_slice %arg6[%mul3A_115, %dma_start3A] : memref<1000x32xf32, #tpu.memory_space<vmem>> -> memref<100x32xf32, #tpu.memory_space<vmem>>
      %dma_start3A_117 = arith.constant 0 : i32
      %dma_start3A_118 = tpu.memref_slice %arg5[%add3A_113, %dma_start3A_117] : memref<50x100xi32, #tpu.memory_space<vmem>> -> memref<1x100xi32, #tpu.memory_space<vmem>>
      %dma_start3A_119 = tpu.memref_squeeze %dma_start3A_118 : memref<1x100xi32, #tpu.memory_space<vmem>> -> memref<100xi32, #tpu.memory_space<vmem>>
      %dma_start3A_120 = arith.constant 0 : i32
      %dma_start3A_121 = arith.constant 0 : i32
      %dma_start3A_122 = tpu.memref_slice %arg2[%dma_start3A_120, %dma_start3A_121] : memref<10000x32xf32, #tpu.memory_space<hbm>> -> memref<10000x32xf32, #tpu.memory_space<hbm>>
      tpu.enqueue_indirect_dma source(%dma_start3A_122 : memref<10000x32xf32, #tpu.memory_space<hbm>>) target(%dma_start3A_116 : memref<100x32xf32, #tpu.memory_space<vmem>>) offsets(%dma_start3A_119 : memref<100xi32, #tpu.memory_space<vmem>>) semaphore(%arg7 : memref<!tpu.dma_semaphore, #tpu.memory_space<semaphore_mem>>)
    }
    %scan3A_72 = arith.constant 10 : i32
    %dma_wait3A_73 = arith.constant 0 : i32
    %dma_wait3A_74 = arith.constant 0 : i32
    %dma_wait3A_75 = tpu.memref_slice %arg6[%dma_wait3A_73, %dma_wait3A_74] : memref<1000x32xf32, #tpu.memory_space<vmem>> -> memref<1000x32xf32, #tpu.memory_space<vmem>>
    %dma_wait3A_76 = arith.constant 0 : i32
    %dma_wait3A_77 = arith.constant 0 : i32
    %dma_wait3A_78 = tpu.memref_slice %arg2[%dma_wait3A_76, %dma_wait3A_77] : memref<10000x32xf32, #tpu.memory_space<hbm>> -> memref<1000x32xf32, #tpu.memory_space<hbm>>
    %dma_wait3A_79 = arith.constant 0 : i32
    %dma_wait3A_80 = arith.constant 0 : i32
    %dma_wait3A_81 = tpu.memref_slice %arg6[%dma_wait3A_79, %dma_wait3A_80] : memref<1000x32xf32, #tpu.memory_space<vmem>> -> memref<1000x32xf32, #tpu.memory_space<vmem>>
    %dma_wait3A_82 = arith.constant 0 : i32
    %dma_wait3A_83 = arith.constant 0 : i32
    %dma_wait3A_84 = tpu.memref_slice %arg2[%dma_wait3A_82, %dma_wait3A_83] : memref<10000x32xf32, #tpu.memory_space<hbm>> -> memref<1000x32xf32, #tpu.memory_space<hbm>>
    tpu.wait_dma2 semaphore(%arg7 : memref<!tpu.dma_semaphore, #tpu.memory_space<semaphore_mem>>) src(%dma_wait3A_84 : memref<1000x32xf32, #tpu.memory_space<hbm>>) dst(%dma_wait3A_81 : memref<1000x32xf32, #tpu.memory_space<vmem>>)
    %add3A_85 = arith.constant 30 : i32
    %add3A_86 = arith.addi %mul3A_2, %add3A_85 : i32
    %mul3A_87 = arith.constant 100 : i32
    %mul3A_88 = arith.muli %add3A_86, %mul3A_87 : i32
    "tpu.region"() ({
      %run_scoped3A = tpu.sem_alloc : memref<!tpu.dma_semaphore, #tpu.memory_space<semaphore_mem>>
      %dma_start3A = arith.constant 0 : i32
      %dma_start3A_111 = arith.constant 0 : i32
      %dma_start3A_112 = tpu.memref_slice %arg6[%dma_start3A, %dma_start3A_111] : memref<1000x32xf32, #tpu.memory_space<vmem>> -> memref<1000x32xf32, #tpu.memory_space<vmem>>
      %dma_start3A_113 = arith.constant 0 : i32
      %dma_start3A_114 = tpu.memref_slice %arg4[%mul3A_88, %dma_start3A_113] : memref<160000x32xf32, #tpu.memory_space<hbm>> -> memref<1000x32xf32, #tpu.memory_space<hbm>>
      %dma_start3A_115 = arith.constant 0 : i32
      %dma_start3A_116 = tpu.memref_slice %arg4[%mul3A_88, %dma_start3A_115] : memref<160000x32xf32, #tpu.memory_space<hbm>> -> memref<1000x32xf32, #tpu.memory_space<hbm>>
      %dma_start3A_117 = arith.constant 0 : i32
      %dma_start3A_118 = arith.constant 0 : i32
      %dma_start3A_119 = tpu.memref_slice %arg6[%dma_start3A_117, %dma_start3A_118] : memref<1000x32xf32, #tpu.memory_space<vmem>> -> memref<1000x32xf32, #tpu.memory_space<vmem>>
      tpu.enqueue_dma source(%dma_start3A_119 : memref<1000x32xf32, #tpu.memory_space<vmem>>) target(%dma_start3A_116 : memref<1000x32xf32, #tpu.memory_space<hbm>>) target_semaphore(%run_scoped3A : memref<!tpu.dma_semaphore, #tpu.memory_space<semaphore_mem>>)
      %dma_wait3A_120 = arith.constant 0 : i32
      %dma_wait3A_121 = arith.constant 0 : i32
      %dma_wait3A_122 = tpu.memref_slice %arg6[%dma_wait3A_120, %dma_wait3A_121] : memref<1000x32xf32, #tpu.memory_space<vmem>> -> memref<1000x32xf32, #tpu.memory_space<vmem>>
      %dma_wait3A_123 = arith.constant 0 : i32
      %dma_wait3A_124 = tpu.memref_slice %arg4[%mul3A_88, %dma_wait3A_123] : memref<160000x32xf32, #tpu.memory_space<hbm>> -> memref<1000x32xf32, #tpu.memory_space<hbm>>
      %dma_wait3A_125 = arith.constant 0 : i32
      %dma_wait3A_126 = tpu.memref_slice %arg4[%mul3A_88, %dma_wait3A_125] : memref<160000x32xf32, #tpu.memory_space<hbm>> -> memref<1000x32xf32, #tpu.memory_space<hbm>>
      %dma_wait3A_127 = arith.constant 0 : i32
      %dma_wait3A_128 = arith.constant 0 : i32
      %dma_wait3A_129 = tpu.memref_slice %arg6[%dma_wait3A_127, %dma_wait3A_128] : memref<1000x32xf32, #tpu.memory_space<vmem>> -> memref<1000x32xf32, #tpu.memory_space<vmem>>
      tpu.wait_dma2 semaphore(%run_scoped3A : memref<!tpu.dma_semaphore, #tpu.memory_space<semaphore_mem>>) src(%dma_wait3A_129 : memref<1000x32xf32, #tpu.memory_space<vmem>>) dst(%dma_wait3A_126 : memref<1000x32xf32, #tpu.memory_space<hbm>>)
      tpu.yield
    }) : () -> ()
    %scan3A_89 = arith.constant 0 : i32
    %scan3A_90 = arith.constant 0 : i32
    %scan3A_91 = arith.constant 10 : i32
    %scan3A_92 = arith.addi %scan3A_90, %scan3A_91 : i32
    %scan3A_93 = arith.constant 1 : i32
    scf.for %scan3A_111 = %scan3A_90 to %scan3A_92 step %scan3A_93  : i32 {
      %add3A_112 = arith.constant 40 : i32
      %add3A_113 = arith.addi %add3A_112, %scan3A_111 : i32
      %mul3A_114 = arith.constant 100 : i32
      %mul3A_115 = arith.muli %scan3A_111, %mul3A_114 : i32
      %dma_start3A = arith.constant 0 : i32
      %dma_start3A_116 = tpu.memref_slice %arg6[%mul3A_115, %dma_start3A] : memref<1000x32xf32, #tpu.memory_space<vmem>> -> memref<100x32xf32, #tpu.memory_space<vmem>>
      %dma_start3A_117 = arith.constant 0 : i32
      %dma_start3A_118 = tpu.memref_slice %arg5[%add3A_113, %dma_start3A_117] : memref<50x100xi32, #tpu.memory_space<vmem>> -> memref<1x100xi32, #tpu.memory_space<vmem>>
      %dma_start3A_119 = tpu.memref_squeeze %dma_start3A_118 : memref<1x100xi32, #tpu.memory_space<vmem>> -> memref<100xi32, #tpu.memory_space<vmem>>
      %dma_start3A_120 = arith.constant 0 : i32
      %dma_start3A_121 = arith.constant 0 : i32
      %dma_start3A_122 = tpu.memref_slice %arg2[%dma_start3A_120, %dma_start3A_121] : memref<10000x32xf32, #tpu.memory_space<hbm>> -> memref<10000x32xf32, #tpu.memory_space<hbm>>
      tpu.enqueue_indirect_dma source(%dma_start3A_122 : memref<10000x32xf32, #tpu.memory_space<hbm>>) target(%dma_start3A_116 : memref<100x32xf32, #tpu.memory_space<vmem>>) offsets(%dma_start3A_119 : memref<100xi32, #tpu.memory_space<vmem>>) semaphore(%arg7 : memref<!tpu.dma_semaphore, #tpu.memory_space<semaphore_mem>>)
    }
    %scan3A_94 = arith.constant 10 : i32
    %dma_wait3A_95 = arith.constant 0 : i32
    %dma_wait3A_96 = arith.constant 0 : i32
    %dma_wait3A_97 = tpu.memref_slice %arg6[%dma_wait3A_95, %dma_wait3A_96] : memref<1000x32xf32, #tpu.memory_space<vmem>> -> memref<1000x32xf32, #tpu.memory_space<vmem>>
    %dma_wait3A_98 = arith.constant 0 : i32
    %dma_wait3A_99 = arith.constant 0 : i32
    %dma_wait3A_100 = tpu.memref_slice %arg2[%dma_wait3A_98, %dma_wait3A_99] : memref<10000x32xf32, #tpu.memory_space<hbm>> -> memref<1000x32xf32, #tpu.memory_space<hbm>>
    %dma_wait3A_101 = arith.constant 0 : i32
    %dma_wait3A_102 = arith.constant 0 : i32
    %dma_wait3A_103 = tpu.memref_slice %arg6[%dma_wait3A_101, %dma_wait3A_102] : memref<1000x32xf32, #tpu.memory_space<vmem>> -> memref<1000x32xf32, #tpu.memory_space<vmem>>
    %dma_wait3A_104 = arith.constant 0 : i32
    %dma_wait3A_105 = arith.constant 0 : i32
    %dma_wait3A_106 = tpu.memref_slice %arg2[%dma_wait3A_104, %dma_wait3A_105] : memref<10000x32xf32, #tpu.memory_space<hbm>> -> memref<1000x32xf32, #tpu.memory_space<hbm>>
    tpu.wait_dma2 semaphore(%arg7 : memref<!tpu.dma_semaphore, #tpu.memory_space<semaphore_mem>>) src(%dma_wait3A_106 : memref<1000x32xf32, #tpu.memory_space<hbm>>) dst(%dma_wait3A_103 : memref<1000x32xf32, #tpu.memory_space<vmem>>)
    %add3A_107 = arith.constant 40 : i32
    %add3A_108 = arith.addi %mul3A_2, %add3A_107 : i32
    %mul3A_109 = arith.constant 100 : i32
    %mul3A_110 = arith.muli %add3A_108, %mul3A_109 : i32
    "tpu.region"() ({
      %run_scoped3A = tpu.sem_alloc : memref<!tpu.dma_semaphore, #tpu.memory_space<semaphore_mem>>
      %dma_start3A = arith.constant 0 : i32
      %dma_start3A_111 = arith.constant 0 : i32
      %dma_start3A_112 = tpu.memref_slice %arg6[%dma_start3A, %dma_start3A_111] : memref<1000x32xf32, #tpu.memory_space<vmem>> -> memref<1000x32xf32, #tpu.memory_space<vmem>>
      %dma_start3A_113 = arith.constant 0 : i32
      %dma_start3A_114 = tpu.memref_slice %arg4[%mul3A_110, %dma_start3A_113] : memref<160000x32xf32, #tpu.memory_space<hbm>> -> memref<1000x32xf32, #tpu.memory_space<hbm>>
      %dma_start3A_115 = arith.constant 0 : i32
      %dma_start3A_116 = tpu.memref_slice %arg4[%mul3A_110, %dma_start3A_115] : memref<160000x32xf32, #tpu.memory_space<hbm>> -> memref<1000x32xf32, #tpu.memory_space<hbm>>
      %dma_start3A_117 = arith.constant 0 : i32
      %dma_start3A_118 = arith.constant 0 : i32
      %dma_start3A_119 = tpu.memref_slice %arg6[%dma_start3A_117, %dma_start3A_118] : memref<1000x32xf32, #tpu.memory_space<vmem>> -> memref<1000x32xf32, #tpu.memory_space<vmem>>
      tpu.enqueue_dma source(%dma_start3A_119 : memref<1000x32xf32, #tpu.memory_space<vmem>>) target(%dma_start3A_116 : memref<1000x32xf32, #tpu.memory_space<hbm>>) target_semaphore(%run_scoped3A : memref<!tpu.dma_semaphore, #tpu.memory_space<semaphore_mem>>)
      %dma_wait3A_120 = arith.constant 0 : i32
      %dma_wait3A_121 = arith.constant 0 : i32
      %dma_wait3A_122 = tpu.memref_slice %arg6[%dma_wait3A_120, %dma_wait3A_121] : memref<1000x32xf32, #tpu.memory_space<vmem>> -> memref<1000x32xf32, #tpu.memory_space<vmem>>
      %dma_wait3A_123 = arith.constant 0 : i32
      %dma_wait3A_124 = tpu.memref_slice %arg4[%mul3A_110, %dma_wait3A_123] : memref<160000x32xf32, #tpu.memory_space<hbm>> -> memref<1000x32xf32, #tpu.memory_space<hbm>>
      %dma_wait3A_125 = arith.constant 0 : i32
      %dma_wait3A_126 = tpu.memref_slice %arg4[%mul3A_110, %dma_wait3A_125] : memref<160000x32xf32, #tpu.memory_space<hbm>> -> memref<1000x32xf32, #tpu.memory_space<hbm>>
      %dma_wait3A_127 = arith.constant 0 : i32
      %dma_wait3A_128 = arith.constant 0 : i32
      %dma_wait3A_129 = tpu.memref_slice %arg6[%dma_wait3A_127, %dma_wait3A_128] : memref<1000x32xf32, #tpu.memory_space<vmem>> -> memref<1000x32xf32, #tpu.memory_space<vmem>>
      tpu.wait_dma2 semaphore(%run_scoped3A : memref<!tpu.dma_semaphore, #tpu.memory_space<semaphore_mem>>) src(%dma_wait3A_129 : memref<1000x32xf32, #tpu.memory_space<vmem>>) dst(%dma_wait3A_126 : memref<1000x32xf32, #tpu.memory_space<hbm>>)
      tpu.yield
    }) : () -> ()
    return
  }
}

module attributes {stable_mosaic.version = 14 : i64} {
  func.func @_root_kernel(%arg0: memref<10000x32xf32, #tpu.memory_space<vmem>>, %arg1: memref<32x16xf32, #tpu.memory_space<vmem>>, %arg2: memref<1x16xf32, #tpu.memory_space<vmem>>, %arg3: memref<10000x16xf32, #tpu.memory_space<vmem>>) attributes {dimension_semantics = [], scalar_prefetch = 0 : i64, scratch_operands = 0 : i64, tpu.core_type = #tpu.core_type<tc>} {
    %get3A = arith.constant 0 : index
    %get3A_0 = arith.constant 0 : index
    %get3A_1 = vector.load %arg0[%get3A, %get3A_0] : memref<10000x32xf32, #tpu.memory_space<vmem>>, vector<10000x32xf32>
    %get3A_2 = arith.constant 0 : index
    %get3A_3 = arith.constant 0 : index
    %get3A_4 = vector.load %arg1[%get3A_2, %get3A_3] : memref<32x16xf32, #tpu.memory_space<vmem>>, vector<32x16xf32>
    %dot_general3A = arith.constant dense<0.000000e+00> : vector<10000x16xf32>
    %dot_general3A_5 = tpu.matmul %get3A_1, %get3A_4, %dot_general3A {dimension_numbers = #tpu.dot_dimension_numbers<[1], [0], [0], [1], [0, 0, 1, 1], [], []>, transpose_lhs_hint = false} : vector<10000x32xf32>, vector<32x16xf32>, vector<10000x16xf32> -> vector<10000x16xf32>
    %get3A_6 = arith.constant 0 : index
    %get3A_7 = arith.constant 0 : index
    %get3A_8 = vector.load %arg2[%get3A_6, %get3A_7] : memref<1x16xf32, #tpu.memory_space<vmem>>, vector<1x16xf32>
    %add3A = vector.broadcast %get3A_8 : vector<1x16xf32> to vector<10000x16xf32>
    %add3A_9 = arith.addf %dot_general3A_5, %add3A : vector<10000x16xf32>
    %swap3A = arith.constant 0 : index
    %swap3A_10 = arith.constant 0 : index
    %swap3A_11 = vector.load %arg3[%swap3A, %swap3A_10] : memref<10000x16xf32, #tpu.memory_space<vmem>>, vector<10000x16xf32>
    tpu.vector_store %arg3[%swap3A, %swap3A_10], %add3A_9 {strides = array<i32>} : memref<10000x16xf32, #tpu.memory_space<vmem>>, vector<10000x16xf32>,
    return
  }
}

module attributes {stable_mosaic.version = 14 : i64} {
  func.func @_msg_kernel(%arg0: i32, %arg1: memref<16x6400xf32, #tpu.memory_space<vmem>>, %arg2: memref<32x6400xf32, #tpu.memory_space<vmem>>, %arg3: memref<16x16xf32, #tpu.memory_space<vmem>>, %arg4: memref<16x1xf32, #tpu.memory_space<vmem>>, %arg5: memref<256x32xf32, #tpu.memory_space<vmem>>, %arg6: memref<16x32xf32, #tpu.memory_space<vmem>>, %arg7: memref<16x6400xf32, #tpu.memory_space<vmem>>) attributes {dimension_semantics = [#tpu.dimension_semantics<arbitrary>], iteration_bounds = array<i64: 25>, scalar_prefetch = 0 : i64, scratch_operands = 0 : i64, tpu.core_type = #tpu.core_type<tc>, window_params = [{transform_indices = @transform_0, window_bounds = array<i64: 16, 6400>}, {transform_indices = @transform_1, window_bounds = array<i64: 32, 6400>}, {pipeline_mode = #tpu.pipeline_mode<synchronous>, transform_indices = @transform_2, window_bounds = array<i64: 16, 16>}, {pipeline_mode = #tpu.pipeline_mode<synchronous>, transform_indices = @transform_3, window_bounds = array<i64: 16, 1>}, {pipeline_mode = #tpu.pipeline_mode<synchronous>, transform_indices = @transform_4, window_bounds = array<i64: 256, 32>}, {pipeline_mode = #tpu.pipeline_mode<synchronous>, transform_indices = @transform_5, window_bounds = array<i64: 16, 32>}, {transform_indices = @transform_6, window_bounds = array<i64: 16, 6400>}]} {
    %get3A = arith.constant 0 : index
    %get3A_0 = arith.constant 0 : index
    %get3A_1 = vector.load %arg3[%get3A, %get3A_0] : memref<16x16xf32, #tpu.memory_space<vmem>>, vector<16x16xf32>
    %get3A_2 = arith.constant 0 : index
    %get3A_3 = arith.constant 0 : index
    %get3A_4 = vector.load %arg1[%get3A_2, %get3A_3] : memref<16x6400xf32, #tpu.memory_space<vmem>>, vector<16x6400xf32>
    %dot_general3A = arith.constant dense<0.000000e+00> : vector<16x6400xf32>
    %dot_general3A_5 = tpu.matmul %get3A_1, %get3A_4, %dot_general3A {dimension_numbers = #tpu.dot_dimension_numbers<[1], [0], [0], [1], [0, 0, 1, 1], [], []>, transpose_lhs_hint = false} : vector<16x16xf32>, vector<16x6400xf32>, vector<16x6400xf32> -> vector<16x6400xf32>
    %get3A_6 = arith.constant 0 : index
    %get3A_7 = arith.constant 0 : index
    %get3A_8 = vector.load %arg4[%get3A_6, %get3A_7] : memref<16x1xf32, #tpu.memory_space<vmem>>, vector<16x1xf32>
    %add3A = vector.broadcast %get3A_8 : vector<16x1xf32> to vector<16x6400xf32>
    %add3A_9 = arith.addf %dot_general3A_5, %add3A : vector<16x6400xf32>
    %logistic3A = arith.negf %add3A_9 : vector<16x6400xf32>
    %logistic3A_10 = math.exp %logistic3A : vector<16x6400xf32>
    %logistic3A_11 = arith.constant 1.000000e+00 : f32
    %logistic3A_12 = vector.broadcast %logistic3A_11 : f32 to vector<16x6400xf32>
    %logistic3A_13 = arith.addf %logistic3A_12, %logistic3A_10 : vector<16x6400xf32>
    %logistic3A_14 = arith.divf %logistic3A_12, %logistic3A_13 : vector<16x6400xf32>
    %mul3A = arith.mulf %add3A_9, %logistic3A_14 : vector<16x6400xf32>
    %get3A_15 = arith.constant 0 : index
    %get3A_16 = arith.constant 0 : index
    %get3A_17 = vector.load %arg5[%get3A_15, %get3A_16] : memref<256x32xf32, #tpu.memory_space<vmem>>, vector<256x32xf32>
    %get3A_18 = arith.constant 0 : index
    %get3A_19 = arith.constant 0 : index
    %get3A_20 = vector.load %arg2[%get3A_18, %get3A_19] : memref<32x6400xf32, #tpu.memory_space<vmem>>, vector<32x6400xf32>
    %dot_general3A_21 = arith.constant dense<0.000000e+00> : vector<256x6400xf32>
    %dot_general3A_22 = tpu.matmul %get3A_17, %get3A_20, %dot_general3A_21 {dimension_numbers = #tpu.dot_dimension_numbers<[1], [0], [0], [1], [0, 0, 1, 1], [], []>, transpose_lhs_hint = false} : vector<256x32xf32>, vector<32x6400xf32>, vector<256x6400xf32> -> vector<256x6400xf32>
    %get3A_23 = arith.constant 0 : index
    %get3A_24 = arith.constant 0 : index
    %get3A_25 = vector.load %arg6[%get3A_23, %get3A_24] : memref<16x32xf32, #tpu.memory_space<vmem>>, vector<16x32xf32>
    %get3A_26 = arith.constant 0 : index
    %get3A_27 = arith.constant 0 : index
    %get3A_28 = vector.load %arg2[%get3A_26, %get3A_27] : memref<32x6400xf32, #tpu.memory_space<vmem>>, vector<32x6400xf32>
    %dot_general3A_29 = arith.constant dense<0.000000e+00> : vector<16x6400xf32>
    %dot_general3A_30 = tpu.matmul %get3A_25, %get3A_28, %dot_general3A_29 {dimension_numbers = #tpu.dot_dimension_numbers<[1], [0], [0], [1], [0, 0, 1, 1], [], []>, transpose_lhs_hint = false} : vector<16x32xf32>, vector<32x6400xf32>, vector<16x6400xf32> -> vector<16x6400xf32>
    %slice3A = vector.extract_strided_slice %mul3A {offsets = [0, 0], sizes = [1, 6400], strides = [1, 1]} : vector<16x6400xf32> to vector<1x6400xf32>
    %slice3A_31 = vector.extract_strided_slice %dot_general3A_22 {offsets = [0, 0], sizes = [16, 6400], strides = [1, 1]} : vector<256x6400xf32> to vector<16x6400xf32>
    %mul3A_32 = vector.broadcast %slice3A : vector<1x6400xf32> to vector<16x6400xf32>
    %mul3A_33 = arith.mulf %mul3A_32, %slice3A_31 : vector<16x6400xf32>
    %add3A_34 = arith.addf %dot_general3A_30, %mul3A_33 : vector<16x6400xf32>
    %slice3A_35 = vector.extract_strided_slice %mul3A {offsets = [1, 0], sizes = [1, 6400], strides = [1, 1]} : vector<16x6400xf32> to vector<1x6400xf32>
    %slice3A_36 = vector.extract_strided_slice %dot_general3A_22 {offsets = [16, 0], sizes = [16, 6400], strides = [1, 1]} : vector<256x6400xf32> to vector<16x6400xf32>
    %mul3A_37 = vector.broadcast %slice3A_35 : vector<1x6400xf32> to vector<16x6400xf32>
    %mul3A_38 = arith.mulf %mul3A_37, %slice3A_36 : vector<16x6400xf32>
    %add3A_39 = arith.addf %add3A_34, %mul3A_38 : vector<16x6400xf32>
    %slice3A_40 = vector.extract_strided_slice %mul3A {offsets = [2, 0], sizes = [1, 6400], strides = [1, 1]} : vector<16x6400xf32> to vector<1x6400xf32>
    %slice3A_41 = vector.extract_strided_slice %dot_general3A_22 {offsets = [32, 0], sizes = [16, 6400], strides = [1, 1]} : vector<256x6400xf32> to vector<16x6400xf32>
    %mul3A_42 = vector.broadcast %slice3A_40 : vector<1x6400xf32> to vector<16x6400xf32>
    %mul3A_43 = arith.mulf %mul3A_42, %slice3A_41 : vector<16x6400xf32>
    %add3A_44 = arith.addf %add3A_39, %mul3A_43 : vector<16x6400xf32>
    %slice3A_45 = vector.extract_strided_slice %mul3A {offsets = [3, 0], sizes = [1, 6400], strides = [1, 1]} : vector<16x6400xf32> to vector<1x6400xf32>
    %slice3A_46 = vector.extract_strided_slice %dot_general3A_22 {offsets = [48, 0], sizes = [16, 6400], strides = [1, 1]} : vector<256x6400xf32> to vector<16x6400xf32>
    %mul3A_47 = vector.broadcast %slice3A_45 : vector<1x6400xf32> to vector<16x6400xf32>
    %mul3A_48 = arith.mulf %mul3A_47, %slice3A_46 : vector<16x6400xf32>
    %add3A_49 = arith.addf %add3A_44, %mul3A_48 : vector<16x6400xf32>
    %slice3A_50 = vector.extract_strided_slice %mul3A {offsets = [4, 0], sizes = [1, 6400], strides = [1, 1]} : vector<16x6400xf32> to vector<1x6400xf32>
    %slice3A_51 = vector.extract_strided_slice %dot_general3A_22 {offsets = [64, 0], sizes = [16, 6400], strides = [1, 1]} : vector<256x6400xf32> to vector<16x6400xf32>
    %mul3A_52 = vector.broadcast %slice3A_50 : vector<1x6400xf32> to vector<16x6400xf32>
    %mul3A_53 = arith.mulf %mul3A_52, %slice3A_51 : vector<16x6400xf32>
    %add3A_54 = arith.addf %add3A_49, %mul3A_53 : vector<16x6400xf32>
    %slice3A_55 = vector.extract_strided_slice %mul3A {offsets = [5, 0], sizes = [1, 6400], strides = [1, 1]} : vector<16x6400xf32> to vector<1x6400xf32>
    %slice3A_56 = vector.extract_strided_slice %dot_general3A_22 {offsets = [80, 0], sizes = [16, 6400], strides = [1, 1]} : vector<256x6400xf32> to vector<16x6400xf32>
    %mul3A_57 = vector.broadcast %slice3A_55 : vector<1x6400xf32> to vector<16x6400xf32>
    %mul3A_58 = arith.mulf %mul3A_57, %slice3A_56 : vector<16x6400xf32>
    %add3A_59 = arith.addf %add3A_54, %mul3A_58 : vector<16x6400xf32>
    %slice3A_60 = vector.extract_strided_slice %mul3A {offsets = [6, 0], sizes = [1, 6400], strides = [1, 1]} : vector<16x6400xf32> to vector<1x6400xf32>
    %slice3A_61 = vector.extract_strided_slice %dot_general3A_22 {offsets = [96, 0], sizes = [16, 6400], strides = [1, 1]} : vector<256x6400xf32> to vector<16x6400xf32>
    %mul3A_62 = vector.broadcast %slice3A_60 : vector<1x6400xf32> to vector<16x6400xf32>
    %mul3A_63 = arith.mulf %mul3A_62, %slice3A_61 : vector<16x6400xf32>
    %add3A_64 = arith.addf %add3A_59, %mul3A_63 : vector<16x6400xf32>
    %slice3A_65 = vector.extract_strided_slice %mul3A {offsets = [7, 0], sizes = [1, 6400], strides = [1, 1]} : vector<16x6400xf32> to vector<1x6400xf32>
    %slice3A_66 = vector.extract_strided_slice %dot_general3A_22 {offsets = [112, 0], sizes = [16, 6400], strides = [1, 1]} : vector<256x6400xf32> to vector<16x6400xf32>
    %mul3A_67 = vector.broadcast %slice3A_65 : vector<1x6400xf32> to vector<16x6400xf32>
    %mul3A_68 = arith.mulf %mul3A_67, %slice3A_66 : vector<16x6400xf32>
    %add3A_69 = arith.addf %add3A_64, %mul3A_68 : vector<16x6400xf32>
    %slice3A_70 = vector.extract_strided_slice %mul3A {offsets = [8, 0], sizes = [1, 6400], strides = [1, 1]} : vector<16x6400xf32> to vector<1x6400xf32>
    %slice3A_71 = vector.extract_strided_slice %dot_general3A_22 {offsets = [128, 0], sizes = [16, 6400], strides = [1, 1]} : vector<256x6400xf32> to vector<16x6400xf32>
    %mul3A_72 = vector.broadcast %slice3A_70 : vector<1x6400xf32> to vector<16x6400xf32>
    %mul3A_73 = arith.mulf %mul3A_72, %slice3A_71 : vector<16x6400xf32>
    %add3A_74 = arith.addf %add3A_69, %mul3A_73 : vector<16x6400xf32>
    %slice3A_75 = vector.extract_strided_slice %mul3A {offsets = [9, 0], sizes = [1, 6400], strides = [1, 1]} : vector<16x6400xf32> to vector<1x6400xf32>
    %slice3A_76 = vector.extract_strided_slice %dot_general3A_22 {offsets = [144, 0], sizes = [16, 6400], strides = [1, 1]} : vector<256x6400xf32> to vector<16x6400xf32>
    %mul3A_77 = vector.broadcast %slice3A_75 : vector<1x6400xf32> to vector<16x6400xf32>
    %mul3A_78 = arith.mulf %mul3A_77, %slice3A_76 : vector<16x6400xf32>
    %add3A_79 = arith.addf %add3A_74, %mul3A_78 : vector<16x6400xf32>
    %slice3A_80 = vector.extract_strided_slice %mul3A {offsets = [10, 0], sizes = [1, 6400], strides = [1, 1]} : vector<16x6400xf32> to vector<1x6400xf32>
    %slice3A_81 = vector.extract_strided_slice %dot_general3A_22 {offsets = [160, 0], sizes = [16, 6400], strides = [1, 1]} : vector<256x6400xf32> to vector<16x6400xf32>
    %mul3A_82 = vector.broadcast %slice3A_80 : vector<1x6400xf32> to vector<16x6400xf32>
    %mul3A_83 = arith.mulf %mul3A_82, %slice3A_81 : vector<16x6400xf32>
    %add3A_84 = arith.addf %add3A_79, %mul3A_83 : vector<16x6400xf32>
    %slice3A_85 = vector.extract_strided_slice %mul3A {offsets = [11, 0], sizes = [1, 6400], strides = [1, 1]} : vector<16x6400xf32> to vector<1x6400xf32>
    %slice3A_86 = vector.extract_strided_slice %dot_general3A_22 {offsets = [176, 0], sizes = [16, 6400], strides = [1, 1]} : vector<256x6400xf32> to vector<16x6400xf32>
    %mul3A_87 = vector.broadcast %slice3A_85 : vector<1x6400xf32> to vector<16x6400xf32>
    %mul3A_88 = arith.mulf %mul3A_87, %slice3A_86 : vector<16x6400xf32>
    %add3A_89 = arith.addf %add3A_84, %mul3A_88 : vector<16x6400xf32>
    %slice3A_90 = vector.extract_strided_slice %mul3A {offsets = [12, 0], sizes = [1, 6400], strides = [1, 1]} : vector<16x6400xf32> to vector<1x6400xf32>
    %slice3A_91 = vector.extract_strided_slice %dot_general3A_22 {offsets = [192, 0], sizes = [16, 6400], strides = [1, 1]} : vector<256x6400xf32> to vector<16x6400xf32>
    %mul3A_92 = vector.broadcast %slice3A_90 : vector<1x6400xf32> to vector<16x6400xf32>
    %mul3A_93 = arith.mulf %mul3A_92, %slice3A_91 : vector<16x6400xf32>
    %add3A_94 = arith.addf %add3A_89, %mul3A_93 : vector<16x6400xf32>
    %slice3A_95 = vector.extract_strided_slice %mul3A {offsets = [13, 0], sizes = [1, 6400], strides = [1, 1]} : vector<16x6400xf32> to vector<1x6400xf32>
    %slice3A_96 = vector.extract_strided_slice %dot_general3A_22 {offsets = [208, 0], sizes = [16, 6400], strides = [1, 1]} : vector<256x6400xf32> to vector<16x6400xf32>
    %mul3A_97 = vector.broadcast %slice3A_95 : vector<1x6400xf32> to vector<16x6400xf32>
    %mul3A_98 = arith.mulf %mul3A_97, %slice3A_96 : vector<16x6400xf32>
    %add3A_99 = arith.addf %add3A_94, %mul3A_98 : vector<16x6400xf32>
    %slice3A_100 = vector.extract_strided_slice %mul3A {offsets = [14, 0], sizes = [1, 6400], strides = [1, 1]} : vector<16x6400xf32> to vector<1x6400xf32>
    %slice3A_101 = vector.extract_strided_slice %dot_general3A_22 {offsets = [224, 0], sizes = [16, 6400], strides = [1, 1]} : vector<256x6400xf32> to vector<16x6400xf32>
    %mul3A_102 = vector.broadcast %slice3A_100 : vector<1x6400xf32> to vector<16x6400xf32>
    %mul3A_103 = arith.mulf %mul3A_102, %slice3A_101 : vector<16x6400xf32>
    %add3A_104 = arith.addf %add3A_99, %mul3A_103 : vector<16x6400xf32>
    %slice3A_105 = vector.extract_strided_slice %mul3A {offsets = [15, 0], sizes = [1, 6400], strides = [1, 1]} : vector<16x6400xf32> to vector<1x6400xf32>
    %slice3A_106 = vector.extract_strided_slice %dot_general3A_22 {offsets = [240, 0], sizes = [16, 6400], strides = [1, 1]} : vector<256x6400xf32> to vector<16x6400xf32>
    %mul3A_107 = vector.broadcast %slice3A_105 : vector<1x6400xf32> to vector<16x6400xf32>
    %mul3A_108 = arith.mulf %mul3A_107, %slice3A_106 : vector<16x6400xf32>
    %add3A_109 = arith.addf %add3A_104, %mul3A_108 : vector<16x6400xf32>
    %swap3A = arith.constant 0 : index
    %swap3A_110 = arith.constant 0 : index
    %swap3A_111 = vector.load %arg7[%swap3A, %swap3A_110] : memref<16x6400xf32, #tpu.memory_space<vmem>>, vector<16x6400xf32>
    tpu.vector_store %arg7[%swap3A, %swap3A_110], %add3A_109 {strides = array<i32>} : memref<16x6400xf32, #tpu.memory_space<vmem>>, vector<16x6400xf32>,
    return
  }
  func.func @transform_0(%arg0: i32) -> (i32, i32) {
    %c0_i32 = arith.constant 0 : i32
    %c0_i32_0 = arith.constant 0 : i32
    return %c0_i32, %arg0 : i32, i32
  }
  func.func @transform_1(%arg0: i32) -> (i32, i32) {
    %c0_i32 = arith.constant 0 : i32
    %c0_i32_0 = arith.constant 0 : i32
    return %c0_i32, %arg0 : i32, i32
  }
  func.func @transform_2(%arg0: i32) -> (i32, i32) {
    %c0_i32 = arith.constant 0 : i32
    %c0_i32_0 = arith.constant 0 : i32
    %c0_i32_1 = arith.constant 0 : i32
    return %c0_i32, %c0_i32_0 : i32, i32
  }
  func.func @transform_3(%arg0: i32) -> (i32, i32) {
    %c0_i32 = arith.constant 0 : i32
    %c0_i32_0 = arith.constant 0 : i32
    %c0_i32_1 = arith.constant 0 : i32
    return %c0_i32, %c0_i32_0 : i32, i32
  }
  func.func @transform_4(%arg0: i32) -> (i32, i32) {
    %c0_i32 = arith.constant 0 : i32
    %c0_i32_0 = arith.constant 0 : i32
    %c0_i32_1 = arith.constant 0 : i32
    return %c0_i32, %c0_i32_0 : i32, i32
  }
  func.func @transform_5(%arg0: i32) -> (i32, i32) {
    %c0_i32 = arith.constant 0 : i32
    %c0_i32_0 = arith.constant 0 : i32
    %c0_i32_1 = arith.constant 0 : i32
    return %c0_i32, %c0_i32_0 : i32, i32
  }
  func.func @transform_6(%arg0: i32) -> (i32, i32) {
    %c0_i32 = arith.constant 0 : i32
    %c0_i32_0 = arith.constant 0 : i32
    return %c0_i32, %arg0 : i32, i32
  }
}

module attributes {stable_mosaic.version = 14 : i64} {
  func.func @_msg_kernel(%arg0: i32, %arg1: memref<16x6400xf32, #tpu.memory_space<vmem>>, %arg2: memref<16x6400xf32, #tpu.memory_space<vmem>>, %arg3: memref<16x16xf32, #tpu.memory_space<vmem>>, %arg4: memref<16x1xf32, #tpu.memory_space<vmem>>, %arg5: memref<256x16xf32, #tpu.memory_space<vmem>>, %arg6: memref<16x16xf32, #tpu.memory_space<vmem>>, %arg7: memref<16x6400xf32, #tpu.memory_space<vmem>>) attributes {dimension_semantics = [#tpu.dimension_semantics<arbitrary>], iteration_bounds = array<i64: 25>, scalar_prefetch = 0 : i64, scratch_operands = 0 : i64, tpu.core_type = #tpu.core_type<tc>, window_params = [{transform_indices = @transform_0, window_bounds = array<i64: 16, 6400>}, {transform_indices = @transform_1, window_bounds = array<i64: 16, 6400>}, {pipeline_mode = #tpu.pipeline_mode<synchronous>, transform_indices = @transform_2, window_bounds = array<i64: 16, 16>}, {pipeline_mode = #tpu.pipeline_mode<synchronous>, transform_indices = @transform_3, window_bounds = array<i64: 16, 1>}, {pipeline_mode = #tpu.pipeline_mode<synchronous>, transform_indices = @transform_4, window_bounds = array<i64: 256, 16>}, {pipeline_mode = #tpu.pipeline_mode<synchronous>, transform_indices = @transform_5, window_bounds = array<i64: 16, 16>}, {transform_indices = @transform_6, window_bounds = array<i64: 16, 6400>}]} {
    %get3A = arith.constant 0 : index
    %get3A_0 = arith.constant 0 : index
    %get3A_1 = vector.load %arg3[%get3A, %get3A_0] : memref<16x16xf32, #tpu.memory_space<vmem>>, vector<16x16xf32>
    %get3A_2 = arith.constant 0 : index
    %get3A_3 = arith.constant 0 : index
    %get3A_4 = vector.load %arg1[%get3A_2, %get3A_3] : memref<16x6400xf32, #tpu.memory_space<vmem>>, vector<16x6400xf32>
    %dot_general3A = arith.constant dense<0.000000e+00> : vector<16x6400xf32>
    %dot_general3A_5 = tpu.matmul %get3A_1, %get3A_4, %dot_general3A {dimension_numbers = #tpu.dot_dimension_numbers<[1], [0], [0], [1], [0, 0, 1, 1], [], []>, transpose_lhs_hint = false} : vector<16x16xf32>, vector<16x6400xf32>, vector<16x6400xf32> -> vector<16x6400xf32>
    %get3A_6 = arith.constant 0 : index
    %get3A_7 = arith.constant 0 : index
    %get3A_8 = vector.load %arg4[%get3A_6, %get3A_7] : memref<16x1xf32, #tpu.memory_space<vmem>>, vector<16x1xf32>
    %add3A = vector.broadcast %get3A_8 : vector<16x1xf32> to vector<16x6400xf32>
    %add3A_9 = arith.addf %dot_general3A_5, %add3A : vector<16x6400xf32>
    %logistic3A = arith.negf %add3A_9 : vector<16x6400xf32>
    %logistic3A_10 = math.exp %logistic3A : vector<16x6400xf32>
    %logistic3A_11 = arith.constant 1.000000e+00 : f32
    %logistic3A_12 = vector.broadcast %logistic3A_11 : f32 to vector<16x6400xf32>
    %logistic3A_13 = arith.addf %logistic3A_12, %logistic3A_10 : vector<16x6400xf32>
    %logistic3A_14 = arith.divf %logistic3A_12, %logistic3A_13 : vector<16x6400xf32>
    %mul3A = arith.mulf %add3A_9, %logistic3A_14 : vector<16x6400xf32>
    %get3A_15 = arith.constant 0 : index
    %get3A_16 = arith.constant 0 : index
    %get3A_17 = vector.load %arg5[%get3A_15, %get3A_16] : memref<256x16xf32, #tpu.memory_space<vmem>>, vector<256x16xf32>
    %get3A_18 = arith.constant 0 : index
    %get3A_19 = arith.constant 0 : index
    %get3A_20 = vector.load %arg2[%get3A_18, %get3A_19] : memref<16x6400xf32, #tpu.memory_space<vmem>>, vector<16x6400xf32>
    %dot_general3A_21 = arith.constant dense<0.000000e+00> : vector<256x6400xf32>
    %dot_general3A_22 = tpu.matmul %get3A_17, %get3A_20, %dot_general3A_21 {dimension_numbers = #tpu.dot_dimension_numbers<[1], [0], [0], [1], [0, 0, 1, 1], [], []>, transpose_lhs_hint = false} : vector<256x16xf32>, vector<16x6400xf32>, vector<256x6400xf32> -> vector<256x6400xf32>
    %get3A_23 = arith.constant 0 : index
    %get3A_24 = arith.constant 0 : index
    %get3A_25 = vector.load %arg6[%get3A_23, %get3A_24] : memref<16x16xf32, #tpu.memory_space<vmem>>, vector<16x16xf32>
    %get3A_26 = arith.constant 0 : index
    %get3A_27 = arith.constant 0 : index
    %get3A_28 = vector.load %arg2[%get3A_26, %get3A_27] : memref<16x6400xf32, #tpu.memory_space<vmem>>, vector<16x6400xf32>
    %dot_general3A_29 = arith.constant dense<0.000000e+00> : vector<16x6400xf32>
    %dot_general3A_30 = tpu.matmul %get3A_25, %get3A_28, %dot_general3A_29 {dimension_numbers = #tpu.dot_dimension_numbers<[1], [0], [0], [1], [0, 0, 1, 1], [], []>, transpose_lhs_hint = false} : vector<16x16xf32>, vector<16x6400xf32>, vector<16x6400xf32> -> vector<16x6400xf32>
    %slice3A = vector.extract_strided_slice %mul3A {offsets = [0, 0], sizes = [1, 6400], strides = [1, 1]} : vector<16x6400xf32> to vector<1x6400xf32>
    %slice3A_31 = vector.extract_strided_slice %dot_general3A_22 {offsets = [0, 0], sizes = [16, 6400], strides = [1, 1]} : vector<256x6400xf32> to vector<16x6400xf32>
    %mul3A_32 = vector.broadcast %slice3A : vector<1x6400xf32> to vector<16x6400xf32>
    %mul3A_33 = arith.mulf %mul3A_32, %slice3A_31 : vector<16x6400xf32>
    %add3A_34 = arith.addf %dot_general3A_30, %mul3A_33 : vector<16x6400xf32>
    %slice3A_35 = vector.extract_strided_slice %mul3A {offsets = [1, 0], sizes = [1, 6400], strides = [1, 1]} : vector<16x6400xf32> to vector<1x6400xf32>
    %slice3A_36 = vector.extract_strided_slice %dot_general3A_22 {offsets = [16, 0], sizes = [16, 6400], strides = [1, 1]} : vector<256x6400xf32> to vector<16x6400xf32>
    %mul3A_37 = vector.broadcast %slice3A_35 : vector<1x6400xf32> to vector<16x6400xf32>
    %mul3A_38 = arith.mulf %mul3A_37, %slice3A_36 : vector<16x6400xf32>
    %add3A_39 = arith.addf %add3A_34, %mul3A_38 : vector<16x6400xf32>
    %slice3A_40 = vector.extract_strided_slice %mul3A {offsets = [2, 0], sizes = [1, 6400], strides = [1, 1]} : vector<16x6400xf32> to vector<1x6400xf32>
    %slice3A_41 = vector.extract_strided_slice %dot_general3A_22 {offsets = [32, 0], sizes = [16, 6400], strides = [1, 1]} : vector<256x6400xf32> to vector<16x6400xf32>
    %mul3A_42 = vector.broadcast %slice3A_40 : vector<1x6400xf32> to vector<16x6400xf32>
    %mul3A_43 = arith.mulf %mul3A_42, %slice3A_41 : vector<16x6400xf32>
    %add3A_44 = arith.addf %add3A_39, %mul3A_43 : vector<16x6400xf32>
    %slice3A_45 = vector.extract_strided_slice %mul3A {offsets = [3, 0], sizes = [1, 6400], strides = [1, 1]} : vector<16x6400xf32> to vector<1x6400xf32>
    %slice3A_46 = vector.extract_strided_slice %dot_general3A_22 {offsets = [48, 0], sizes = [16, 6400], strides = [1, 1]} : vector<256x6400xf32> to vector<16x6400xf32>
    %mul3A_47 = vector.broadcast %slice3A_45 : vector<1x6400xf32> to vector<16x6400xf32>
    %mul3A_48 = arith.mulf %mul3A_47, %slice3A_46 : vector<16x6400xf32>
    %add3A_49 = arith.addf %add3A_44, %mul3A_48 : vector<16x6400xf32>
    %slice3A_50 = vector.extract_strided_slice %mul3A {offsets = [4, 0], sizes = [1, 6400], strides = [1, 1]} : vector<16x6400xf32> to vector<1x6400xf32>
    %slice3A_51 = vector.extract_strided_slice %dot_general3A_22 {offsets = [64, 0], sizes = [16, 6400], strides = [1, 1]} : vector<256x6400xf32> to vector<16x6400xf32>
    %mul3A_52 = vector.broadcast %slice3A_50 : vector<1x6400xf32> to vector<16x6400xf32>
    %mul3A_53 = arith.mulf %mul3A_52, %slice3A_51 : vector<16x6400xf32>
    %add3A_54 = arith.addf %add3A_49, %mul3A_53 : vector<16x6400xf32>
    %slice3A_55 = vector.extract_strided_slice %mul3A {offsets = [5, 0], sizes = [1, 6400], strides = [1, 1]} : vector<16x6400xf32> to vector<1x6400xf32>
    %slice3A_56 = vector.extract_strided_slice %dot_general3A_22 {offsets = [80, 0], sizes = [16, 6400], strides = [1, 1]} : vector<256x6400xf32> to vector<16x6400xf32>
    %mul3A_57 = vector.broadcast %slice3A_55 : vector<1x6400xf32> to vector<16x6400xf32>
    %mul3A_58 = arith.mulf %mul3A_57, %slice3A_56 : vector<16x6400xf32>
    %add3A_59 = arith.addf %add3A_54, %mul3A_58 : vector<16x6400xf32>
    %slice3A_60 = vector.extract_strided_slice %mul3A {offsets = [6, 0], sizes = [1, 6400], strides = [1, 1]} : vector<16x6400xf32> to vector<1x6400xf32>
    %slice3A_61 = vector.extract_strided_slice %dot_general3A_22 {offsets = [96, 0], sizes = [16, 6400], strides = [1, 1]} : vector<256x6400xf32> to vector<16x6400xf32>
    %mul3A_62 = vector.broadcast %slice3A_60 : vector<1x6400xf32> to vector<16x6400xf32>
    %mul3A_63 = arith.mulf %mul3A_62, %slice3A_61 : vector<16x6400xf32>
    %add3A_64 = arith.addf %add3A_59, %mul3A_63 : vector<16x6400xf32>
    %slice3A_65 = vector.extract_strided_slice %mul3A {offsets = [7, 0], sizes = [1, 6400], strides = [1, 1]} : vector<16x6400xf32> to vector<1x6400xf32>
    %slice3A_66 = vector.extract_strided_slice %dot_general3A_22 {offsets = [112, 0], sizes = [16, 6400], strides = [1, 1]} : vector<256x6400xf32> to vector<16x6400xf32>
    %mul3A_67 = vector.broadcast %slice3A_65 : vector<1x6400xf32> to vector<16x6400xf32>
    %mul3A_68 = arith.mulf %mul3A_67, %slice3A_66 : vector<16x6400xf32>
    %add3A_69 = arith.addf %add3A_64, %mul3A_68 : vector<16x6400xf32>
    %slice3A_70 = vector.extract_strided_slice %mul3A {offsets = [8, 0], sizes = [1, 6400], strides = [1, 1]} : vector<16x6400xf32> to vector<1x6400xf32>
    %slice3A_71 = vector.extract_strided_slice %dot_general3A_22 {offsets = [128, 0], sizes = [16, 6400], strides = [1, 1]} : vector<256x6400xf32> to vector<16x6400xf32>
    %mul3A_72 = vector.broadcast %slice3A_70 : vector<1x6400xf32> to vector<16x6400xf32>
    %mul3A_73 = arith.mulf %mul3A_72, %slice3A_71 : vector<16x6400xf32>
    %add3A_74 = arith.addf %add3A_69, %mul3A_73 : vector<16x6400xf32>
    %slice3A_75 = vector.extract_strided_slice %mul3A {offsets = [9, 0], sizes = [1, 6400], strides = [1, 1]} : vector<16x6400xf32> to vector<1x6400xf32>
    %slice3A_76 = vector.extract_strided_slice %dot_general3A_22 {offsets = [144, 0], sizes = [16, 6400], strides = [1, 1]} : vector<256x6400xf32> to vector<16x6400xf32>
    %mul3A_77 = vector.broadcast %slice3A_75 : vector<1x6400xf32> to vector<16x6400xf32>
    %mul3A_78 = arith.mulf %mul3A_77, %slice3A_76 : vector<16x6400xf32>
    %add3A_79 = arith.addf %add3A_74, %mul3A_78 : vector<16x6400xf32>
    %slice3A_80 = vector.extract_strided_slice %mul3A {offsets = [10, 0], sizes = [1, 6400], strides = [1, 1]} : vector<16x6400xf32> to vector<1x6400xf32>
    %slice3A_81 = vector.extract_strided_slice %dot_general3A_22 {offsets = [160, 0], sizes = [16, 6400], strides = [1, 1]} : vector<256x6400xf32> to vector<16x6400xf32>
    %mul3A_82 = vector.broadcast %slice3A_80 : vector<1x6400xf32> to vector<16x6400xf32>
    %mul3A_83 = arith.mulf %mul3A_82, %slice3A_81 : vector<16x6400xf32>
    %add3A_84 = arith.addf %add3A_79, %mul3A_83 : vector<16x6400xf32>
    %slice3A_85 = vector.extract_strided_slice %mul3A {offsets = [11, 0], sizes = [1, 6400], strides = [1, 1]} : vector<16x6400xf32> to vector<1x6400xf32>
    %slice3A_86 = vector.extract_strided_slice %dot_general3A_22 {offsets = [176, 0], sizes = [16, 6400], strides = [1, 1]} : vector<256x6400xf32> to vector<16x6400xf32>
    %mul3A_87 = vector.broadcast %slice3A_85 : vector<1x6400xf32> to vector<16x6400xf32>
    %mul3A_88 = arith.mulf %mul3A_87, %slice3A_86 : vector<16x6400xf32>
    %add3A_89 = arith.addf %add3A_84, %mul3A_88 : vector<16x6400xf32>
    %slice3A_90 = vector.extract_strided_slice %mul3A {offsets = [12, 0], sizes = [1, 6400], strides = [1, 1]} : vector<16x6400xf32> to vector<1x6400xf32>
    %slice3A_91 = vector.extract_strided_slice %dot_general3A_22 {offsets = [192, 0], sizes = [16, 6400], strides = [1, 1]} : vector<256x6400xf32> to vector<16x6400xf32>
    %mul3A_92 = vector.broadcast %slice3A_90 : vector<1x6400xf32> to vector<16x6400xf32>
    %mul3A_93 = arith.mulf %mul3A_92, %slice3A_91 : vector<16x6400xf32>
    %add3A_94 = arith.addf %add3A_89, %mul3A_93 : vector<16x6400xf32>
    %slice3A_95 = vector.extract_strided_slice %mul3A {offsets = [13, 0], sizes = [1, 6400], strides = [1, 1]} : vector<16x6400xf32> to vector<1x6400xf32>
    %slice3A_96 = vector.extract_strided_slice %dot_general3A_22 {offsets = [208, 0], sizes = [16, 6400], strides = [1, 1]} : vector<256x6400xf32> to vector<16x6400xf32>
    %mul3A_97 = vector.broadcast %slice3A_95 : vector<1x6400xf32> to vector<16x6400xf32>
    %mul3A_98 = arith.mulf %mul3A_97, %slice3A_96 : vector<16x6400xf32>
    %add3A_99 = arith.addf %add3A_94, %mul3A_98 : vector<16x6400xf32>
    %slice3A_100 = vector.extract_strided_slice %mul3A {offsets = [14, 0], sizes = [1, 6400], strides = [1, 1]} : vector<16x6400xf32> to vector<1x6400xf32>
    %slice3A_101 = vector.extract_strided_slice %dot_general3A_22 {offsets = [224, 0], sizes = [16, 6400], strides = [1, 1]} : vector<256x6400xf32> to vector<16x6400xf32>
    %mul3A_102 = vector.broadcast %slice3A_100 : vector<1x6400xf32> to vector<16x6400xf32>
    %mul3A_103 = arith.mulf %mul3A_102, %slice3A_101 : vector<16x6400xf32>
    %add3A_104 = arith.addf %add3A_99, %mul3A_103 : vector<16x6400xf32>
    %slice3A_105 = vector.extract_strided_slice %mul3A {offsets = [15, 0], sizes = [1, 6400], strides = [1, 1]} : vector<16x6400xf32> to vector<1x6400xf32>
    %slice3A_106 = vector.extract_strided_slice %dot_general3A_22 {offsets = [240, 0], sizes = [16, 6400], strides = [1, 1]} : vector<256x6400xf32> to vector<16x6400xf32>
    %mul3A_107 = vector.broadcast %slice3A_105 : vector<1x6400xf32> to vector<16x6400xf32>
    %mul3A_108 = arith.mulf %mul3A_107, %slice3A_106 : vector<16x6400xf32>
    %add3A_109 = arith.addf %add3A_104, %mul3A_108 : vector<16x6400xf32>
    %swap3A = arith.constant 0 : index
    %swap3A_110 = arith.constant 0 : index
    %swap3A_111 = vector.load %arg7[%swap3A, %swap3A_110] : memref<16x6400xf32, #tpu.memory_space<vmem>>, vector<16x6400xf32>
    tpu.vector_store %arg7[%swap3A, %swap3A_110], %add3A_109 {strides = array<i32>} : memref<16x6400xf32, #tpu.memory_space<vmem>>, vector<16x6400xf32>,
    return
  }
  func.func @transform_0(%arg0: i32) -> (i32, i32) {
    %c0_i32 = arith.constant 0 : i32
    %c0_i32_0 = arith.constant 0 : i32
    return %c0_i32, %arg0 : i32, i32
  }
  func.func @transform_1(%arg0: i32) -> (i32, i32) {
    %c0_i32 = arith.constant 0 : i32
    %c0_i32_0 = arith.constant 0 : i32
    return %c0_i32, %arg0 : i32, i32
  }
  func.func @transform_2(%arg0: i32) -> (i32, i32) {
    %c0_i32 = arith.constant 0 : i32
    %c0_i32_0 = arith.constant 0 : i32
    %c0_i32_1 = arith.constant 0 : i32
    return %c0_i32, %c0_i32_0 : i32, i32
  }
  func.func @transform_3(%arg0: i32) -> (i32, i32) {
    %c0_i32 = arith.constant 0 : i32
    %c0_i32_0 = arith.constant 0 : i32
    %c0_i32_1 = arith.constant 0 : i32
    return %c0_i32, %c0_i32_0 : i32, i32
  }
  func.func @transform_4(%arg0: i32) -> (i32, i32) {
    %c0_i32 = arith.constant 0 : i32
    %c0_i32_0 = arith.constant 0 : i32
    %c0_i32_1 = arith.constant 0 : i32
    return %c0_i32, %c0_i32_0 : i32, i32
  }
  func.func @transform_5(%arg0: i32) -> (i32, i32) {
    %c0_i32 = arith.constant 0 : i32
    %c0_i32_0 = arith.constant 0 : i32
    %c0_i32_1 = arith.constant 0 : i32
    return %c0_i32, %c0_i32_0 : i32, i32
  }
  func.func @transform_6(%arg0: i32) -> (i32, i32) {
    %c0_i32 = arith.constant 0 : i32
    %c0_i32_0 = arith.constant 0 : i32
    return %c0_i32, %arg0 : i32, i32
  }
}

module attributes {stable_mosaic.version = 14 : i64} {
  func.func @_final_kernel(%arg0: memref<10000x16xf32, #tpu.memory_space<vmem>>, %arg1: memref<10000x16xf32, #tpu.memory_space<vmem>>, %arg2: memref<16x16xf32, #tpu.memory_space<vmem>>, %arg3: memref<1x16xf32, #tpu.memory_space<vmem>>, %arg4: memref<16x16xf32, #tpu.memory_space<vmem>>, %arg5: memref<1x16xf32, #tpu.memory_space<vmem>>, %arg6: memref<16x16xf32, #tpu.memory_space<vmem>>, %arg7: memref<1x16xf32, #tpu.memory_space<vmem>>, %arg8: memref<10000x16xf32, #tpu.memory_space<vmem>>) attributes {dimension_semantics = [], scalar_prefetch = 0 : i64, scratch_operands = 0 : i64, tpu.core_type = #tpu.core_type<tc>} {
    %get3A = arith.constant 0 : index
    %get3A_0 = arith.constant 0 : index
    %get3A_1 = vector.load %arg0[%get3A, %get3A_0] : memref<10000x16xf32, #tpu.memory_space<vmem>>, vector<10000x16xf32>
    %get3A_2 = arith.constant 0 : index
    %get3A_3 = arith.constant 0 : index
    %get3A_4 = vector.load %arg1[%get3A_2, %get3A_3] : memref<10000x16xf32, #tpu.memory_space<vmem>>, vector<10000x16xf32>
    %get3A_5 = arith.constant 0 : index
    %get3A_6 = arith.constant 0 : index
    %get3A_7 = vector.load %arg2[%get3A_5, %get3A_6] : memref<16x16xf32, #tpu.memory_space<vmem>>, vector<16x16xf32>
    %dot_general3A = arith.constant dense<0.000000e+00> : vector<10000x16xf32>
    %dot_general3A_8 = tpu.matmul %get3A_4, %get3A_7, %dot_general3A {dimension_numbers = #tpu.dot_dimension_numbers<[1], [0], [0], [1], [0, 0, 1, 1], [], []>, transpose_lhs_hint = false} : vector<10000x16xf32>, vector<16x16xf32>, vector<10000x16xf32> -> vector<10000x16xf32>
    %add3A = arith.addf %get3A_1, %dot_general3A_8 : vector<10000x16xf32>
    %get3A_9 = arith.constant 0 : index
    %get3A_10 = arith.constant 0 : index
    %get3A_11 = vector.load %arg3[%get3A_9, %get3A_10] : memref<1x16xf32, #tpu.memory_space<vmem>>, vector<1x16xf32>
    %add3A_12 = vector.broadcast %get3A_11 : vector<1x16xf32> to vector<10000x16xf32>
    %add3A_13 = arith.addf %add3A, %add3A_12 : vector<10000x16xf32>
    %max3A = arith.constant 0.000000e+00 : f32
    %max3A_14 = vector.broadcast %max3A : f32 to vector<10000x16xf32>
    %max3A_15 = arith.maximumf %add3A_13, %max3A_14 : vector<10000x16xf32>
    %get3A_16 = arith.constant 0 : index
    %get3A_17 = arith.constant 0 : index
    %get3A_18 = vector.load %arg4[%get3A_16, %get3A_17] : memref<16x16xf32, #tpu.memory_space<vmem>>, vector<16x16xf32>
    %dot_general3A_19 = arith.constant dense<0.000000e+00> : vector<10000x16xf32>
    %dot_general3A_20 = tpu.matmul %max3A_15, %get3A_18, %dot_general3A_19 {dimension_numbers = #tpu.dot_dimension_numbers<[1], [0], [0], [1], [0, 0, 1, 1], [], []>, transpose_lhs_hint = false} : vector<10000x16xf32>, vector<16x16xf32>, vector<10000x16xf32> -> vector<10000x16xf32>
    %get3A_21 = arith.constant 0 : index
    %get3A_22 = arith.constant 0 : index
    %get3A_23 = vector.load %arg5[%get3A_21, %get3A_22] : memref<1x16xf32, #tpu.memory_space<vmem>>, vector<1x16xf32>
    %add3A_24 = vector.broadcast %get3A_23 : vector<1x16xf32> to vector<10000x16xf32>
    %add3A_25 = arith.addf %dot_general3A_20, %add3A_24 : vector<10000x16xf32>
    %logistic3A = arith.negf %add3A_25 : vector<10000x16xf32>
    %logistic3A_26 = math.exp %logistic3A : vector<10000x16xf32>
    %logistic3A_27 = arith.constant 1.000000e+00 : f32
    %logistic3A_28 = vector.broadcast %logistic3A_27 : f32 to vector<10000x16xf32>
    %logistic3A_29 = arith.addf %logistic3A_28, %logistic3A_26 : vector<10000x16xf32>
    %logistic3A_30 = arith.divf %logistic3A_28, %logistic3A_29 : vector<10000x16xf32>
    %mul3A = arith.mulf %add3A_25, %logistic3A_30 : vector<10000x16xf32>
    %get3A_31 = arith.constant 0 : index
    %get3A_32 = arith.constant 0 : index
    %get3A_33 = vector.load %arg6[%get3A_31, %get3A_32] : memref<16x16xf32, #tpu.memory_space<vmem>>, vector<16x16xf32>
    %dot_general3A_34 = arith.constant dense<0.000000e+00> : vector<10000x16xf32>
    %dot_general3A_35 = tpu.matmul %mul3A, %get3A_33, %dot_general3A_34 {dimension_numbers = #tpu.dot_dimension_numbers<[1], [0], [0], [1], [0, 0, 1, 1], [], []>, transpose_lhs_hint = false} : vector<10000x16xf32>, vector<16x16xf32>, vector<10000x16xf32> -> vector<10000x16xf32>
    %get3A_36 = arith.constant 0 : index
    %get3A_37 = arith.constant 0 : index
    %get3A_38 = vector.load %arg7[%get3A_36, %get3A_37] : memref<1x16xf32, #tpu.memory_space<vmem>>, vector<1x16xf32>
    %add3A_39 = vector.broadcast %get3A_38 : vector<1x16xf32> to vector<10000x16xf32>
    %add3A_40 = arith.addf %dot_general3A_35, %add3A_39 : vector<10000x16xf32>
    %logistic3A_41 = arith.negf %add3A_40 : vector<10000x16xf32>
    %logistic3A_42 = math.exp %logistic3A_41 : vector<10000x16xf32>
    %logistic3A_43 = arith.constant 1.000000e+00 : f32
    %logistic3A_44 = vector.broadcast %logistic3A_43 : f32 to vector<10000x16xf32>
    %logistic3A_45 = arith.addf %logistic3A_44, %logistic3A_42 : vector<10000x16xf32>
    %logistic3A_46 = arith.divf %logistic3A_44, %logistic3A_45 : vector<10000x16xf32>
    %swap3A = arith.constant 0 : index
    %swap3A_47 = arith.constant 0 : index
    %swap3A_48 = vector.load %arg8[%swap3A, %swap3A_47] : memref<10000x16xf32, #tpu.memory_space<vmem>>, vector<10000x16xf32>
    tpu.vector_store %arg8[%swap3A, %swap3A_47], %logistic3A_46 {strides = array<i32>} : memref<10000x16xf32, #tpu.memory_space<vmem>>, vector<10000x16xf32>,
    return
  }
}

</mosaic_0001>

<sc_bundles>
// kernel: kernel.12.cloned.1.call-start
scs
__scs_entry_jumppad:
0x0: {  	(pc) =	sbr.rel $0x88, $3  }
0x1: {  	(tag) =	ssettag $0x0;
	lr =	simm.s32 $0x1  }
0x2: {  	[smem:$0x3F8E] =	sst lr;
	_ =	strace $0xD0000000  }
0x3: {  	_ = 	snop  }
0x4: {  	_ = 	snop  }
0x5: {  	_ = 	snop  }
0x6: {  	_ = 	snop  }
0x7: {  	_ = 	snop  }
__scs_overlays_trampoline_lowered:
0x8: {  	[smem:$0x3F9D] =	sst s0  }
0x9: {  	[smem:$0x3F9E] =	sst s1  }
0xa: {  	[smem:$0x3F9F] =	sst s2  }
0xb: {  	[smem:$0x3FA0] =	sst s3  }
0xc: {  	[smem:$0x3FA1] =	sst s4  }
0xd: {  	[smem:$0x3FA2] =	sst s5  }
0xe: {  	[smem:$0x3FA3] =	sst s6  }
0xf: {  	[smem:$0x3FA4] =	sst s7  }
0x10: {  	[smem:$0x3FA5] =	sst s8  }
0x11: {  	[smem:$0x3FA6] =	sst s9;
	s0 =	simm.s32 @!p0 $0x0  }
0x12: {  	s1 =	sld [smem:$0x3F8C];
	s0 =	simm.s32 @p0 $0x1  }
0x13: {  	[smem:$0x3FA7] =	sst s0;
	s0 =	simm.s32 @!p1 $0x0  }
0x14: {  	s2 =	sld [smem:$0x3F8B];
	s0 =	simm.s32 @p1 $0x1  }
0x15: {  	[smem:$0x3FA8] =	sst s0;
	s0 =	simm.s32 @!p2 $0x0  }
0x16: {  	s3 =	sld [smem:$0x3FDB];
	s0 =	simm.s32 @p2 $0x1  }
0x17: {  	s4 =	simm.s32 $0x1BF5;
	[smem:$0x3FAA] =	sst s0  }
0x18: {  	s0 =	sld [smem:$0x3F8D];
	_ =	swait.ge [sflag:s4], $0x0  }
0x19: {  	s7 =	sld [smem:$0x3F8E]  }
0x1a: {  	s8 =	sadd.s32 $0xFFFFE003, lr  }
0x1b: {  	s9 =	sadd.s32 $0xFFFFFEF7, lr;
	s5 =	simm.s32 $0xFFFFFFFF;
	p2 =	slt.u32 s8, $0xFFFFF086  }
0x1c: {  	p1 =	slt.u32 s9, $0xF7A;
	s5 =	simm.s32 @!p2 $0x0  }
0x1d: {  	s5 =	simm.s32 @p1 $0x1;
	p0 =	seq.s32 s7, s2  }
0x1e: {  	s7 =	smul.u32 @!p0 $0xF7A, s2;
	p2 =	seq.s32 @!p0 s5, $0x0  }
0x1f: {  	s9 =	smul.u32 $0xF7A, s1;
	s8 =	simm.s32 @!p0 $0x1BF5;
	p2 =	por !p2, p0  }
0x20: {  	[sflag:s8] =	ssyncset.s32 @!p0 $0xFFFFF086;
	s6 =	sadd.s32 @!p0 s3, s7;
	s7 =	simm.s32 @!p0 $0x108  }
0x21: {  	s3 =	sadd.s32 s3, s9;
	s6 =	sadd.s32 @!p0 $0x88, s6;
	s7 =	simm.s32 @p2 $0x1082  }
0x22: {  	[simem:s7], [sflag:s8] =	dma.local @!p0 [hbm:s6], $0xF7A  }
0x23: {  	s9 =	sor.u32 $0xD0000000, s2;
	s6 =	simm.s32 $0x108;
	_ =	swait.ge @!p0 [sflag:s8], $0x0  }
0x24: {  	s3 =	sadd.s32 $0x88, s3;
	s6 =	simm.s32 @!p1 $0x1082;
	[sflag:s4] =	ssyncset.s32 $0xFFFFF086  }
0x25: {  	[simem:s6], [sflag:s4] =	dma.local [hbm:s3], $0xF7A  }
0x26: {  	[smem:$0x3F8E] =	sst s1;
	(tag) =	ssettag s2;
	_ =	strace s9  }
0x27: {  	s1 =	sld [smem:$0x3F9E]  }
0x28: {  	s2 =	sld [smem:$0x3F9F]  }
0x29: {  	s4 =	sld [smem:$0x3FA1]  }
0x2a: {  	p0 =	seq.s32 s5, $0x0;
	s5 =	sld [smem:$0x3FA2]  }
0x2b: {  	s6 =	sld [smem:$0x3FA3]  }
0x2c: {  	s7 =	sld [smem:$0x3FA4]  }
0x2d: {  	s3 =	simm.s32 $0x108;
	s8 =	sld [smem:$0x3FA5]  }
0x2e: {  	s3 =	simm.s32 @!p0 $0x1082;
	s9 =	sld [smem:$0x3FA6]  }
0x2f: {  	lr =	sadd.s32 s0, s3;
	s0 =	sld [smem:$0x3F9D]  }
0x30: {  	s3 =	sld [smem:$0x3FA0]  }
0x31: {  	[smem:$0x3FA9] =	sst s10  }
0x32: {  	s10 =	sld [smem:$0x3FA7];
	_ =	sdelay $0x3  }
0x33: {  	p0 =	seq.s32 s10, $0x1;
	s10 =	sld [smem:$0x3FA9];
	_ =	sdelay $0x3  }
0x34: {  	[smem:$0x3FA9] =	sst s10  }
0x35: {  	s10 =	sld [smem:$0x3FA8];
	_ =	sdelay $0x3  }
0x36: {  	p1 =	seq.s32 s10, $0x1;
	s10 =	sld [smem:$0x3FA9];
	_ =	sdelay $0x3  }
0x37: {  	[smem:$0x3FA9] =	sst s10  }
0x38: {  	s10 =	sld [smem:$0x3FAA]  }
0x39: {  	_ = 	snop;
	(pc) =	sbr.ind lr, $3  }
0x3a: {  	_ = 	snop  }
0x3b: {  	_ = 	snop  }
0x3c: {  	p2 =	seq.s32 s10, $0x1;
	s10 =	sld [smem:$0x3FA9]  }
0x3d: {  	_ =	shalt  }
0x3e: {  	_ =	shalt  }
0x3f: {  	_ =	shalt  }
0x40: {  	_ =	shalt  }
0x41: {  	_ =	shalt  }
0x42: {  	_ =	shalt  }
0x43: {  	_ =	shalt  }
0x44: {  	_ =	shalt  }
0x45: {  	_ =	shalt  }
0x46: {  	_ =	shalt  }
0x47: {  	_ =	shalt  }
0x48: {  	_ =	shalt  }
0x49: {  	_ =	shalt  }
0x4a: {  	_ =	shalt  }
0x4b: {  	_ =	shalt  }
0x4c: {  	_ =	shalt  }
0x4d: {  	_ =	shalt  }
0x4e: {  	_ =	shalt  }
0x4f: {  	_ =	shalt  }
0x50: {  	_ =	shalt  }
0x51: {  	_ =	shalt  }
0x52: {  	_ =	shalt  }
0x53: {  	_ =	shalt  }
0x54: {  	_ =	shalt  }
0x55: {  	_ =	shalt  }
0x56: {  	_ =	shalt  }
0x57: {  	_ =	shalt  }
0x58: {  	_ =	shalt  }
0x59: {  	_ =	shalt  }
0x5a: {  	_ =	shalt  }
0x5b: {  	_ =	shalt  }
0x5c: {  	_ =	shalt  }
0x5d: {  	_ =	shalt  }
0x5e: {  	_ =	shalt  }
0x5f: {  	_ =	shalt  }
0x60: {  	_ =	shalt  }
0x61: {  	_ =	shalt  }
0x62: {  	_ =	shalt  }
0x63: {  	_ =	shalt  }
0x64: {  	_ =	shalt  }
0x65: {  	_ =	shalt  }
0x66: {  	_ =	shalt  }
0x67: {  	_ =	shalt  }
0x68: {  	_ =	shalt  }
0x69: {  	_ =	shalt  }
0x6a: {  	_ =	shalt  }
0x6b: {  	_ =	shalt  }
0x6c: {  	_ =	shalt  }
0x6d: {  	_ =	shalt  }
0x6e: {  	_ =	shalt  }
0x6f: {  	_ =	shalt  }
0x70: {  	_ =	shalt  }
0x71: {  	_ =	shalt  }
0x72: {  	_ =	shalt  }
0x73: {  	_ =	shalt  }
0x74: {  	_ =	shalt  }
0x75: {  	_ =	shalt  }
0x76: {  	_ =	shalt  }
0x77: {  	_ =	shalt  }
0x78: {  	_ =	shalt  }
0x79: {  	_ =	shalt  }
0x7a: {  	_ =	shalt  }
0x7b: {  	_ =	shalt  }
0x7c: {  	_ =	shalt  }
0x7d: {  	_ =	shalt  }
0x7e: {  	_ =	shalt  }
0x7f: {  	_ =	shalt  }
0x80: {  	_ =	shalt  }
0x81: {  	_ =	shalt  }
0x82: {  	_ =	shalt  }
0x83: {  	_ =	shalt  }
0x84: {  	_ =	shalt  }
0x85: {  	_ =	shalt  }
0x86: {  	_ =	shalt  }
0x87: {  	_ =	shalt  }
.Lfunc_end0:
.L_simem_size_0:
called_computation.1_lowered:
.L_overlay_start_0:
0x88: {  	s2 =	sld [smem:$0x3FD9]  }
0x89: {  	s3 =	sld [smem:$0x3FFE];
	_ =	sdelay $0x1  }
0x8a: {  	s1 =	srdreg.scid  }
0x8b: {  	s0 =	sand.u32 $0x1, s1  }
0x8c: {  	s17 =	sshll.u32 s0, $0xA;
	s2 =	sadd.s32 s3, s2  }
0x8d: {  	s2 =	sadd.s32 s2, s17  }
0x8e: {  	[smem:$0x3FB5] =	sst s2  }
0x8f: {  	_ = 	snop  }
0x90: {  	s2 =	sld [smem:$0x3FD0];
	(tm) =	ssettm $0x1  }
0x91: {  	s18 =	sld [smem:$0x3FFB];
	_ =	sdelay $0x3  }
0x92: {  	_ =	strace s18  }
0x93: {  	s3 =	sld [smem:$0x3FFC];
	_ =	sdelay $0x3  }
0x94: {  	_ =	strace s3  }
0x95: {  	s3 =	sld [smem:$0x3FFD];
	_ =	sdelay $0x3  }
0x96: {  	_ =	strace s3  }
0x97: {  	_ =	strace $0x8FFFFFFF  }
0x98: {  	s19 =	sld [smem:$0x3FDB];
	_ =	sdelay $0x1  }
0x99: {  	s4 =	simm.s32 $_scs_section_size  }
0x9a: {  	s5 =	simm.s32 $_size__tile_overlayer_lowered;
	s6 =	simm.s32 $_tile_overlayer_lowered  }
0x9b: {  	s22 =	simm.s32 $0x1BFF;
	s21 =	sshll.u32 s6, $0x1;
	s3 =	sadd.s32 s4, s19  }
0x9c: {  	s7 =	simm.s32 $0x0;
	s20 =	sshll.u32 s5, $0x1;
	s5 =	sadd.s32 s21, s3  }
0x9d: {  	[timem:s7], [sflag:s22] =	dma.local [hbm:s5], s20  }
0x9e: {  	_ =	swait.ge [sflag:s22], s20  }
0x9f: {  	s4 =	ssub.s32 $0x0, s20;
	[sflag:s22] =	ssyncset.done $0x0  }
0xa0: {  	[sflag:s22] =	ssyncadd.s32 s4;
	_ =	sdelay $0x1  }
0xa1: {  	s23 =	simm.s32 $0x1B8B  }
0xa2: {  	_ =	swait.ge [sflag:s23], $0x1  }
0xa3: {  	[sflag:s23] =	ssyncset.done $0x0  }
0xa4: {  	s25 =	simm.s32 $0x1B8E;
	s24 =	sld [smem:$0x3FFE];
	[sflag:s23] =	ssyncadd.s32 $0xFFFFFFFF  }
0xa5: {  	s26 =	simm.s32 $execute0_lowered;
	[smem:$0x3FD2] =	sst s25  }
0xa6: {  	s5 =	sshll.u32 s26, $0x1;
	_ =	strace $0x80000049;
	[dreg:$0x1] =	wrdreg $0xFFFFFFFF  }
0xa7: {  	s28 =	simm.s32 $_size_execute0_lowered;
	s3 =	sadd.s32 s3, s5;
	[dreg:$0x0] =	wrdreg $0x0  }
0xa8: {  	s5 =	sshll.u32 s28, $0x1;
	[dreg:$0x2] =	wrdreg s3  }
0xa9: {  	[dreg:$0x3] =	wrdreg s5  }
0xaa: {  	[dreg:$0x4] =	wrdreg $0xC0  }
0xab: {  	_ =	task [dreg:s7], $0x5FFFF  }
0xac: {  	[dreg:$0x1] =	wrdreg $0xFFFFFFFF  }
0xad: {  	[dreg:$0x0] =	wrdreg $0x60  }
0xae: {  	[dreg:$0x2] =	wrdreg s24  }
0xaf: {  	[dreg:$0x3] =	wrdreg s2  }
0xb0: {  	[dreg:$0x4] =	wrdreg $0x153100  }
0xb1: {  	[dreg:$0x5] =	wrdreg $0x17A200  }
0xb2: {  	[dreg:$0x6] =	wrdreg $0x9  }
0xb3: {  	_ =	task.clear_ibuf [dreg:s7], $0x7FFFF;
	_ =	strace $0x90000049  }
0xb4: {  	s29 =	simm.s32 $0x9;
	_ =	strace $0x8000004B  }
0xb5: {  	_ =	swait.ge [sflag:s29], $0x1  }
0xb6: {  	[sflag:s29] =	ssyncadd.s32 $0xFFFFFFFF  }
0xb7: {  	_ =	strace $0x9000004B  }
0xb8: {  	_ =	sfence  }
0xb9: {  	s30 =	sld [smem:$0x0];
	_ =	sdelay $0x2  }
0xba: {  	s31 =	sshll.u32 s1, $0xD;
	s1 =	sshrl.u32 s1, $0x2  }
0xbb: {  	s3 =	sand.u32 $0x4000, s31;
	s1 =	sadd.s32 s1, s30  }
0xbc: {  	s0 =	sor.u32 s3, s0;
	s1 =	sshll.u32 s1, $0x11  }
0xbd: {  	s0 =	sor.u32 s1, s0  }
0xbe: {  	s0 =	sadd.s32 $0x8F2B, s0  }
0xbf: {  	[sflag:s0] =	ssyncadd.remote.s32 $0x1  }
0xc0: {  	_ =	sfence.sel $0xFFFF  }
0xc1: {  	[dreg:$0x0] =	wrdreg $0xFFFFFFFF;
	(pc) =	sbr.abs _section_cstart, $3  }
0xc2: {  	[dreg:$0x1] =	wrdreg $0xFFFFFFFF  }
0xc3: {  	_ =	task.clear_ibuf [dreg:s7], $0x2FFFF;
	_ =	strace $0x9FFFFFFF  }
0xc4: {  	(tm) =	ssettm $0x7FFFFFFF  }
0xc5: {  	_ =	shalt  }
tec
execute0_lowered:
.L_overlay_start_1:
0x0: {  	(tag) =	ssettag $0x1  }
0x1: {  	s0 =	rddreg [dreg:$0x0]  }
0x2: {  	s1 =	rddreg [dreg:$0x1]  }
0x3: {  	s2 =	rddreg [dreg:$0x2];
	s4 =	srdreg.scid  }
0x4: {  	s3 =	rddreg [dreg:$0x3];
	s19 =	stileid.u32  }
0x5: {  	s21 =	simm.s32 $0x14CD0;
	s22 =	simm.s32 $0x3;
	s12 =	smul.u32 $0x2710, s19  }
0x6: {  	s23 =	simm.s32 $0x64;
	s24 =	simm.s32 $0x1;
	s8 =	smul.u32 $0x514, s19  }
0x7: {  	s30 =	simm.s32 $0x0;
	s25 =	sand.u32 $0x1, s4;
	s11 =	smul.u32 $0x4E20, s19  }
0x8: {  	s4 =	simm.s32 $0x0;
	s10 =	sadd.s32 $0x3800, s0;
	s29 =	smul.u32 $0x4E2, s19  }
0x9: {  	s9 =	sadd.s32 $0xAEC00, s0;
	s13 =	sshllo.u32 s19, $0x1;
	s6 =	smul.u32 $0x28A00, s25  }
0xa: {  	p0 =	sne.s32 s19, $0x0;
	s5 =	sshll.u32 s25, $0x4;
	s17 =	smul.u32 $0x28A, s13  }
0xb: {  	[smem:$0x7FF] =	sst s4;
	s15 =	ssub.s32 $0x2, s25;
	s13 =	smul.u32 $0x2710, s13  }
0xc: {  	s31 =	smul.u32 $0x4E20, s25;
	p1 =	sne.s32 s25, $0x0;
	s25 =	simm.s32 $0x2  }
0xd: {  	s5 =	sor.u32 s19, s5;
	_ =	strace $0x8000004A;
	s14 =	sshrl.u32 s12, $0x3  }
0xe: {  	s28 =	sshrl.u32 s15, $0x1;
	s19 =	sshrl.u32 @!p0 s2, $0x3;
	s7 =	smul.u32 $0x1450, s5  }
0xf: {  	s26 =	smul.u32 $0x2710, s5;
	s5 =	sadd.s32 $0x51A00, s0;
	s18 =	sadd.s32 s14, s0  }
0x10: {  	s20 =	ssub.s32 s15, s28;
	s14 =	sadd.s32 s29, s31;
	s15 =	sadd.s32 $0xA9C00, s18  }
0x11: {  	s6 =	sadd.s32 s6, s7;
	s7 =	sadd.s32 s9, s8;
	s8 =	sadd.s32 s10, s11  }
0x12: {  	s9 =	sadd.s32 s9, s17;
	s10 =	sadd.s32 s10, s13;
	s11 =	sadd.s32 s12, s2  }
0x13: {  	s12 =	sadd.s32 s12, s3;
	s13 =	sadd.s32 $0xBE200, s18;
	s6 =	sshrl.u32 s6, $0x3  }
0x14: {  	s18 =	smax.u32 s20, $0x1;
	s20 =	sshrl.u32 @!p0 s3, $0x3;
	s16 =	sadd.s32 s6, s0  }
0x15: {  	s6 =	sadd.s32 $0x9FE00, s0;
	s0 =	sadd.s32 s26, s0;
	s26 =	simm.s32 $0x1450  }
0x16: {  	s14 =	sadd.s32 s6, s14;
	s16 =	sadd.s32 $0xB3E00, s16;
	s17 =	sadd.s32 $0x51C00, s0  }
.LBB2_1:
0x17: {  	s0 =	simm.s32 @!p0 $0x1C03;
	s28 =	simm.s32 @!p0 $0x3  }
0x18: {  	[spmem:s19], [sflag:s0] =	dma.local @!p0 [hbm:s1], $0x4E20  }
0x19: {  	_ =	swait.ge @!p0 [sflag:s28], $0x4E20  }
0x1a: {  	[sflag:s28] =	ssyncset.done @!p0 $0x0  }
0x1b: {  	[sflag:s28] =	ssyncadd.s32 @!p0 $0xFFFFB1E0  }
0x1c: {  	[spmem:s20], [sflag:s0] =	dma.local @!p0 [hbm:s1], $0x4E20  }
0x1d: {  	_ =	swait.ge @!p0 [sflag:s28], $0x4E20  }
0x1e: {  	[sflag:s28] =	ssyncset.done @!p0 $0x0  }
0x1f: {  	[sflag:s28] =	ssyncadd.s32 @!p0 $0xFFFFB1E0  }
0x20: {  	[tilespmem:s21], [sflag:$0x3] =	stream.linear.gather [hbm4b:s5+s4], $0x640, $0x38;
	[tilespmem:$0x1A130] =	vst v63  }
0x21: {  	_ =	swait.ge [sflag:s22], $0x640  }
0x22: {  	[sflag:s22] =	ssyncset.done $0x0  }
0x23: {  	[sflag:s22] =	ssyncadd.s32 $0xFFFFF9C0  }
0x24: {  	[bflag:$0x0] =	sbarrier.arrive $0xFFFF  }
0x25: {  	[tilespmem:s4], [sflag:$0x3] =	stream.linear.gather [hbm4b:s7+s4], $0x1450, $0x38;
	[tilespmem:$0x1A130] =	vst v63  }
0x26: {  	_ =	swait.ge [sflag:s22], $0x1450  }
0x27: {  	[sflag:s22] =	ssyncset.done $0x0  }
0x28: {  	[sflag:s22] =	ssyncadd.s32 $0xFFFFEBB0  }
0x29: {  	[tilespmem:s26], [sflag:$0x3] =	stream.linear.gather [hbm4b:s8+s4], $0x13880, $0x38;
	[tilespmem:$0x1A130] =	vst v63  }
0x2a: {  	_ =	swait.ge [sflag:s22], $0x13880  }
0x2b: {  	s31 =	simm.s32 $0x0;
	[sflag:s22] =	ssyncset.done $0x0  }
0x2c: {  	s0 =	simm.s32 $0x1A0;
	s28 =	simm.s32 $0x1A90;
	[sflag:s22] =	ssyncadd.s32 $0xFFFEC780  }
0x2d: {  	[spmem:s2] =	stream.indirect.scatter.add.f32 [tilespmem:s26], [sflag:$0x1], $0x10, s31, s23, $0xb8;
	[tilespmem:$0x1A130] =	vst v63  }
.LBB2_2:
0x2e: {  	[spmem:s3] =	stream.indirect.scatter.add.f32 [tilespmem:s21], [sflag:$0x2], $0x10, s31, s23, $0xb8;
	[tilespmem:$0x1A130] =	vst v63  }
0x2f: {  	s29 =	smov.u32 s0;
	p2 =	sne.s32 s0, $0x4FA0  }
.Ltmp0:
0x30: {  	s0 =	sadd.s32 $0x1A0, s0;
	(pc) =	sbr.rel @p2 .LBB2_2-.Ltmp0, $4  }
0x31: {  	_ = 	snop  }
0x32: {  	s31 =	sshra.s32 s29, $0x2  }
0x33: {  	[spmem:s2] =	stream.indirect.scatter.add.f32 [tilespmem:s28], [sflag:$0x1], $0x10, s31, s23, $0xb8;
	[tilespmem:$0x1A130] =	vst v63  }
0x34: {  	s28 =	sadd.s32 $0x640, s28  }
0x35: {  	[spmem:s3] =	stream.indirect.scatter.add.f32 [tilespmem:s21], [sflag:$0x2], $0x10, s31, s23, $0xb8;
	[tilespmem:$0x1A130] =	vst v63  }
0x36: {  	_ =	swait.ge [sflag:s24], $0x13880  }
0x37: {  	[sflag:s24] =	ssyncset.done $0x0  }
0x38: {  	[sflag:s24] =	ssyncadd.s32 $0xFFFEC780  }
0x39: {  	_ =	swait.ge [sflag:s25], $0x13880  }
0x3a: {  	[sflag:s25] =	ssyncset.done $0x0  }
0x3b: {  	s0 =	simm.s32 $0x0;
	[sflag:s25] =	ssyncadd.s32 $0xFFFEC780  }
0x3c: {  	[tilespmem:s0], [sflag:$0x3] =	stream.linear.gather [hbm4b:s9+s0], $0x1450, $0x38;
	[tilespmem:$0x1A130] =	vst v63  }
0x3d: {  	_ =	swait.ge [sflag:s22], $0x1450  }
0x3e: {  	[sflag:s22] =	ssyncset.done $0x0  }
0x3f: {  	s28 =	simm.s32 $0x1450;
	[sflag:s22] =	ssyncadd.s32 $0xFFFFEBB0  }
0x40: {  	[tilespmem:s28], [sflag:$0x3] =	stream.linear.gather [hbm4b:s10+s0], $0x13880, $0x38;
	[tilespmem:$0x1A130] =	vst v63  }
0x41: {  	_ =	swait.ge [sflag:s22], $0x13880  }
0x42: {  	[sflag:s22] =	ssyncset.done $0x0  }
0x43: {  	s31 =	simm.s32 $0x0;
	[sflag:s22] =	ssyncadd.s32 $0xFFFEC780  }
0x44: {  	[spmem:s2] =	stream.indirect.scatter.add.f32 [tilespmem:s28], [sflag:$0x1], $0x10, s31, s23, $0xb8;
	[tilespmem:$0x1A130] =	vst v63  }
0x45: {  	s0 =	simm.s32 $0x1A0;
	s28 =	simm.s32 $0x1A90  }
.LBB2_4:
0x46: {  	[spmem:s3] =	stream.indirect.scatter.add.f32 [tilespmem:s21], [sflag:$0x2], $0x10, s31, s23, $0xb8;
	[tilespmem:$0x1A130] =	vst v63  }
0x47: {  	s29 =	smov.u32 s0;
	p2 =	sne.s32 s0, $0x4FA0  }
.Ltmp1:
0x48: {  	s0 =	sadd.s32 $0x1A0, s0;
	(pc) =	sbr.rel @p2 .LBB2_4-.Ltmp1, $4  }
0x49: {  	_ = 	snop  }
0x4a: {  	s31 =	sshra.s32 s29, $0x2  }
0x4b: {  	[spmem:s2] =	stream.indirect.scatter.add.f32 [tilespmem:s28], [sflag:$0x1], $0x10, s31, s23, $0xb8;
	[tilespmem:$0x1A130] =	vst v63  }
0x4c: {  	s28 =	sadd.s32 $0x640, s28  }
0x4d: {  	[spmem:s3] =	stream.indirect.scatter.add.f32 [tilespmem:s21], [sflag:$0x2], $0x10, s31, s23, $0xb8;
	[tilespmem:$0x1A130] =	vst v63  }
0x4e: {  	_ =	swait.ge [sflag:s24], $0x13880  }
0x4f: {  	[sflag:s24] =	ssyncset.done $0x0  }
0x50: {  	[sflag:s24] =	ssyncadd.s32 $0xFFFEC780  }
0x51: {  	_ =	swait.ge [sflag:s25], $0x13880  }
0x52: {  	[sflag:s25] =	ssyncset.done $0x0  }
0x53: {  	[sflag:s25] =	ssyncadd.s32 $0xFFFEC780  }
0x54: {  	[bflag:$0x0] =	sbarrier.arrive $0xFFFF  }
0x55: {  	[tilespmem:s26], [sflag:$0x3] =	stream.linear.gather [spmem:s11], $0x2710, $0x38;
	[tilespmem:$0x1A130] =	vst v63  }
0x56: {  	_ =	swait.ge [sflag:s22], $0x2710  }
0x57: {  	[sflag:s22] =	ssyncset.done $0x0  }
0x58: {  	s0 =	simm.s32 $0x3B60;
	[sflag:s22] =	ssyncadd.s32 $0xFFFFD8F0  }
0x59: {  	[tilespmem:s0], [sflag:$0x3] =	stream.linear.gather [spmem:s12], $0x2710, $0x38;
	[tilespmem:$0x1A130] =	vst v63  }
0x5a: {  	_ =	swait.ge [sflag:s22], $0x2710  }
0x5b: {  	[sflag:s22] =	ssyncset.done $0x0  }
0x5c: {  	s29 =	simm.s32 $0x0;
	s28 =	simm.s32 $0x6270;
	[sflag:s22] =	ssyncadd.s32 $0xFFFFD8F0  }
0x5d: {  	[tilespmem:s28], [sflag:$0x3] =	stream.linear.gather [hbm4b:s13+s29], $0x2710, $0x38;
	[tilespmem:$0x1A130] =	vst v63  }
0x5e: {  	_ =	swait.ge [sflag:s22], $0x2710  }
0x5f: {  	[sflag:s22] =	ssyncset.done $0x0  }
0x60: {  	s31 =	simm.s32 $0x0;
	[sflag:s22] =	ssyncadd.s32 $0xFFFFD8F0  }
0x61: {  	v0 =	vld [tilespmem:s31+$0x3B60];
	_ =	sdelay $0x4  }
0x62: {  	v0 =	vmax.f32 v0, $1.000000000e+00  }
0x63: {  	(erf) = vrcp.f32 v0;
	_ =	sdelay $0x4  }
0x64: {  	v1 =	vld [tilespmem:s31+$0x1450];
	_ =	sdelay $0x1  }
0x65: {  	v0 =	vld [tilespmem:s31+$0x6270];
	_ =	sdelay $0x1  }
0x66: {  	v2 =	vpop (erf)  }
0x67: {  	s0 =	simm.s32 $0x80;
	s28 =	simm.s32 $0x10;
	v1 =	vmul.f32 v2, v1;
	[tilespmem:s31+$0x3B60] =	vst v2  }
.LBB2_6:
0x68: {  	p2 =	sne.s32 s0, $0x9C00;
	v2 =	vld [tilespmem:s28+$0x3B60]  }
0x69: {  	v0 =	vadd.f32 v1, v0;
	_ =	sdelay $0x1  }
0x6a: {  	v0 =	vmax.f32 v0, $0.0e+00  }
0x6b: {  	[tilespmem:s31+$0x1450] =	vst v0;
	s31 =	smov.u32 s28  }
0x6c: {  	v0 =	vmax.f32 v2, $1.000000000e+00  }
0x6d: {  	(erf) = vrcp.f32 v0;
	_ =	sdelay $0x4  }
0x6e: {  	v1 =	vld [tilespmem:s31+$0x1450]  }
.Ltmp2:
0x6f: {  	(pc) =	sbr.rel @p2 .LBB2_6-.Ltmp2, $3  }
0x70: {  	v0 =	vld [tilespmem:s31+$0x6270];
	_ =	sdelay $0x1  }
0x71: {  	v2 =	vpop (erf)  }
0x72: {  	s28 =	sshra.s32 s0, $0x2;
	s0 =	sadd.s32 $0x40, s0;
	v1 =	vmul.f32 v2, v1;
	[tilespmem:s31+$0x3B60] =	vst v2  }
0x73: {  	v2 =	vld [tilespmem:s28+$0x3B60];
	_ =	sdelay $0x4  }
0x74: {  	v2 =	vmax.f32 v2, $1.000000000e+00  }
0x75: {  	(erf) = vrcp.f32 v2  }
0x76: {  	v0 =	vadd.f32 v1, v0;
	_ =	sdelay $0x1  }
0x77: {  	v0 =	vmax.f32 v0, $0.0e+00  }
0x78: {  	[tilespmem:s31+$0x1450] =	vst v0  }
0x79: {  	v0 =	vld [tilespmem:s28+$0x1450];
	_ =	sdelay $0x1  }
0x7a: {  	v63 =	vld [tilespmem:s28+$0x6270];
	_ =	sdelay $0x1  }
0x7b: {  	v2 =	vpop (erf)  }
0x7c: {  	v0 =	vmul.f32 v2, v0;
	_ =	sdelay $0x1  }
0x7d: {  	v0 =	vadd.f32 v0, v63;
	_ =	sdelay $0x1  }
0x7e: {  	[tilespmem:s28+$0x3B60] =	vst v2;
	v0 =	vmax.f32 v0, $0.0e+00  }
0x7f: {  	[tilespmem:s28+$0x1450] =	vst v0  }
0x80: {  	[hbm4b:s14+s4] =	stream.linear.scatter [tilespmem:s26], [sflag:$0x3], $0x2710, $0x38;
	[tilespmem:$0x1A130] =	vst v63  }
0x81: {  	_ =	swait.ge [sflag:s22], $0x2710  }
0x82: {  	[sflag:s22] =	ssyncset.done $0x0  }
0x83: {  	s0 =	simm.s32 @!p1 $0x0;
	s28 =	simm.s32 @!p1 $0x3B60;
	[sflag:s22] =	ssyncadd.s32 $0xFFFFD8F0  }
0x84: {  	[hbm4b:s15+s0] =	stream.linear.scatter @!p1 [tilespmem:s28], [sflag:$0x3], $0x2710, $0x38;
	[tilespmem:$0x1A130] =	vst v63  }
0x85: {  	s0 =	simm.s32 @!p1 $0x3  }
0x86: {  	_ =	swait.ge @!p1 [sflag:s0], $0x2710  }
0x87: {  	[sflag:s0] =	ssyncset.done @!p1 $0x0  }
0x88: {  	[sflag:s0] =	ssyncadd.s32 @!p1 $0xFFFFD8F0  }
0x89: {  	s0 =	simm.s32 $0x0;
	[bflag:$0x0] =	sbarrier.arrive $0xFFFF  }
0x8a: {  	[tilespmem:s0], [sflag:$0x3] =	stream.linear.gather [hbm4b:s16+s0], $0x1450, $0x38;
	[tilespmem:$0x1A130] =	vst v63  }
0x8b: {  	_ =	swait.ge [sflag:s22], $0x1450  }
0x8c: {  	s29 =	simm.s32 $0x0;
	s31 =	simm.s32 $0x1A90;
	[sflag:s22] =	ssyncset.done $0x0  }
0x8d: {  	s28 =	simm.s32 $0x1A0;
	s0 =	simm.s32 $0x1450;
	[sflag:s22] =	ssyncadd.s32 $0xFFFFEBB0  }
.LBB2_8:
0x8e: {  	[tilespmem:s0], [sflag:$0x1] =	stream.indirect.gather [hbm4b:s6+s23], $0x10, s29, s23, $0xb8;
	[tilespmem:$0x1A130] =	vst v63  }
0x8f: {  	s29 =	smov.u32 s28;
	s0 =	smov.u32 s31;
	p2 =	sne.s32 s28, $0x4FA0  }
.Ltmp3:
0x90: {  	s28 =	sadd.s32 $0x1A0, s28;
	(pc) =	sbr.rel @p2 .LBB2_8-.Ltmp3, $2  }
0x91: {  	_ =	sdelay $0x2  }
0x92: {  	s31 =	sadd.s32 $0x640, s31;
	s29 =	sshra.s32 s29, $0x2  }
0x93: {  	[tilespmem:s0], [sflag:$0x1] =	stream.indirect.gather [hbm4b:s6+s23], $0x10, s29, s23, $0xb8;
	[tilespmem:$0x1A130] =	vst v63  }
0x94: {  	s30 =	sadd.s32 $0x1, s30;
	_ =	swait.ge [sflag:s24], $0x13880  }
0x95: {  	p2 =	sne.s32 s30, s18;
	[sflag:s24] =	ssyncset.done $0x0  }
.Ltmp4:
0x96: {  	[sflag:s24] =	ssyncadd.s32 $0xFFFEC780;
	(pc) =	sbr.rel @p2 .LBB2_1-.Ltmp4, $4  }
0x97: {  	[hbm4b:s17+s4] =	stream.linear.scatter [tilespmem:s26], [sflag:$0x3], $0x13880, $0x38;
	[tilespmem:$0x1A130] =	vst v63  }
0x98: {  	_ =	swait.ge [sflag:s22], $0x13880  }
0x99: {  	[sflag:s22] =	ssyncset.done $0x0  }
0x9a: {  	[sflag:s22] =	ssyncadd.s32 $0xFFFEC780  }
0x9b: {  	_ =	sfence.sel $0x180000  }
0x9c: {  	[bflag:$0x0] =	sbarrier.arrive $0xFFFF  }
0x9d: {  	_ =	strace $0x9000004A  }
0x9e: {  	[bflag:$0x2] =	sbarrier.arrive $0xFFFF  }
0x9f: {  	s0 =	rddreg [dreg:$0x4]  }
0xa0: {  	s0 =	sadd.s32 @!p0 $0x100000, s0  }
0xa1: {  	[sflag:s0] =	ssyncadd.tile.s32 @!p0 $0x1;
	_ =	shalt  }
.Lfunc_end2:
_tile_overlayer_lowered:
.L_overlay_start_2:
0xa2: {  	(tag) =	ssettag $0x2  }
0xa3: {  	s0 =	rddreg [dreg:$0x0];
	s2 =	stileid.u32  }
0xa4: {  	s1 =	rddreg [dreg:$0x1];
	p0 =	sne.s32 s2, $0x0  }
0xa5: {  	s3 =	rddreg [dreg:$0x2];
	[bflag:$0x3] =	sbarrier.arrive $0xFFFF;
	s2 =	simm.s32 @!p0 $0x1C03  }
0xa6: {  	[timem:s3], [sflag:s2] =	dma.local @!p0 [hbm:s0], s1  }
0xa7: {  	s0 =	simm.s32 @!p0 $0x3  }
0xa8: {  	_ =	swait.ge @!p0 [sflag:s0], s1  }
0xa9: {  	s1 =	ssub.s32 @!p0 $0x0, s1;
	[sflag:s0] =	ssyncset.done @!p0 $0x0  }
0xaa: {  	[sflag:s0] =	ssyncadd.s32 @!p0 s1  }
0xab: {  	[bflag:$0x3] =	sbarrier.arrive $0xFFFF  }
0xac: {  	_ =	shalt  }

// kernel: kernel.15.cloned.1.call-start
scs
__scs_entry_jumppad:
0x0: {  	(pc) =	sbr.rel $0x88, $3  }
0x1: {  	(tag) =	ssettag $0x0;
	lr =	simm.s32 $0x1  }
0x2: {  	[smem:$0x3F8E] =	sst lr;
	_ =	strace $0xD0000000  }
0x3: {  	_ = 	snop  }
0x4: {  	_ = 	snop  }
0x5: {  	_ = 	snop  }
0x6: {  	_ = 	snop  }
0x7: {  	_ = 	snop  }
__scs_overlays_trampoline_lowered:
0x8: {  	[smem:$0x3F9D] =	sst s0  }
0x9: {  	[smem:$0x3F9E] =	sst s1  }
0xa: {  	[smem:$0x3F9F] =	sst s2  }
0xb: {  	[smem:$0x3FA0] =	sst s3  }
0xc: {  	[smem:$0x3FA1] =	sst s4  }
0xd: {  	[smem:$0x3FA2] =	sst s5  }
0xe: {  	[smem:$0x3FA3] =	sst s6  }
0xf: {  	[smem:$0x3FA4] =	sst s7  }
0x10: {  	[smem:$0x3FA5] =	sst s8  }
0x11: {  	[smem:$0x3FA6] =	sst s9;
	s0 =	simm.s32 @!p0 $0x0  }
0x12: {  	s1 =	sld [smem:$0x3F8C];
	s0 =	simm.s32 @p0 $0x1  }
0x13: {  	[smem:$0x3FA7] =	sst s0;
	s0 =	simm.s32 @!p1 $0x0  }
0x14: {  	s2 =	sld [smem:$0x3F8B];
	s0 =	simm.s32 @p1 $0x1  }
0x15: {  	[smem:$0x3FA8] =	sst s0;
	s0 =	simm.s32 @!p2 $0x0  }
0x16: {  	s3 =	sld [smem:$0x3FDB];
	s0 =	simm.s32 @p2 $0x1  }
0x17: {  	s4 =	simm.s32 $0x1BF5;
	[smem:$0x3FAA] =	sst s0  }
0x18: {  	s0 =	sld [smem:$0x3F8D];
	_ =	swait.ge [sflag:s4], $0x0  }
0x19: {  	s7 =	sld [smem:$0x3F8E]  }
0x1a: {  	s8 =	sadd.s32 $0xFFFFE003, lr  }
0x1b: {  	s9 =	sadd.s32 $0xFFFFFEF7, lr;
	s5 =	simm.s32 $0xFFFFFFFF;
	p2 =	slt.u32 s8, $0xFFFFF086  }
0x1c: {  	p1 =	slt.u32 s9, $0xF7A;
	s5 =	simm.s32 @!p2 $0x0  }
0x1d: {  	s5 =	simm.s32 @p1 $0x1;
	p0 =	seq.s32 s7, s2  }
0x1e: {  	s7 =	smul.u32 @!p0 $0xF7A, s2;
	p2 =	seq.s32 @!p0 s5, $0x0  }
0x1f: {  	s9 =	smul.u32 $0xF7A, s1;
	s8 =	simm.s32 @!p0 $0x1BF5;
	p2 =	por !p2, p0  }
0x20: {  	[sflag:s8] =	ssyncset.s32 @!p0 $0xFFFFF086;
	s6 =	sadd.s32 @!p0 s3, s7;
	s7 =	simm.s32 @!p0 $0x108  }
0x21: {  	s3 =	sadd.s32 s3, s9;
	s6 =	sadd.s32 @!p0 $0x88, s6;
	s7 =	simm.s32 @p2 $0x1082  }
0x22: {  	[simem:s7], [sflag:s8] =	dma.local @!p0 [hbm:s6], $0xF7A  }
0x23: {  	s9 =	sor.u32 $0xD0000000, s2;
	s6 =	simm.s32 $0x108;
	_ =	swait.ge @!p0 [sflag:s8], $0x0  }
0x24: {  	s3 =	sadd.s32 $0x88, s3;
	s6 =	simm.s32 @!p1 $0x1082;
	[sflag:s4] =	ssyncset.s32 $0xFFFFF086  }
0x25: {  	[simem:s6], [sflag:s4] =	dma.local [hbm:s3], $0xF7A  }
0x26: {  	[smem:$0x3F8E] =	sst s1;
	(tag) =	ssettag s2;
	_ =	strace s9  }
0x27: {  	s1 =	sld [smem:$0x3F9E]  }
0x28: {  	s2 =	sld [smem:$0x3F9F]  }
0x29: {  	s4 =	sld [smem:$0x3FA1]  }
0x2a: {  	p0 =	seq.s32 s5, $0x0;
	s5 =	sld [smem:$0x3FA2]  }
0x2b: {  	s6 =	sld [smem:$0x3FA3]  }
0x2c: {  	s7 =	sld [smem:$0x3FA4]  }
0x2d: {  	s3 =	simm.s32 $0x108;
	s8 =	sld [smem:$0x3FA5]  }
0x2e: {  	s3 =	simm.s32 @!p0 $0x1082;
	s9 =	sld [smem:$0x3FA6]  }
0x2f: {  	lr =	sadd.s32 s0, s3;
	s0 =	sld [smem:$0x3F9D]  }
0x30: {  	s3 =	sld [smem:$0x3FA0]  }
0x31: {  	[smem:$0x3FA9] =	sst s10  }
0x32: {  	s10 =	sld [smem:$0x3FA7];
	_ =	sdelay $0x3  }
0x33: {  	p0 =	seq.s32 s10, $0x1;
	s10 =	sld [smem:$0x3FA9];
	_ =	sdelay $0x3  }
0x34: {  	[smem:$0x3FA9] =	sst s10  }
0x35: {  	s10 =	sld [smem:$0x3FA8];
	_ =	sdelay $0x3  }
0x36: {  	p1 =	seq.s32 s10, $0x1;
	s10 =	sld [smem:$0x3FA9];
	_ =	sdelay $0x3  }
0x37: {  	[smem:$0x3FA9] =	sst s10  }
0x38: {  	s10 =	sld [smem:$0x3FAA]  }
0x39: {  	_ = 	snop;
	(pc) =	sbr.ind lr, $3  }
0x3a: {  	_ = 	snop  }
0x3b: {  	_ = 	snop  }
0x3c: {  	p2 =	seq.s32 s10, $0x1;
	s10 =	sld [smem:$0x3FA9]  }
0x3d: {  	_ =	shalt  }
0x3e: {  	_ =	shalt  }
0x3f: {  	_ =	shalt  }
0x40: {  	_ =	shalt  }
0x41: {  	_ =	shalt  }
0x42: {  	_ =	shalt  }
0x43: {  	_ =	shalt  }
0x44: {  	_ =	shalt  }
0x45: {  	_ =	shalt  }
0x46: {  	_ =	shalt  }
0x47: {  	_ =	shalt  }
0x48: {  	_ =	shalt  }
0x49: {  	_ =	shalt  }
0x4a: {  	_ =	shalt  }
0x4b: {  	_ =	shalt  }
0x4c: {  	_ =	shalt  }
0x4d: {  	_ =	shalt  }
0x4e: {  	_ =	shalt  }
0x4f: {  	_ =	shalt  }
0x50: {  	_ =	shalt  }
0x51: {  	_ =	shalt  }
0x52: {  	_ =	shalt  }
0x53: {  	_ =	shalt  }
0x54: {  	_ =	shalt  }
0x55: {  	_ =	shalt  }
0x56: {  	_ =	shalt  }
0x57: {  	_ =	shalt  }
0x58: {  	_ =	shalt  }
0x59: {  	_ =	shalt  }
0x5a: {  	_ =	shalt  }
0x5b: {  	_ =	shalt  }
0x5c: {  	_ =	shalt  }
0x5d: {  	_ =	shalt  }
0x5e: {  	_ =	shalt  }
0x5f: {  	_ =	shalt  }
0x60: {  	_ =	shalt  }
0x61: {  	_ =	shalt  }
0x62: {  	_ =	shalt  }
0x63: {  	_ =	shalt  }
0x64: {  	_ =	shalt  }
0x65: {  	_ =	shalt  }
0x66: {  	_ =	shalt  }
0x67: {  	_ =	shalt  }
0x68: {  	_ =	shalt  }
0x69: {  	_ =	shalt  }
0x6a: {  	_ =	shalt  }
0x6b: {  	_ =	shalt  }
0x6c: {  	_ =	shalt  }
0x6d: {  	_ =	shalt  }
0x6e: {  	_ =	shalt  }
0x6f: {  	_ =	shalt  }
0x70: {  	_ =	shalt  }
0x71: {  	_ =	shalt  }
0x72: {  	_ =	shalt  }
0x73: {  	_ =	shalt  }
0x74: {  	_ =	shalt  }
0x75: {  	_ =	shalt  }
0x76: {  	_ =	shalt  }
0x77: {  	_ =	shalt  }
0x78: {  	_ =	shalt  }
0x79: {  	_ =	shalt  }
0x7a: {  	_ =	shalt  }
0x7b: {  	_ =	shalt  }
0x7c: {  	_ =	shalt  }
0x7d: {  	_ =	shalt  }
0x7e: {  	_ =	shalt  }
0x7f: {  	_ =	shalt  }
0x80: {  	_ =	shalt  }
0x81: {  	_ =	shalt  }
0x82: {  	_ =	shalt  }
0x83: {  	_ =	shalt  }
0x84: {  	_ =	shalt  }
0x85: {  	_ =	shalt  }
0x86: {  	_ =	shalt  }
0x87: {  	_ =	shalt  }
.Lfunc_end0:
.L_simem_size_0:
called_computation.2_lowered:
.L_overlay_start_0:
0x88: {  	s2 =	sld [smem:$0x3FD9]  }
0x89: {  	s3 =	sld [smem:$0x3FFE];
	_ =	sdelay $0x1  }
0x8a: {  	s1 =	srdreg.scid  }
0x8b: {  	s0 =	sand.u32 $0x1, s1  }
0x8c: {  	s17 =	sshll.u32 s0, $0xA;
	s2 =	sadd.s32 s3, s2  }
0x8d: {  	s2 =	sadd.s32 s2, s17  }
0x8e: {  	[smem:$0x3FB5] =	sst s2  }
0x8f: {  	_ = 	snop  }
0x90: {  	s2 =	sld [smem:$0x3FD0];
	(tm) =	ssettm $0x1  }
0x91: {  	s18 =	sld [smem:$0x3FFB];
	_ =	sdelay $0x3  }
0x92: {  	_ =	strace s18  }
0x93: {  	s3 =	sld [smem:$0x3FFC];
	_ =	sdelay $0x3  }
0x94: {  	_ =	strace s3  }
0x95: {  	s3 =	sld [smem:$0x3FFD];
	_ =	sdelay $0x3  }
0x96: {  	_ =	strace s3  }
0x97: {  	_ =	strace $0x8FFFFFFF  }
0x98: {  	s19 =	sld [smem:$0x3FDB];
	_ =	sdelay $0x1  }
0x99: {  	s4 =	simm.s32 $_scs_section_size  }
0x9a: {  	s5 =	simm.s32 $_size__tile_overlayer_lowered;
	s6 =	simm.s32 $_tile_overlayer_lowered  }
0x9b: {  	s22 =	simm.s32 $0x1BFF;
	s21 =	sshll.u32 s6, $0x1;
	s3 =	sadd.s32 s4, s19  }
0x9c: {  	s7 =	simm.s32 $0x0;
	s20 =	sshll.u32 s5, $0x1;
	s5 =	sadd.s32 s21, s3  }
0x9d: {  	[timem:s7], [sflag:s22] =	dma.local [hbm:s5], s20  }
0x9e: {  	_ =	swait.ge [sflag:s22], s20  }
0x9f: {  	s4 =	ssub.s32 $0x0, s20;
	[sflag:s22] =	ssyncset.done $0x0  }
0xa0: {  	[sflag:s22] =	ssyncadd.s32 s4;
	_ =	sdelay $0x1  }
0xa1: {  	s23 =	simm.s32 $0x1B8B  }
0xa2: {  	_ =	swait.ge [sflag:s23], $0x1  }
0xa3: {  	[sflag:s23] =	ssyncset.done $0x0  }
0xa4: {  	s25 =	simm.s32 $0x1B8E;
	s24 =	sld [smem:$0x3FFE];
	[sflag:s23] =	ssyncadd.s32 $0xFFFFFFFF  }
0xa5: {  	s26 =	simm.s32 $execute0_lowered;
	[smem:$0x3FD2] =	sst s25  }
0xa6: {  	s5 =	sshll.u32 s26, $0x1;
	_ =	strace $0x8000004C;
	[dreg:$0x1] =	wrdreg $0xFFFFFFFF  }
0xa7: {  	s28 =	simm.s32 $_size_execute0_lowered;
	s3 =	sadd.s32 s3, s5;
	[dreg:$0x0] =	wrdreg $0x0  }
0xa8: {  	s5 =	sshll.u32 s28, $0x1;
	[dreg:$0x2] =	wrdreg s3  }
0xa9: {  	[dreg:$0x3] =	wrdreg s5  }
0xaa: {  	[dreg:$0x4] =	wrdreg $0xC0  }
0xab: {  	_ =	task [dreg:s7], $0x5FFFF  }
0xac: {  	[dreg:$0x1] =	wrdreg $0xFFFFFFFF  }
0xad: {  	[dreg:$0x0] =	wrdreg $0x60  }
0xae: {  	[dreg:$0x2] =	wrdreg s24  }
0xaf: {  	[dreg:$0x3] =	wrdreg s2  }
0xb0: {  	[dreg:$0x4] =	wrdreg $0x174D00  }
0xb1: {  	[dreg:$0x5] =	wrdreg $0x9  }
0xb2: {  	_ =	task.clear_ibuf [dreg:s7], $0x6FFFF;
	_ =	strace $0x9000004C  }
0xb3: {  	s29 =	simm.s32 $0x9;
	_ =	strace $0x8000004E  }
0xb4: {  	_ =	swait.ge [sflag:s29], $0x1  }
0xb5: {  	[sflag:s29] =	ssyncadd.s32 $0xFFFFFFFF  }
0xb6: {  	_ =	strace $0x9000004E  }
0xb7: {  	_ =	sfence  }
0xb8: {  	s30 =	sld [smem:$0x0];
	_ =	sdelay $0x2  }
0xb9: {  	s31 =	sshll.u32 s1, $0xD;
	s1 =	sshrl.u32 s1, $0x2  }
0xba: {  	s3 =	sand.u32 $0x4000, s31;
	s1 =	sadd.s32 s1, s30  }
0xbb: {  	s0 =	sor.u32 s3, s0;
	s1 =	sshll.u32 s1, $0x11  }
0xbc: {  	s0 =	sor.u32 s1, s0  }
0xbd: {  	s0 =	sadd.s32 $0x8F2B, s0  }
0xbe: {  	[sflag:s0] =	ssyncadd.remote.s32 $0x1  }
0xbf: {  	_ =	sfence.sel $0xFFFF  }
0xc0: {  	[dreg:$0x0] =	wrdreg $0xFFFFFFFF;
	(pc) =	sbr.abs _section_cstart, $3  }
0xc1: {  	[dreg:$0x1] =	wrdreg $0xFFFFFFFF  }
0xc2: {  	_ =	task.clear_ibuf [dreg:s7], $0x2FFFF;
	_ =	strace $0x9FFFFFFF  }
0xc3: {  	(tm) =	ssettm $0x7FFFFFFF  }
tec
execute0_lowered:
.L_overlay_start_1:
0x0: {  	(tag) =	ssettag $0x1  }
0x1: {  	s4 =	rddreg [dreg:$0x0]  }
0x2: {  	s1 =	rddreg [dreg:$0x1]  }
0x3: {  	s2 =	rddreg [dreg:$0x2];
	s3 =	srdreg.scid  }
0x4: {  	s0 =	rddreg [dreg:$0x3];
	s10 =	stileid.u32;
	s16 =	simm.s32 $0x14CD0  }
0x5: {  	s17 =	simm.s32 $0x160D0;
	s18 =	simm.s32 $0x0;
	s5 =	sand.u32 $0x1, s3  }
0x6: {  	s3 =	simm.s32 $0x0;
	s7 =	sadd.s32 $0x3800, s4;
	s9 =	smul.u32 $0x514, s10  }
0x7: {  	s8 =	sadd.s32 $0xAEC00, s4;
	s29 =	smul.u32 $0x4E20, s10;
	s12 =	sshllo.u32 s10, $0x1  }
0x8: {  	p0 =	sne.s32 s10, $0x0;
	s6 =	sshll.u32 s5, $0x4;
	s14 =	smul.u32 $0x28A, s12  }
0x9: {  	s5 =	ssub.s32 $0x2, s5;
	s12 =	smul.u32 $0x2710, s12;
	s6 =	sor.u32 s10, s6  }
0xa: {  	[smem:$0x7FF] =	sst s3;
	s30 =	sshrl.u32 s5, $0x1;
	s6 =	smul.u32 $0x140, s6  }
0xb: {  	_ =	strace $0x8000004D;
	s15 =	ssub.s32 s5, s30;
	s5 =	sadd.s32 s7, s29  }
0xc: {  	s7 =	sadd.s32 s7, s12;
	s12 =	sshrl.u32 @!p0 s2, $0x3;
	s11 =	smin.u32 s6, $0x25D0  }
0xd: {  	s6 =	sadd.s32 s8, s14;
	s14 =	simm.s32 $0x64;
	s13 =	sshll.u32 s11, $0x1  }
0xe: {  	s31 =	sshll.u32 s11, $0x4;
	s11 =	smax.u32 s15, $0x1;
	s15 =	simm.s32 $0x1  }
0xf: {  	s13 =	sadd.s32 s13, s4;
	s4 =	sadd.s32 s8, s9;
	s8 =	sadd.s32 s31, s2  }
0x10: {  	s9 =	sadd.s32 $0xA9C00, s13;
	s10 =	sadd.s32 $0x51A00, s13;
	s13 =	simm.s32 $0x2  }
.LBB2_1:
0x11: {  	s19 =	simm.s32 @!p0 $0x1C02  }
0x12: {  	[spmem:s12], [sflag:s19] =	dma.local @!p0 [hbm:s1], $0x4E20  }
0x13: {  	s19 =	simm.s32 @!p0 $0x2  }
0x14: {  	_ =	swait.ge @!p0 [sflag:s19], $0x4E20  }
0x15: {  	[sflag:s19] =	ssyncset.done @!p0 $0x0  }
0x16: {  	[sflag:s19] =	ssyncadd.s32 @!p0 $0xFFFFB1E0  }
0x17: {  	[bflag:$0x0] =	sbarrier.arrive $0xFFFF  }
0x18: {  	[tilespmem:s3], [sflag:$0x2] =	stream.linear.gather [hbm4b:s4+s3], $0x1450, $0x38;
	[tilespmem:$0x19BE0] =	vst v63  }
0x19: {  	_ =	swait.ge [sflag:s13], $0x1450  }
0x1a: {  	[sflag:s13] =	ssyncset.done $0x0  }
0x1b: {  	s19 =	simm.s32 $0x1450;
	[sflag:s13] =	ssyncadd.s32 $0xFFFFEBB0  }
0x1c: {  	[tilespmem:s19], [sflag:$0x2] =	stream.linear.gather [hbm4b:s5+s3], $0x13880, $0x38;
	[tilespmem:$0x19BE0] =	vst v63  }
0x1d: {  	_ =	swait.ge [sflag:s13], $0x13880  }
0x1e: {  	s20 =	simm.s32 $0x1A0;
	[sflag:s13] =	ssyncset.done $0x0  }
0x1f: {  	s22 =	simm.s32 $0x0;
	s21 =	simm.s32 $0x1A90;
	[sflag:s13] =	ssyncadd.s32 $0xFFFEC780  }
.LBB2_2:
0x20: {  	[spmem:s2] =	stream.indirect.scatter.add.f32 [tilespmem:s19], [sflag:$0x1], $0x10, s22, s14, $0xb8;
	[tilespmem:$0x19BE0] =	vst v63  }
0x21: {  	s22 =	smov.u32 s20;
	s19 =	smov.u32 s21;
	p1 =	sne.s32 s20, $0x4FA0  }
.Ltmp0:
0x22: {  	s20 =	sadd.s32 $0x1A0, s20;
	(pc) =	sbr.rel @p1 .LBB2_2-.Ltmp0, $2  }
0x23: {  	_ =	sdelay $0x2  }
0x24: {  	s21 =	sadd.s32 $0x640, s21;
	s22 =	sshra.s32 s22, $0x2  }
0x25: {  	[spmem:s2] =	stream.indirect.scatter.add.f32 [tilespmem:s19], [sflag:$0x1], $0x10, s22, s14, $0xb8;
	[tilespmem:$0x19BE0] =	vst v63  }
0x26: {  	_ =	swait.ge [sflag:s15], $0x13880  }
0x27: {  	[sflag:s15] =	ssyncset.done $0x0  }
0x28: {  	s20 =	simm.s32 $0x0;
	[sflag:s15] =	ssyncadd.s32 $0xFFFEC780  }
0x29: {  	[tilespmem:s20], [sflag:$0x2] =	stream.linear.gather [hbm4b:s6+s20], $0x1450, $0x38;
	[tilespmem:$0x19BE0] =	vst v63  }
0x2a: {  	_ =	swait.ge [sflag:s13], $0x1450  }
0x2b: {  	[sflag:s13] =	ssyncset.done $0x0  }
0x2c: {  	s19 =	simm.s32 $0x1450;
	[sflag:s13] =	ssyncadd.s32 $0xFFFFEBB0  }
0x2d: {  	[tilespmem:s19], [sflag:$0x2] =	stream.linear.gather [hbm4b:s7+s20], $0x13880, $0x38;
	[tilespmem:$0x19BE0] =	vst v63  }
0x2e: {  	_ =	swait.ge [sflag:s13], $0x13880  }
0x2f: {  	s22 =	simm.s32 $0x0;
	[sflag:s13] =	ssyncset.done $0x0  }
0x30: {  	s21 =	simm.s32 $0x1A90;
	s20 =	simm.s32 $0x1A0;
	[sflag:s13] =	ssyncadd.s32 $0xFFFEC780  }
.LBB2_4:
0x31: {  	[spmem:s2] =	stream.indirect.scatter.add.f32 [tilespmem:s19], [sflag:$0x1], $0x10, s22, s14, $0xb8;
	[tilespmem:$0x19BE0] =	vst v63  }
0x32: {  	s22 =	smov.u32 s20;
	s19 =	smov.u32 s21;
	p1 =	sne.s32 s20, $0x4FA0  }
.Ltmp1:
0x33: {  	s20 =	sadd.s32 $0x1A0, s20;
	(pc) =	sbr.rel @p1 .LBB2_4-.Ltmp1, $2  }
0x34: {  	_ =	sdelay $0x2  }
0x35: {  	s21 =	sadd.s32 $0x640, s21;
	s22 =	sshra.s32 s22, $0x2  }
0x36: {  	[spmem:s2] =	stream.indirect.scatter.add.f32 [tilespmem:s19], [sflag:$0x1], $0x10, s22, s14, $0xb8;
	[tilespmem:$0x19BE0] =	vst v63  }
0x37: {  	_ =	swait.ge [sflag:s15], $0x13880  }
0x38: {  	[sflag:s15] =	ssyncset.done $0x0  }
0x39: {  	[sflag:s15] =	ssyncadd.s32 $0xFFFEC780  }
0x3a: {  	[bflag:$0x0] =	sbarrier.arrive $0xFFFF  }
0x3b: {  	[tilespmem:s16], [sflag:$0x2] =	stream.linear.gather [spmem:s8], $0x1400, $0x38;
	[tilespmem:$0x19BE0] =	vst v63  }
0x3c: {  	_ =	swait.ge [sflag:s13], $0x1400  }
0x3d: {  	[sflag:s13] =	ssyncset.done $0x0  }
0x3e: {  	s31 =	simm.s32 $0x0;
	[sflag:s13] =	ssyncadd.s32 $0xFFFFEC00  }
0x3f: {  	[tilespmem:s17], [sflag:$0x2] =	stream.linear.gather [hbm4b:s9+s31], $0x1400, $0x38;
	[tilespmem:$0x19BE0] =	vst v63  }
0x40: {  	_ =	swait.ge [sflag:s13], $0x1400  }
0x41: {  	[sflag:s13] =	ssyncset.done $0x0  }
0x42: {  	s19 =	simm.s32 $0x0;
	[sflag:s13] =	ssyncadd.s32 $0xFFFFEC00  }
0x43: {  	s20 =	simm.s32 $0x40;
	v0 =	vld [tilespmem:s19+$0x160D0]  }
.LBB2_6:
0x44: {  	p1 =	sne.s32 s20, $0x4FC0;
	v1 =	vld [tilespmem:s19+$0x14CD0];
	_ =	sdelay $0x2  }
.Ltmp2:
0x45: {  	(pc) =	sbr.rel @p1 .LBB2_6-.Ltmp2, $4  }
0x46: {  	_ = 	snop  }
0x47: {  	v1 =	vmul.f32 v0, v1  }
0x48: {  	s21 =	sshra.s32 s20, $0x2  }
0x49: {  	s20 =	sadd.s32 $0x40, s20;
	v0 =	vld [tilespmem:s21+$0x160D0];
	[tilespmem:s19+$0x14CD0] =	vst v1;
	s19 =	smov.u32 s21  }
0x4a: {  	v1 =	vld [tilespmem:s19+$0x14CD0];
	_ =	sdelay $0x4  }
0x4b: {  	s18 =	sadd.s32 $0x1, s18;
	v0 =	vmul.f32 v0, v1  }
0x4c: {  	p1 =	sne.s32 s18, s11  }
.Ltmp3:
0x4d: {  	[tilespmem:s19+$0x14CD0] =	vst v0;
	(pc) =	sbr.rel @p1 .LBB2_1-.Ltmp3, $4  }
0x4e: {  	[hbm4b:s10+s3] =	stream.linear.scatter [tilespmem:s16], [sflag:$0x2], $0x1400, $0x38;
	[tilespmem:$0x19BE0] =	vst v63  }
0x4f: {  	_ =	swait.ge [sflag:s13], $0x1400  }
0x50: {  	[sflag:s13] =	ssyncset.done $0x0  }
0x51: {  	[sflag:s13] =	ssyncadd.s32 $0xFFFFEC00  }
0x52: {  	_ =	sfence.sel $0x180000  }
0x53: {  	[bflag:$0x0] =	sbarrier.arrive $0xFFFF  }
0x54: {  	_ =	strace $0x9000004D  }
0x55: {  	s0 =	sadd.s32 @!p0 $0x100000, s0;
	[bflag:$0x2] =	sbarrier.arrive $0xFFFF  }
0x56: {  	[sflag:s0] =	ssyncadd.tile.s32 @!p0 $0x1;
	_ =	shalt  }
.Lfunc_end2:
_tile_overlayer_lowered:
.L_overlay_start_2:
0x57: {  	(tag) =	ssettag $0x2  }
0x58: {  	s0 =	rddreg [dreg:$0x0];
	s2 =	stileid.u32  }
0x59: {  	s1 =	rddreg [dreg:$0x1];
	p0 =	sne.s32 s2, $0x0  }
0x5a: {  	s3 =	rddreg [dreg:$0x2];
	[bflag:$0x3] =	sbarrier.arrive $0xFFFF;
	s2 =	simm.s32 @!p0 $0x1C02  }
0x5b: {  	[timem:s3], [sflag:s2] =	dma.local @!p0 [hbm:s0], s1  }
0x5c: {  	s0 =	simm.s32 @!p0 $0x2  }
0x5d: {  	_ =	swait.ge @!p0 [sflag:s0], s1  }
0x5e: {  	s1 =	ssub.s32 @!p0 $0x0, s1;
	[sflag:s0] =	ssyncset.done @!p0 $0x0  }
0x5f: {  	[sflag:s0] =	ssyncadd.s32 @!p0 s1  }
0x60: {  	[bflag:$0x3] =	sbarrier.arrive $0xFFFF  }
0x61: {  	_ =	shalt  }

// kernel: kernel.9.cloned.1.call-start
scs
__scs_entry_jumppad:
0x0: {  	(pc) =	sbr.rel $0x88, $3  }
0x1: {  	(tag) =	ssettag $0x0;
	lr =	simm.s32 $0x1  }
0x2: {  	[smem:$0x3F8E] =	sst lr;
	_ =	strace $0xD0000000  }
0x3: {  	_ = 	snop  }
0x4: {  	_ = 	snop  }
0x5: {  	_ = 	snop  }
0x6: {  	_ = 	snop  }
0x7: {  	_ = 	snop  }
__scs_overlays_trampoline_lowered:
0x8: {  	[smem:$0x3F9D] =	sst s0  }
0x9: {  	[smem:$0x3F9E] =	sst s1  }
0xa: {  	[smem:$0x3F9F] =	sst s2  }
0xb: {  	[smem:$0x3FA0] =	sst s3  }
0xc: {  	[smem:$0x3FA1] =	sst s4  }
0xd: {  	[smem:$0x3FA2] =	sst s5  }
0xe: {  	[smem:$0x3FA3] =	sst s6  }
0xf: {  	[smem:$0x3FA4] =	sst s7  }
0x10: {  	[smem:$0x3FA5] =	sst s8  }
0x11: {  	[smem:$0x3FA6] =	sst s9;
	s0 =	simm.s32 @!p0 $0x0  }
0x12: {  	s1 =	sld [smem:$0x3F8C];
	s0 =	simm.s32 @p0 $0x1  }
0x13: {  	[smem:$0x3FA7] =	sst s0;
	s0 =	simm.s32 @!p1 $0x0  }
0x14: {  	s2 =	sld [smem:$0x3F8B];
	s0 =	simm.s32 @p1 $0x1  }
0x15: {  	[smem:$0x3FA8] =	sst s0;
	s0 =	simm.s32 @!p2 $0x0  }
0x16: {  	s3 =	sld [smem:$0x3FDB];
	s0 =	simm.s32 @p2 $0x1  }
0x17: {  	s4 =	simm.s32 $0x1BF5;
	[smem:$0x3FAA] =	sst s0  }
0x18: {  	s0 =	sld [smem:$0x3F8D];
	_ =	swait.ge [sflag:s4], $0x0  }
0x19: {  	s7 =	sld [smem:$0x3F8E]  }
0x1a: {  	s8 =	sadd.s32 $0xFFFFE003, lr  }
0x1b: {  	s9 =	sadd.s32 $0xFFFFFEF7, lr;
	s5 =	simm.s32 $0xFFFFFFFF;
	p2 =	slt.u32 s8, $0xFFFFF086  }
0x1c: {  	p1 =	slt.u32 s9, $0xF7A;
	s5 =	simm.s32 @!p2 $0x0  }
0x1d: {  	s5 =	simm.s32 @p1 $0x1;
	p0 =	seq.s32 s7, s2  }
0x1e: {  	s7 =	smul.u32 @!p0 $0xF7A, s2;
	p2 =	seq.s32 @!p0 s5, $0x0  }
0x1f: {  	s9 =	smul.u32 $0xF7A, s1;
	s8 =	simm.s32 @!p0 $0x1BF5;
	p2 =	por !p2, p0  }
0x20: {  	[sflag:s8] =	ssyncset.s32 @!p0 $0xFFFFF086;
	s6 =	sadd.s32 @!p0 s3, s7;
	s7 =	simm.s32 @!p0 $0x108  }
0x21: {  	s3 =	sadd.s32 s3, s9;
	s6 =	sadd.s32 @!p0 $0x88, s6;
	s7 =	simm.s32 @p2 $0x1082  }
0x22: {  	[simem:s7], [sflag:s8] =	dma.local @!p0 [hbm:s6], $0xF7A  }
0x23: {  	s9 =	sor.u32 $0xD0000000, s2;
	s6 =	simm.s32 $0x108;
	_ =	swait.ge @!p0 [sflag:s8], $0x0  }
0x24: {  	s3 =	sadd.s32 $0x88, s3;
	s6 =	simm.s32 @!p1 $0x1082;
	[sflag:s4] =	ssyncset.s32 $0xFFFFF086  }
0x25: {  	[simem:s6], [sflag:s4] =	dma.local [hbm:s3], $0xF7A  }
0x26: {  	[smem:$0x3F8E] =	sst s1;
	(tag) =	ssettag s2;
	_ =	strace s9  }
0x27: {  	s1 =	sld [smem:$0x3F9E]  }
0x28: {  	s2 =	sld [smem:$0x3F9F]  }
0x29: {  	s4 =	sld [smem:$0x3FA1]  }
0x2a: {  	p0 =	seq.s32 s5, $0x0;
	s5 =	sld [smem:$0x3FA2]  }
0x2b: {  	s6 =	sld [smem:$0x3FA3]  }
0x2c: {  	s7 =	sld [smem:$0x3FA4]  }
0x2d: {  	s3 =	simm.s32 $0x108;
	s8 =	sld [smem:$0x3FA5]  }
0x2e: {  	s3 =	simm.s32 @!p0 $0x1082;
	s9 =	sld [smem:$0x3FA6]  }
0x2f: {  	lr =	sadd.s32 s0, s3;
	s0 =	sld [smem:$0x3F9D]  }
0x30: {  	s3 =	sld [smem:$0x3FA0]  }
0x31: {  	[smem:$0x3FA9] =	sst s10  }
0x32: {  	s10 =	sld [smem:$0x3FA7];
	_ =	sdelay $0x3  }
0x33: {  	p0 =	seq.s32 s10, $0x1;
	s10 =	sld [smem:$0x3FA9];
	_ =	sdelay $0x3  }
0x34: {  	[smem:$0x3FA9] =	sst s10  }
0x35: {  	s10 =	sld [smem:$0x3FA8];
	_ =	sdelay $0x3  }
0x36: {  	p1 =	seq.s32 s10, $0x1;
	s10 =	sld [smem:$0x3FA9];
	_ =	sdelay $0x3  }
0x37: {  	[smem:$0x3FA9] =	sst s10  }
0x38: {  	s10 =	sld [smem:$0x3FAA]  }
0x39: {  	_ = 	snop;
	(pc) =	sbr.ind lr, $3  }
0x3a: {  	_ = 	snop  }
0x3b: {  	_ = 	snop  }
0x3c: {  	p2 =	seq.s32 s10, $0x1;
	s10 =	sld [smem:$0x3FA9]  }
0x3d: {  	_ =	shalt  }
0x3e: {  	_ =	shalt  }
0x3f: {  	_ =	shalt  }
0x40: {  	_ =	shalt  }
0x41: {  	_ =	shalt  }
0x42: {  	_ =	shalt  }
0x43: {  	_ =	shalt  }
0x44: {  	_ =	shalt  }
0x45: {  	_ =	shalt  }
0x46: {  	_ =	shalt  }
0x47: {  	_ =	shalt  }
0x48: {  	_ =	shalt  }
0x49: {  	_ =	shalt  }
0x4a: {  	_ =	shalt  }
0x4b: {  	_ =	shalt  }
0x4c: {  	_ =	shalt  }
0x4d: {  	_ =	shalt  }
0x4e: {  	_ =	shalt  }
0x4f: {  	_ =	shalt  }
0x50: {  	_ =	shalt  }
0x51: {  	_ =	shalt  }
0x52: {  	_ =	shalt  }
0x53: {  	_ =	shalt  }
0x54: {  	_ =	shalt  }
0x55: {  	_ =	shalt  }
0x56: {  	_ =	shalt  }
0x57: {  	_ =	shalt  }
0x58: {  	_ =	shalt  }
0x59: {  	_ =	shalt  }
0x5a: {  	_ =	shalt  }
0x5b: {  	_ =	shalt  }
0x5c: {  	_ =	shalt  }
0x5d: {  	_ =	shalt  }
0x5e: {  	_ =	shalt  }
0x5f: {  	_ =	shalt  }
0x60: {  	_ =	shalt  }
0x61: {  	_ =	shalt  }
0x62: {  	_ =	shalt  }
0x63: {  	_ =	shalt  }
0x64: {  	_ =	shalt  }
0x65: {  	_ =	shalt  }
0x66: {  	_ =	shalt  }
0x67: {  	_ =	shalt  }
0x68: {  	_ =	shalt  }
0x69: {  	_ =	shalt  }
0x6a: {  	_ =	shalt  }
0x6b: {  	_ =	shalt  }
0x6c: {  	_ =	shalt  }
0x6d: {  	_ =	shalt  }
0x6e: {  	_ =	shalt  }
0x6f: {  	_ =	shalt  }
0x70: {  	_ =	shalt  }
0x71: {  	_ =	shalt  }
0x72: {  	_ =	shalt  }
0x73: {  	_ =	shalt  }
0x74: {  	_ =	shalt  }
0x75: {  	_ =	shalt  }
0x76: {  	_ =	shalt  }
0x77: {  	_ =	shalt  }
0x78: {  	_ =	shalt  }
0x79: {  	_ =	shalt  }
0x7a: {  	_ =	shalt  }
0x7b: {  	_ =	shalt  }
0x7c: {  	_ =	shalt  }
0x7d: {  	_ =	shalt  }
0x7e: {  	_ =	shalt  }
0x7f: {  	_ =	shalt  }
0x80: {  	_ =	shalt  }
0x81: {  	_ =	shalt  }
0x82: {  	_ =	shalt  }
0x83: {  	_ =	shalt  }
0x84: {  	_ =	shalt  }
0x85: {  	_ =	shalt  }
0x86: {  	_ =	shalt  }
0x87: {  	_ =	shalt  }
.Lfunc_end0:
.L_simem_size_0:
called_computation_lowered:
.L_overlay_start_0:
0x88: {  	s2 =	sld [smem:$0x3FD9]  }
0x89: {  	s3 =	sld [smem:$0x3FFE];
	_ =	sdelay $0x1  }
0x8a: {  	s1 =	srdreg.scid  }
0x8b: {  	s0 =	sand.u32 $0x1, s1  }
0x8c: {  	s16 =	sshll.u32 s0, $0xA;
	s2 =	sadd.s32 s3, s2  }
0x8d: {  	s2 =	sadd.s32 s2, s16  }
0x8e: {  	[smem:$0x3FB5] =	sst s2  }
0x8f: {  	_ = 	snop  }
0x90: {  	(tm) =	ssettm $0x1  }
0x91: {  	s17 =	sld [smem:$0x3FFB];
	_ =	sdelay $0x3  }
0x92: {  	_ =	strace s17  }
0x93: {  	s2 =	sld [smem:$0x3FFC];
	_ =	sdelay $0x3  }
0x94: {  	_ =	strace s2  }
0x95: {  	s2 =	sld [smem:$0x3FFD];
	_ =	sdelay $0x3  }
0x96: {  	_ =	strace s2  }
0x97: {  	_ =	strace $0x8FFFFFFF  }
0x98: {  	s18 =	sld [smem:$0x3FDB];
	_ =	sdelay $0x1  }
0x99: {  	s19 =	simm.s32 $_scs_section_size  }
0x9a: {  	s4 =	simm.s32 $_size__tile_overlayer_lowered;
	s5 =	simm.s32 $_tile_overlayer_lowered  }
0x9b: {  	s22 =	simm.s32 $0x1BFF;
	s21 =	sshll.u32 s5, $0x1;
	s2 =	sadd.s32 s19, s18  }
0x9c: {  	s6 =	simm.s32 $0x0;
	s20 =	sshll.u32 s4, $0x1;
	s4 =	sadd.s32 s21, s2  }
0x9d: {  	[timem:s6], [sflag:s22] =	dma.local [hbm:s4], s20  }
0x9e: {  	_ =	swait.ge [sflag:s22], s20  }
0x9f: {  	s3 =	ssub.s32 $0x0, s20;
	[sflag:s22] =	ssyncset.done $0x0  }
0xa0: {  	[sflag:s22] =	ssyncadd.s32 s3;
	_ =	sdelay $0x1  }
0xa1: {  	s23 =	simm.s32 $0x1B8B  }
0xa2: {  	_ =	swait.ge [sflag:s23], $0x1  }
0xa3: {  	[sflag:s23] =	ssyncset.done $0x0  }
0xa4: {  	s25 =	simm.s32 $0x1B8E;
	s24 =	sld [smem:$0x3FFE];
	[sflag:s23] =	ssyncadd.s32 $0xFFFFFFFF  }
0xa5: {  	s26 =	simm.s32 $execute0_lowered;
	[smem:$0x3FD2] =	sst s25  }
0xa6: {  	s4 =	sshll.u32 s26, $0x1;
	_ =	strace $0x80000046;
	[dreg:$0x1] =	wrdreg $0xFFFFFFFF  }
0xa7: {  	s28 =	simm.s32 $_size_execute0_lowered;
	s2 =	sadd.s32 s2, s4;
	[dreg:$0x0] =	wrdreg $0x0  }
0xa8: {  	s4 =	sshll.u32 s28, $0x1;
	[dreg:$0x2] =	wrdreg s2  }
0xa9: {  	[dreg:$0x3] =	wrdreg s4  }
0xaa: {  	[dreg:$0x4] =	wrdreg $0xC0  }
0xab: {  	_ =	task [dreg:s6], $0x5FFFF  }
0xac: {  	[dreg:$0x1] =	wrdreg $0xFFFFFFFF  }
0xad: {  	[dreg:$0x0] =	wrdreg $0x60  }
0xae: {  	[dreg:$0x2] =	wrdreg s24  }
0xaf: {  	[dreg:$0x3] =	wrdreg $0x9  }
0xb0: {  	_ =	task.clear_ibuf [dreg:s6], $0x4FFFF;
	_ =	strace $0x90000046  }
0xb1: {  	s29 =	simm.s32 $0x9;
	_ =	strace $0x80000048  }
0xb2: {  	_ =	swait.ge [sflag:s29], $0x1  }
0xb3: {  	[sflag:s29] =	ssyncadd.s32 $0xFFFFFFFF  }
0xb4: {  	_ =	strace $0x90000048  }
0xb5: {  	_ =	sfence  }
0xb6: {  	s30 =	sld [smem:$0x0];
	_ =	sdelay $0x2  }
0xb7: {  	s31 =	sshll.u32 s1, $0xD;
	s1 =	sshrl.u32 s1, $0x2  }
0xb8: {  	s3 =	sand.u32 $0x4000, s31;
	s1 =	sadd.s32 s1, s30  }
0xb9: {  	s0 =	sor.u32 s3, s0;
	s1 =	sshll.u32 s1, $0x11  }
0xba: {  	s0 =	sor.u32 s1, s0  }
0xbb: {  	s0 =	sadd.s32 $0x8F2B, s0  }
0xbc: {  	[sflag:s0] =	ssyncadd.remote.s32 $0x1  }
0xbd: {  	_ =	sfence.sel $0xFFFF  }
0xbe: {  	[dreg:$0x0] =	wrdreg $0xFFFFFFFF;
	(pc) =	sbr.abs _section_cstart, $3  }
0xbf: {  	[dreg:$0x1] =	wrdreg $0xFFFFFFFF  }
0xc0: {  	_ =	task.clear_ibuf [dreg:s6], $0x2FFFF;
	_ =	strace $0x9FFFFFFF  }
0xc1: {  	(tm) =	ssettm $0x7FFFFFFF  }
tec
execute0_lowered:
.L_overlay_start_1:
0x0: {  	(tag) =	ssettag $0x1  }
0x1: {  	s3 =	rddreg [dreg:$0x0];
	s2 =	simm.s32 $0x0  }
0x2: {  	s12 =	simm.s32 $0x68;
	[smem:$0x7FF] =	sst s2  }
0x3: {  	s13 =	simm.s32 $0xD0;
	_ =	strace $0x80000047;
	[dreg:$0x8] =	wrdreg s12  }
0x4: {  	s14 =	simm.s32 $0x138;
	[dreg:$0x9] =	wrdreg s13  }
0x5: {  	s15 =	simm.s32 $0x1A0;
	[dreg:$0xa] =	wrdreg s14  }
0x6: {  	s16 =	simm.s32 $0x208;
	[dreg:$0xb] =	wrdreg s15  }
0x7: {  	s18 =	simm.s32 $0x270;
	[dreg:$0xc] =	wrdreg s16  }
0x8: {  	s19 =	simm.s32 $0x2D8;
	[dreg:$0xd] =	wrdreg s18  }
0x9: {  	s20 =	simm.s32 $0x340;
	[dreg:$0xe] =	wrdreg s19  }
0xa: {  	s21 =	simm.s32 $0x3A8;
	[dreg:$0xf] =	wrdreg s20  }
0xb: {  	s22 =	simm.s32 $0x410;
	[dreg:$0x10] =	wrdreg s21  }
0xc: {  	s23 =	simm.s32 $0x478;
	[dreg:$0x11] =	wrdreg s22  }
0xd: {  	s24 =	simm.s32 $0x4E0;
	[dreg:$0x12] =	wrdreg s23  }
0xe: {  	s25 =	simm.s32 $0x548;
	[dreg:$0x13] =	wrdreg s24  }
0xf: {  	s0 =	srdreg.scid;
	s26 =	simm.s32 $0x5B0;
	[dreg:$0x14] =	wrdreg s25  }
0x10: {  	s17 =	stileid.u32;
	[dreg:$0x15] =	wrdreg s26;
	s12 =	simm.s32 $0x8F0  }
0x11: {  	s29 =	simm.s32 $0xEA0;
	s13 =	simm.s32 $0x958;
	[dreg:$0x1d] =	wrdreg s12  }
0x12: {  	s30 =	simm.s32 $0xF08;
	s14 =	simm.s32 $0x9C0;
	[dreg:$0x1e] =	wrdreg s13  }
0x13: {  	s31 =	simm.s32 $0xF70;
	s15 =	simm.s32 $0xA28;
	[dreg:$0x1f] =	wrdreg s14  }
0x14: {  	p0 =	por $0x0, $0x0;
	s16 =	simm.s32 $0xA90;
	[smem:$0x7F3] =	sst s15  }
0x15: {  	s28 =	simm.s32 $0x13E8;
	s18 =	simm.s32 $0xAF8;
	[smem:$0x7F4] =	sst s16  }
0x16: {  	s1 =	sand.u32 $0x1, s0;
	s19 =	simm.s32 $0xB60;
	[smem:$0x7F5] =	sst s18  }
0x17: {  	s6 =	sadd.s32 $0x12800, s3;
	s20 =	simm.s32 $0xBC8;
	[smem:$0x7F6] =	sst s19  }
0x18: {  	s0 =	sshll.u32 s1, $0x4;
	s21 =	simm.s32 $0xC30;
	[smem:$0x7F7] =	sst s20  }
0x19: {  	s1 =	ssub.s32 $0x2, s1;
	s22 =	simm.s32 $0xC98;
	[smem:$0x7F8] =	sst s21  }
0x1a: {  	s23 =	simm.s32 $0xD00;
	s24 =	simm.s32 $0xD68;
	[smem:$0x7F9] =	sst s22  }
0x1b: {  	s25 =	simm.s32 $0xDD0;
	s26 =	simm.s32 $0xE38;
	[smem:$0x7FA] =	sst s23  }
0x1c: {  	s0 =	sor.u32 s17, s0;
	s12 =	simm.s32 $0x5F50;
	[smem:$0x7FB] =	sst s24  }
0x1d: {  	s13 =	simm.s32 $0x6BD0;
	s15 =	simm.s32 $0x7850;
	[smem:$0x7FC] =	sst s25  }
0x1e: {  	s16 =	simm.s32 $0x84D0;
	s14 =	simm.s32 $0x1;
	s4 =	smul.u32 $0x28A, s0  }
0x1f: {  	[smem:$0x7FD] =	sst s26;
	s18 =	simm.s32 $0xFD8;
	s5 =	smul.u32 $0x27100, s0  }
0x20: {  	s19 =	simm.s32 $0x10A8;
	s20 =	simm.s32 $0x1110;
	s0 =	smul.u32 $0x4E20, s0  }
0x21: {  	s21 =	simm.s32 $0x1178;
	s22 =	simm.s32 $0x11E0;
	s23 =	simm.s32 $0x1248  }
0x22: {  	s24 =	simm.s32 $0x12B0;
	s4 =	sadd.s32 s4, s3;
	s0 =	sadd.s32 s6, s0  }
0x23: {  	s5 =	sshrl.u32 s5, $0x3;
	s4 =	sadd.s32 $0x3800, s4;
	[dreg:$0x3] =	wrdreg s0  }
0x24: {  	s7 =	sadd.s32 s6, s5;
	s5 =	simm.s32 $0x680;
	[dreg:$0x2] =	wrdreg s4  }
0x25: {  	s25 =	simm.s32 $0x1318;
	s6 =	simm.s32 $0x6E8;
	[dreg:$0x17] =	wrdreg s5  }
0x26: {  	s26 =	simm.s32 $0x1380;
	s8 =	sadd.s32 $0xFA0, s7;
	[dreg:$0x18] =	wrdreg s6  }
0x27: {  	s3 =	sadd.s32 $0x8A00, s3;
	s9 =	sadd.s32 $0x1F40, s7;
	[dreg:$0x4] =	wrdreg s8  }
0x28: {  	s10 =	sadd.s32 $0x2EE0, s7;
	s11 =	sadd.s32 $0x3E80, s7;
	[dreg:$0x5] =	wrdreg s9  }
0x29: {  	s4 =	simm.s32 $0x618;
	[dreg:$0x7] =	wrdreg s11;
	s11 =	sshrl.u32 s1, $0x1  }
0x2a: {  	s7 =	simm.s32 $0x750;
	[dreg:$0x6] =	wrdreg s10;
	s1 =	ssub.s32 s1, s11  }
0x2b: {  	s6 =	simm.s32 $0x64;
	[dreg:$0x16] =	wrdreg s4;
	s1 =	smax.u32 s1, $0x1  }
0x2c: {  	s5 =	simm.s32 $0x1450;
	[dreg:$0x19] =	wrdreg s7;
	p1 =	sne.s32 s1, $0x1  }
.Ltmp0:
0x2d: {  	s8 =	simm.s32 $0x7B8;
	s0 =	rddreg [dreg:$0x2];
	(pc) =	sbr.rel @!p1 .LBB2_1-.Ltmp0, $4  }
0x2e: {  	s9 =	simm.s32 $0x820;
	s10 =	simm.s32 $0x888;
	[dreg:$0x1a] =	wrdreg s8  }
0x2f: {  	s4 =	simm.s32 $0x2;
	s7 =	simm.s32 $0x20D0;
	[dreg:$0x1b] =	wrdreg s9  }
0x30: {  	[dreg:$0x1c] =	wrdreg s10;
	s8 =	simm.s32 $0x2D50;
	s9 =	simm.s32 $0x39D0  }
0x31: {  	s10 =	simm.s32 $0x4650;
	s11 =	simm.s32 $0x52D0;
	s1 =	sadd.s32 $0xFFFFFFFF, s1  }
0x32: {  	[tilespmem:s2], [sflag:$0x2] =	stream.linear.gather [hbm4b:s0+s2], $0x1450, $0x38;
	[tilespmem:$0x9150] =	vst v63  }
0x33: {  	_ =	swait.ge [sflag:s4], $0x1450  }
0x34: {  	[sflag:s4] =	ssyncset.done $0x0  }
0x35: {  	[sflag:s4] =	ssyncadd.s32 $0xFFFFEBB0  }
0x36: {  	[tilespmem:s5], [sflag:$0x1] =	stream.indirect.gather [hbm4b:s3+s6], $0x20, s2, s6, $0xb8;
	[tilespmem:$0x9150] =	vst v63  }
0x37: {  	s0 =	rddreg [dreg:$0x8]  }
0x38: {  	[tilespmem:s7], [sflag:$0x1] =	stream.indirect.gather [hbm4b:s3+s6], $0x20, s0, s6, $0xb8;
	[tilespmem:$0x9150] =	vst v63  }
0x39: {  	s17 =	smov.u32 s1;
	s1 =	rddreg [dreg:$0x9]  }
0x3a: {  	[tilespmem:s8], [sflag:$0x1] =	stream.indirect.gather [hbm4b:s3+s6], $0x20, s1, s6, $0xb8;
	[tilespmem:$0x9150] =	vst v63  }
0x3b: {  	s0 =	rddreg [dreg:$0xa]  }
0x3c: {  	[tilespmem:s9], [sflag:$0x1] =	stream.indirect.gather [hbm4b:s3+s6], $0x20, s0, s6, $0xb8;
	[tilespmem:$0x9150] =	vst v63  }
0x3d: {  	s1 =	rddreg [dreg:$0xb]  }
0x3e: {  	[tilespmem:s10], [sflag:$0x1] =	stream.indirect.gather [hbm4b:s3+s6], $0x20, s1, s6, $0xb8;
	[tilespmem:$0x9150] =	vst v63  }
0x3f: {  	s0 =	rddreg [dreg:$0xc]  }
0x40: {  	[tilespmem:s11], [sflag:$0x1] =	stream.indirect.gather [hbm4b:s3+s6], $0x20, s0, s6, $0xb8;
	[tilespmem:$0x9150] =	vst v63  }
0x41: {  	s1 =	rddreg [dreg:$0xd]  }
0x42: {  	[tilespmem:s12], [sflag:$0x1] =	stream.indirect.gather [hbm4b:s3+s6], $0x20, s1, s6, $0xb8;
	[tilespmem:$0x9150] =	vst v63  }
0x43: {  	s0 =	rddreg [dreg:$0xe]  }
0x44: {  	[tilespmem:s13], [sflag:$0x1] =	stream.indirect.gather [hbm4b:s3+s6], $0x20, s0, s6, $0xb8;
	[tilespmem:$0x9150] =	vst v63  }
0x45: {  	s1 =	rddreg [dreg:$0xf]  }
0x46: {  	[tilespmem:s15], [sflag:$0x1] =	stream.indirect.gather [hbm4b:s3+s6], $0x20, s1, s6, $0xb8;
	[tilespmem:$0x9150] =	vst v63  }
0x47: {  	s0 =	rddreg [dreg:$0x10]  }
0x48: {  	[tilespmem:s16], [sflag:$0x1] =	stream.indirect.gather [hbm4b:s3+s6], $0x20, s0, s6, $0xb8;
	[tilespmem:$0x9150] =	vst v63  }
0x49: {  	_ =	swait.ge [sflag:s14], $0x7D00  }
0x4a: {  	[sflag:s14] =	ssyncset.done $0x0  }
0x4b: {  	s1 =	rddreg [dreg:$0x3];
	[sflag:s14] =	ssyncadd.s32 $0xFFFF8300  }
0x4c: {  	[hbm4b:s1+s2] =	stream.linear.scatter [tilespmem:s5], [sflag:$0x2], $0x7D00, $0x38;
	[tilespmem:$0x9150] =	vst v63  }
0x4d: {  	_ =	swait.ge [sflag:s4], $0x7D00  }
0x4e: {  	[sflag:s4] =	ssyncset.done $0x0  }
0x4f: {  	s0 =	rddreg [dreg:$0x11];
	[sflag:s4] =	ssyncadd.s32 $0xFFFF8300  }
0x50: {  	[tilespmem:s5], [sflag:$0x1] =	stream.indirect.gather [hbm4b:s3+s6], $0x20, s0, s6, $0xb8;
	[tilespmem:$0x9150] =	vst v63  }
0x51: {  	s1 =	rddreg [dreg:$0x12]  }
0x52: {  	[tilespmem:s7], [sflag:$0x1] =	stream.indirect.gather [hbm4b:s3+s6], $0x20, s1, s6, $0xb8;
	[tilespmem:$0x9150] =	vst v63  }
0x53: {  	s0 =	rddreg [dreg:$0x13]  }
0x54: {  	[tilespmem:s8], [sflag:$0x1] =	stream.indirect.gather [hbm4b:s3+s6], $0x20, s0, s6, $0xb8;
	[tilespmem:$0x9150] =	vst v63  }
0x55: {  	s1 =	rddreg [dreg:$0x14]  }
0x56: {  	[tilespmem:s9], [sflag:$0x1] =	stream.indirect.gather [hbm4b:s3+s6], $0x20, s1, s6, $0xb8;
	[tilespmem:$0x9150] =	vst v63  }
0x57: {  	s0 =	rddreg [dreg:$0x15]  }
0x58: {  	[tilespmem:s10], [sflag:$0x1] =	stream.indirect.gather [hbm4b:s3+s6], $0x20, s0, s6, $0xb8;
	[tilespmem:$0x9150] =	vst v63  }
0x59: {  	s1 =	rddreg [dreg:$0x16]  }
0x5a: {  	[tilespmem:s11], [sflag:$0x1] =	stream.indirect.gather [hbm4b:s3+s6], $0x20, s1, s6, $0xb8;
	[tilespmem:$0x9150] =	vst v63  }
0x5b: {  	s0 =	rddreg [dreg:$0x17]  }
0x5c: {  	[tilespmem:s12], [sflag:$0x1] =	stream.indirect.gather [hbm4b:s3+s6], $0x20, s0, s6, $0xb8;
	[tilespmem:$0x9150] =	vst v63  }
0x5d: {  	s1 =	rddreg [dreg:$0x18]  }
0x5e: {  	[tilespmem:s13], [sflag:$0x1] =	stream.indirect.gather [hbm4b:s3+s6], $0x20, s1, s6, $0xb8;
	[tilespmem:$0x9150] =	vst v63  }
0x5f: {  	s0 =	rddreg [dreg:$0x19]  }
0x60: {  	[tilespmem:s15], [sflag:$0x1] =	stream.indirect.gather [hbm4b:s3+s6], $0x20, s0, s6, $0xb8;
	[tilespmem:$0x9150] =	vst v63  }
0x61: {  	s1 =	rddreg [dreg:$0x1a]  }
0x62: {  	[tilespmem:s16], [sflag:$0x1] =	stream.indirect.gather [hbm4b:s3+s6], $0x20, s1, s6, $0xb8;
	[tilespmem:$0x9150] =	vst v63  }
0x63: {  	_ =	swait.ge [sflag:s14], $0x7D00  }
0x64: {  	[sflag:s14] =	ssyncset.done $0x0  }
0x65: {  	s1 =	rddreg [dreg:$0x4];
	[sflag:s14] =	ssyncadd.s32 $0xFFFF8300  }
0x66: {  	[hbm4b:s1+s2] =	stream.linear.scatter [tilespmem:s5], [sflag:$0x2], $0x7D00, $0x38;
	[tilespmem:$0x9150] =	vst v63  }
0x67: {  	_ =	swait.ge [sflag:s4], $0x7D00  }
0x68: {  	s0 =	rddreg [dreg:$0x1b];
	[sflag:s4] =	ssyncset.done $0x0  }
0x69: {  	s1 =	rddreg [dreg:$0x1c];
	[sflag:s4] =	ssyncadd.s32 $0xFFFF8300  }
0x6a: {  	[tilespmem:s5], [sflag:$0x1] =	stream.indirect.gather [hbm4b:s3+s6], $0x20, s0, s6, $0xb8;
	[tilespmem:$0x9150] =	vst v63  }
0x6b: {  	s0 =	rddreg [dreg:$0x1d]  }
0x6c: {  	[tilespmem:s7], [sflag:$0x1] =	stream.indirect.gather [hbm4b:s3+s6], $0x20, s1, s6, $0xb8;
	[tilespmem:$0x9150] =	vst v63  }
0x6d: {  	s1 =	rddreg [dreg:$0x1e]  }
0x6e: {  	[tilespmem:s8], [sflag:$0x1] =	stream.indirect.gather [hbm4b:s3+s6], $0x20, s0, s6, $0xb8;
	[tilespmem:$0x9150] =	vst v63  }
0x6f: {  	s0 =	rddreg [dreg:$0x1f]  }
0x70: {  	[tilespmem:s9], [sflag:$0x1] =	stream.indirect.gather [hbm4b:s3+s6], $0x20, s1, s6, $0xb8;
	[tilespmem:$0x9150] =	vst v63  }
0x71: {  	s1 =	sld [smem:$0x7F3]  }
0x72: {  	[tilespmem:s10], [sflag:$0x1] =	stream.indirect.gather [hbm4b:s3+s6], $0x20, s0, s6, $0xb8;
	[tilespmem:$0x9150] =	vst v63  }
0x73: {  	s0 =	sld [smem:$0x7F4]  }
0x74: {  	[tilespmem:s11], [sflag:$0x1] =	stream.indirect.gather [hbm4b:s3+s6], $0x20, s1, s6, $0xb8;
	[tilespmem:$0x9150] =	vst v63  }
0x75: {  	s1 =	sld [smem:$0x7F5]  }
0x76: {  	[tilespmem:s12], [sflag:$0x1] =	stream.indirect.gather [hbm4b:s3+s6], $0x20, s0, s6, $0xb8;
	[tilespmem:$0x9150] =	vst v63  }
0x77: {  	s0 =	sld [smem:$0x7F6]  }
0x78: {  	[tilespmem:s13], [sflag:$0x1] =	stream.indirect.gather [hbm4b:s3+s6], $0x20, s1, s6, $0xb8;
	[tilespmem:$0x9150] =	vst v63  }
0x79: {  	s1 =	sld [smem:$0x7F7]  }
0x7a: {  	[tilespmem:s15], [sflag:$0x1] =	stream.indirect.gather [hbm4b:s3+s6], $0x20, s0, s6, $0xb8;
	[tilespmem:$0x9150] =	vst v63  }
0x7b: {  	_ = 	snop  }
0x7c: {  	[tilespmem:s16], [sflag:$0x1] =	stream.indirect.gather [hbm4b:s3+s6], $0x20, s1, s6, $0xb8;
	[tilespmem:$0x9150] =	vst v63  }
0x7d: {  	_ =	swait.ge [sflag:s14], $0x7D00  }
0x7e: {  	[sflag:s14] =	ssyncset.done $0x0  }
0x7f: {  	s1 =	rddreg [dreg:$0x5];
	[sflag:s14] =	ssyncadd.s32 $0xFFFF8300  }
0x80: {  	[hbm4b:s1+s2] =	stream.linear.scatter [tilespmem:s5], [sflag:$0x2], $0x7D00, $0x38;
	[tilespmem:$0x9150] =	vst v63  }
0x81: {  	_ =	swait.ge [sflag:s4], $0x7D00  }
0x82: {  	s0 =	sld [smem:$0x7F8]  }
0x83: {  	[sflag:s4] =	ssyncset.done $0x0  }
0x84: {  	s1 =	sld [smem:$0x7F9];
	[sflag:s4] =	ssyncadd.s32 $0xFFFF8300  }
0x85: {  	[tilespmem:s5], [sflag:$0x1] =	stream.indirect.gather [hbm4b:s3+s6], $0x20, s0, s6, $0xb8;
	[tilespmem:$0x9150] =	vst v63  }
0x86: {  	s0 =	sld [smem:$0x7FA]  }
0x87: {  	[tilespmem:s7], [sflag:$0x1] =	stream.indirect.gather [hbm4b:s3+s6], $0x20, s1, s6, $0xb8;
	[tilespmem:$0x9150] =	vst v63  }
0x88: {  	s1 =	sld [smem:$0x7FB]  }
0x89: {  	[tilespmem:s8], [sflag:$0x1] =	stream.indirect.gather [hbm4b:s3+s6], $0x20, s0, s6, $0xb8;
	[tilespmem:$0x9150] =	vst v63  }
0x8a: {  	s0 =	sld [smem:$0x7FC]  }
0x8b: {  	[tilespmem:s9], [sflag:$0x1] =	stream.indirect.gather [hbm4b:s3+s6], $0x20, s1, s6, $0xb8;
	[tilespmem:$0x9150] =	vst v63  }
0x8c: {  	s1 =	sld [smem:$0x7FD]  }
0x8d: {  	[tilespmem:s10], [sflag:$0x1] =	stream.indirect.gather [hbm4b:s3+s6], $0x20, s0, s6, $0xb8;
	[tilespmem:$0x9150] =	vst v63  }
0x8e: {  	_ = 	snop  }
0x8f: {  	[tilespmem:s11], [sflag:$0x1] =	stream.indirect.gather [hbm4b:s3+s6], $0x20, s1, s6, $0xb8;
	[tilespmem:$0x9150] =	vst v63  }
0x90: {  	_ = 	snop  }
0x91: {  	[tilespmem:s12], [sflag:$0x1] =	stream.indirect.gather [hbm4b:s3+s6], $0x20, s29, s6, $0xb8;
	[tilespmem:$0x9150] =	vst v63  }
0x92: {  	_ = 	snop  }
0x93: {  	[tilespmem:s13], [sflag:$0x1] =	stream.indirect.gather [hbm4b:s3+s6], $0x20, s30, s6, $0xb8;
	[tilespmem:$0x9150] =	vst v63  }
0x94: {  	_ = 	snop  }
0x95: {  	[tilespmem:s15], [sflag:$0x1] =	stream.indirect.gather [hbm4b:s3+s6], $0x20, s31, s6, $0xb8;
	[tilespmem:$0x9150] =	vst v63  }
0x96: {  	_ = 	snop  }
0x97: {  	[tilespmem:s16], [sflag:$0x1] =	stream.indirect.gather [hbm4b:s3+s6], $0x20, s18, s6, $0xb8;
	[tilespmem:$0x9150] =	vst v63  }
0x98: {  	_ =	swait.ge [sflag:s14], $0x7D00  }
0x99: {  	[sflag:s14] =	ssyncset.done $0x0  }
0x9a: {  	s1 =	rddreg [dreg:$0x6];
	[sflag:s14] =	ssyncadd.s32 $0xFFFF8300  }
0x9b: {  	[hbm4b:s1+s2] =	stream.linear.scatter [tilespmem:s5], [sflag:$0x2], $0x7D00, $0x38;
	[tilespmem:$0x9150] =	vst v63  }
0x9c: {  	_ =	swait.ge [sflag:s4], $0x7D00  }
0x9d: {  	[sflag:s4] =	ssyncset.done $0x0  }
0x9e: {  	s1 =	simm.s32 $0x1040;
	[sflag:s4] =	ssyncadd.s32 $0xFFFF8300  }
0x9f: {  	[tilespmem:s5], [sflag:$0x1] =	stream.indirect.gather [hbm4b:s3+s6], $0x20, s1, s6, $0xb8;
	[tilespmem:$0x9150] =	vst v63  }
0xa0: {  	_ = 	snop  }
0xa1: {  	[tilespmem:s7], [sflag:$0x1] =	stream.indirect.gather [hbm4b:s3+s6], $0x20, s19, s6, $0xb8;
	[tilespmem:$0x9150] =	vst v63  }
0xa2: {  	_ = 	snop  }
0xa3: {  	[tilespmem:s8], [sflag:$0x1] =	stream.indirect.gather [hbm4b:s3+s6], $0x20, s20, s6, $0xb8;
	[tilespmem:$0x9150] =	vst v63  }
0xa4: {  	_ = 	snop  }
0xa5: {  	[tilespmem:s9], [sflag:$0x1] =	stream.indirect.gather [hbm4b:s3+s6], $0x20, s21, s6, $0xb8;
	[tilespmem:$0x9150] =	vst v63  }
0xa6: {  	_ = 	snop  }
0xa7: {  	[tilespmem:s10], [sflag:$0x1] =	stream.indirect.gather [hbm4b:s3+s6], $0x20, s22, s6, $0xb8;
	[tilespmem:$0x9150] =	vst v63  }
0xa8: {  	_ = 	snop  }
0xa9: {  	[tilespmem:s11], [sflag:$0x1] =	stream.indirect.gather [hbm4b:s3+s6], $0x20, s23, s6, $0xb8;
	[tilespmem:$0x9150] =	vst v63  }
0xaa: {  	_ = 	snop  }
0xab: {  	[tilespmem:s12], [sflag:$0x1] =	stream.indirect.gather [hbm4b:s3+s6], $0x20, s24, s6, $0xb8;
	[tilespmem:$0x9150] =	vst v63  }
0xac: {  	_ = 	snop  }
0xad: {  	[tilespmem:s13], [sflag:$0x1] =	stream.indirect.gather [hbm4b:s3+s6], $0x20, s25, s6, $0xb8;
	[tilespmem:$0x9150] =	vst v63  }
0xae: {  	_ = 	snop  }
0xaf: {  	[tilespmem:s15], [sflag:$0x1] =	stream.indirect.gather [hbm4b:s3+s6], $0x20, s26, s6, $0xb8;
	[tilespmem:$0x9150] =	vst v63  }
0xb0: {  	_ = 	snop  }
0xb1: {  	[tilespmem:s16], [sflag:$0x1] =	stream.indirect.gather [hbm4b:s3+s6], $0x20, s28, s6, $0xb8;
	[tilespmem:$0x9150] =	vst v63  }
0xb2: {  	p1 =	sne.s32 s17, $0x1;
	_ =	swait.ge [sflag:s14], $0x7D00  }
.Ltmp1:
0xb3: {  	[sflag:s14] =	ssyncset.done $0x0;
	(pc) =	sbr.rel @!p1 .LBB2_3-.Ltmp1, $4  }
0xb4: {  	s1 =	rddreg [dreg:$0x7];
	[sflag:s14] =	ssyncadd.s32 $0xFFFF8300  }
0xb5: {  	[hbm4b:s1+s2] =	stream.linear.scatter [tilespmem:s5], [sflag:$0x2], $0x7D00, $0x38;
	[tilespmem:$0x9150] =	vst v63  }
0xb6: {  	p0 =	por $0x1, $0x1;
	_ =	swait.ge [sflag:s4], $0x7D00  }
0xb7: {  	s1 =	sadd.s32 $0xFFFFFFFF, s17;
	s0 =	rddreg [dreg:$0x2];
	[sflag:s4] =	ssyncset.done $0x0  }
.LBB2_4:
0xb8: {  	[sflag:s4] =	ssyncadd.s32 $0xFFFF8300  }
0xb9: {  	[tilespmem:s2], [sflag:$0x2] =	stream.linear.gather [hbm4b:s0+s2], $0x1450, $0x38;
	[tilespmem:$0x9150] =	vst v63  }
0xba: {  	_ =	swait.ge [sflag:s4], $0x1450  }
0xbb: {  	[sflag:s4] =	ssyncset.done $0x0  }
0xbc: {  	[sflag:s4] =	ssyncadd.s32 $0xFFFFEBB0  }
0xbd: {  	[tilespmem:s5], [sflag:$0x1] =	stream.indirect.gather [hbm4b:s3+s6], $0x20, s2, s6, $0xb8;
	[tilespmem:$0x9150] =	vst v63  }
0xbe: {  	s0 =	rddreg [dreg:$0x8]  }
0xbf: {  	[tilespmem:s7], [sflag:$0x1] =	stream.indirect.gather [hbm4b:s3+s6], $0x20, s0, s6, $0xb8;
	[tilespmem:$0x9150] =	vst v63  }
0xc0: {  	s17 =	rddreg [dreg:$0x9]  }
0xc1: {  	[tilespmem:s8], [sflag:$0x1] =	stream.indirect.gather [hbm4b:s3+s6], $0x20, s17, s6, $0xb8;
	[tilespmem:$0x9150] =	vst v63  }
0xc2: {  	s0 =	rddreg [dreg:$0xa]  }
0xc3: {  	[tilespmem:s9], [sflag:$0x1] =	stream.indirect.gather [hbm4b:s3+s6], $0x20, s0, s6, $0xb8;
	[tilespmem:$0x9150] =	vst v63  }
0xc4: {  	s17 =	rddreg [dreg:$0xb]  }
0xc5: {  	[tilespmem:s10], [sflag:$0x1] =	stream.indirect.gather [hbm4b:s3+s6], $0x20, s17, s6, $0xb8;
	[tilespmem:$0x9150] =	vst v63  }
0xc6: {  	s0 =	rddreg [dreg:$0xc]  }
0xc7: {  	[tilespmem:s11], [sflag:$0x1] =	stream.indirect.gather [hbm4b:s3+s6], $0x20, s0, s6, $0xb8;
	[tilespmem:$0x9150] =	vst v63  }
0xc8: {  	s17 =	rddreg [dreg:$0xd]  }
0xc9: {  	[tilespmem:s12], [sflag:$0x1] =	stream.indirect.gather [hbm4b:s3+s6], $0x20, s17, s6, $0xb8;
	[tilespmem:$0x9150] =	vst v63  }
0xca: {  	s0 =	rddreg [dreg:$0xe]  }
0xcb: {  	[tilespmem:s13], [sflag:$0x1] =	stream.indirect.gather [hbm4b:s3+s6], $0x20, s0, s6, $0xb8;
	[tilespmem:$0x9150] =	vst v63  }
0xcc: {  	s17 =	rddreg [dreg:$0xf]  }
0xcd: {  	[tilespmem:s15], [sflag:$0x1] =	stream.indirect.gather [hbm4b:s3+s6], $0x20, s17, s6, $0xb8;
	[tilespmem:$0x9150] =	vst v63  }
0xce: {  	s0 =	rddreg [dreg:$0x10]  }
0xcf: {  	[tilespmem:s16], [sflag:$0x1] =	stream.indirect.gather [hbm4b:s3+s6], $0x20, s0, s6, $0xb8;
	[tilespmem:$0x9150] =	vst v63  }
0xd0: {  	_ =	swait.ge [sflag:s14], $0x7D00  }
0xd1: {  	[sflag:s14] =	ssyncset.done $0x0  }
0xd2: {  	s17 =	rddreg [dreg:$0x3];
	[sflag:s14] =	ssyncadd.s32 $0xFFFF8300  }
0xd3: {  	[hbm4b:s17+s2] =	stream.linear.scatter [tilespmem:s5], [sflag:$0x2], $0x7D00, $0x38;
	[tilespmem:$0x9150] =	vst v63  }
0xd4: {  	_ =	swait.ge [sflag:s4], $0x7D00  }
0xd5: {  	[sflag:s4] =	ssyncset.done $0x0  }
0xd6: {  	s0 =	rddreg [dreg:$0x11];
	[sflag:s4] =	ssyncadd.s32 $0xFFFF8300  }
0xd7: {  	[tilespmem:s5], [sflag:$0x1] =	stream.indirect.gather [hbm4b:s3+s6], $0x20, s0, s6, $0xb8;
	[tilespmem:$0x9150] =	vst v63  }
0xd8: {  	s17 =	rddreg [dreg:$0x12]  }
0xd9: {  	[tilespmem:s7], [sflag:$0x1] =	stream.indirect.gather [hbm4b:s3+s6], $0x20, s17, s6, $0xb8;
	[tilespmem:$0x9150] =	vst v63  }
0xda: {  	s0 =	rddreg [dreg:$0x13]  }
0xdb: {  	[tilespmem:s8], [sflag:$0x1] =	stream.indirect.gather [hbm4b:s3+s6], $0x20, s0, s6, $0xb8;
	[tilespmem:$0x9150] =	vst v63  }
0xdc: {  	s17 =	rddreg [dreg:$0x14]  }
0xdd: {  	[tilespmem:s9], [sflag:$0x1] =	stream.indirect.gather [hbm4b:s3+s6], $0x20, s17, s6, $0xb8;
	[tilespmem:$0x9150] =	vst v63  }
0xde: {  	s0 =	rddreg [dreg:$0x15]  }
0xdf: {  	[tilespmem:s10], [sflag:$0x1] =	stream.indirect.gather [hbm4b:s3+s6], $0x20, s0, s6, $0xb8;
	[tilespmem:$0x9150] =	vst v63  }
0xe0: {  	s17 =	rddreg [dreg:$0x16]  }
0xe1: {  	[tilespmem:s11], [sflag:$0x1] =	stream.indirect.gather [hbm4b:s3+s6], $0x20, s17, s6, $0xb8;
	[tilespmem:$0x9150] =	vst v63  }
0xe2: {  	s0 =	rddreg [dreg:$0x17]  }
0xe3: {  	[tilespmem:s12], [sflag:$0x1] =	stream.indirect.gather [hbm4b:s3+s6], $0x20, s0, s6, $0xb8;
	[tilespmem:$0x9150] =	vst v63  }
0xe4: {  	s17 =	rddreg [dreg:$0x18]  }
0xe5: {  	[tilespmem:s13], [sflag:$0x1] =	stream.indirect.gather [hbm4b:s3+s6], $0x20, s17, s6, $0xb8;
	[tilespmem:$0x9150] =	vst v63  }
0xe6: {  	s0 =	rddreg [dreg:$0x19]  }
0xe7: {  	[tilespmem:s15], [sflag:$0x1] =	stream.indirect.gather [hbm4b:s3+s6], $0x20, s0, s6, $0xb8;
	[tilespmem:$0x9150] =	vst v63  }
0xe8: {  	s17 =	rddreg [dreg:$0x1a]  }
0xe9: {  	[tilespmem:s16], [sflag:$0x1] =	stream.indirect.gather [hbm4b:s3+s6], $0x20, s17, s6, $0xb8;
	[tilespmem:$0x9150] =	vst v63  }
0xea: {  	_ =	swait.ge [sflag:s14], $0x7D00  }
0xeb: {  	[sflag:s14] =	ssyncset.done $0x0  }
0xec: {  	s17 =	rddreg [dreg:$0x4];
	[sflag:s14] =	ssyncadd.s32 $0xFFFF8300  }
0xed: {  	[hbm4b:s17+s2] =	stream.linear.scatter [tilespmem:s5], [sflag:$0x2], $0x7D00, $0x38;
	[tilespmem:$0x9150] =	vst v63  }
0xee: {  	_ =	swait.ge [sflag:s4], $0x7D00  }
0xef: {  	s0 =	rddreg [dreg:$0x1b];
	[sflag:s4] =	ssyncset.done $0x0  }
0xf0: {  	s17 =	rddreg [dreg:$0x1c];
	[sflag:s4] =	ssyncadd.s32 $0xFFFF8300  }
0xf1: {  	[tilespmem:s5], [sflag:$0x1] =	stream.indirect.gather [hbm4b:s3+s6], $0x20, s0, s6, $0xb8;
	[tilespmem:$0x9150] =	vst v63  }
0xf2: {  	s0 =	rddreg [dreg:$0x1d]  }
0xf3: {  	[tilespmem:s7], [sflag:$0x1] =	stream.indirect.gather [hbm4b:s3+s6], $0x20, s17, s6, $0xb8;
	[tilespmem:$0x9150] =	vst v63  }
0xf4: {  	s17 =	rddreg [dreg:$0x1e]  }
0xf5: {  	[tilespmem:s8], [sflag:$0x1] =	stream.indirect.gather [hbm4b:s3+s6], $0x20, s0, s6, $0xb8;
	[tilespmem:$0x9150] =	vst v63  }
0xf6: {  	s0 =	rddreg [dreg:$0x1f]  }
0xf7: {  	[tilespmem:s9], [sflag:$0x1] =	stream.indirect.gather [hbm4b:s3+s6], $0x20, s17, s6, $0xb8;
	[tilespmem:$0x9150] =	vst v63  }
0xf8: {  	s17 =	sld [smem:$0x7F3]  }
0xf9: {  	[tilespmem:s10], [sflag:$0x1] =	stream.indirect.gather [hbm4b:s3+s6], $0x20, s0, s6, $0xb8;
	[tilespmem:$0x9150] =	vst v63  }
0xfa: {  	s0 =	sld [smem:$0x7F4]  }
0xfb: {  	[tilespmem:s11], [sflag:$0x1] =	stream.indirect.gather [hbm4b:s3+s6], $0x20, s17, s6, $0xb8;
	[tilespmem:$0x9150] =	vst v63  }
0xfc: {  	s17 =	sld [smem:$0x7F5]  }
0xfd: {  	[tilespmem:s12], [sflag:$0x1] =	stream.indirect.gather [hbm4b:s3+s6], $0x20, s0, s6, $0xb8;
	[tilespmem:$0x9150] =	vst v63  }
0xfe: {  	s0 =	sld [smem:$0x7F6]  }
0xff: {  	[tilespmem:s13], [sflag:$0x1] =	stream.indirect.gather [hbm4b:s3+s6], $0x20, s17, s6, $0xb8;
	[tilespmem:$0x9150] =	vst v63  }
0x100: {  	s17 =	sld [smem:$0x7F7]  }
0x101: {  	[tilespmem:s15], [sflag:$0x1] =	stream.indirect.gather [hbm4b:s3+s6], $0x20, s0, s6, $0xb8;
	[tilespmem:$0x9150] =	vst v63  }
0x102: {  	_ = 	snop  }
0x103: {  	[tilespmem:s16], [sflag:$0x1] =	stream.indirect.gather [hbm4b:s3+s6], $0x20, s17, s6, $0xb8;
	[tilespmem:$0x9150] =	vst v63  }
0x104: {  	_ =	swait.ge [sflag:s14], $0x7D00  }
0x105: {  	[sflag:s14] =	ssyncset.done $0x0  }
0x106: {  	s17 =	rddreg [dreg:$0x5];
	[sflag:s14] =	ssyncadd.s32 $0xFFFF8300  }
0x107: {  	[hbm4b:s17+s2] =	stream.linear.scatter [tilespmem:s5], [sflag:$0x2], $0x7D00, $0x38;
	[tilespmem:$0x9150] =	vst v63  }
0x108: {  	_ =	swait.ge [sflag:s4], $0x7D00  }
0x109: {  	s0 =	sld [smem:$0x7F8]  }
0x10a: {  	[sflag:s4] =	ssyncset.done $0x0  }
0x10b: {  	s17 =	sld [smem:$0x7F9];
	[sflag:s4] =	ssyncadd.s32 $0xFFFF8300  }
0x10c: {  	[tilespmem:s5], [sflag:$0x1] =	stream.indirect.gather [hbm4b:s3+s6], $0x20, s0, s6, $0xb8;
	[tilespmem:$0x9150] =	vst v63  }
0x10d: {  	s0 =	sld [smem:$0x7FA]  }
0x10e: {  	[tilespmem:s7], [sflag:$0x1] =	stream.indirect.gather [hbm4b:s3+s6], $0x20, s17, s6, $0xb8;
	[tilespmem:$0x9150] =	vst v63  }
0x10f: {  	s17 =	sld [smem:$0x7FB]  }
0x110: {  	[tilespmem:s8], [sflag:$0x1] =	stream.indirect.gather [hbm4b:s3+s6], $0x20, s0, s6, $0xb8;
	[tilespmem:$0x9150] =	vst v63  }
0x111: {  	s0 =	sld [smem:$0x7FC]  }
0x112: {  	[tilespmem:s9], [sflag:$0x1] =	stream.indirect.gather [hbm4b:s3+s6], $0x20, s17, s6, $0xb8;
	[tilespmem:$0x9150] =	vst v63  }
0x113: {  	s17 =	sld [smem:$0x7FD]  }
0x114: {  	[tilespmem:s10], [sflag:$0x1] =	stream.indirect.gather [hbm4b:s3+s6], $0x20, s0, s6, $0xb8;
	[tilespmem:$0x9150] =	vst v63  }
0x115: {  	_ = 	snop  }
0x116: {  	[tilespmem:s11], [sflag:$0x1] =	stream.indirect.gather [hbm4b:s3+s6], $0x20, s17, s6, $0xb8;
	[tilespmem:$0x9150] =	vst v63  }
0x117: {  	_ = 	snop  }
0x118: {  	[tilespmem:s12], [sflag:$0x1] =	stream.indirect.gather [hbm4b:s3+s6], $0x20, s29, s6, $0xb8;
	[tilespmem:$0x9150] =	vst v63  }
0x119: {  	_ = 	snop  }
0x11a: {  	[tilespmem:s13], [sflag:$0x1] =	stream.indirect.gather [hbm4b:s3+s6], $0x20, s30, s6, $0xb8;
	[tilespmem:$0x9150] =	vst v63  }
0x11b: {  	_ = 	snop  }
0x11c: {  	[tilespmem:s15], [sflag:$0x1] =	stream.indirect.gather [hbm4b:s3+s6], $0x20, s31, s6, $0xb8;
	[tilespmem:$0x9150] =	vst v63  }
0x11d: {  	_ = 	snop  }
0x11e: {  	[tilespmem:s16], [sflag:$0x1] =	stream.indirect.gather [hbm4b:s3+s6], $0x20, s18, s6, $0xb8;
	[tilespmem:$0x9150] =	vst v63  }
0x11f: {  	_ =	swait.ge [sflag:s14], $0x7D00  }
0x120: {  	[sflag:s14] =	ssyncset.done $0x0  }
0x121: {  	s17 =	rddreg [dreg:$0x6];
	[sflag:s14] =	ssyncadd.s32 $0xFFFF8300  }
0x122: {  	[hbm4b:s17+s2] =	stream.linear.scatter [tilespmem:s5], [sflag:$0x2], $0x7D00, $0x38;
	[tilespmem:$0x9150] =	vst v63  }
0x123: {  	_ =	swait.ge [sflag:s4], $0x7D00  }
0x124: {  	[sflag:s4] =	ssyncset.done $0x0  }
0x125: {  	s17 =	simm.s32 $0x1040;
	[sflag:s4] =	ssyncadd.s32 $0xFFFF8300  }
0x126: {  	[tilespmem:s5], [sflag:$0x1] =	stream.indirect.gather [hbm4b:s3+s6], $0x20, s17, s6, $0xb8;
	[tilespmem:$0x9150] =	vst v63  }
0x127: {  	_ = 	snop  }
0x128: {  	[tilespmem:s7], [sflag:$0x1] =	stream.indirect.gather [hbm4b:s3+s6], $0x20, s19, s6, $0xb8;
	[tilespmem:$0x9150] =	vst v63  }
0x129: {  	_ = 	snop  }
0x12a: {  	[tilespmem:s8], [sflag:$0x1] =	stream.indirect.gather [hbm4b:s3+s6], $0x20, s20, s6, $0xb8;
	[tilespmem:$0x9150] =	vst v63  }
0x12b: {  	_ = 	snop  }
0x12c: {  	[tilespmem:s9], [sflag:$0x1] =	stream.indirect.gather [hbm4b:s3+s6], $0x20, s21, s6, $0xb8;
	[tilespmem:$0x9150] =	vst v63  }
0x12d: {  	_ = 	snop  }
0x12e: {  	[tilespmem:s10], [sflag:$0x1] =	stream.indirect.gather [hbm4b:s3+s6], $0x20, s22, s6, $0xb8;
	[tilespmem:$0x9150] =	vst v63  }
0x12f: {  	_ = 	snop  }
0x130: {  	[tilespmem:s11], [sflag:$0x1] =	stream.indirect.gather [hbm4b:s3+s6], $0x20, s23, s6, $0xb8;
	[tilespmem:$0x9150] =	vst v63  }
0x131: {  	_ = 	snop  }
0x132: {  	[tilespmem:s12], [sflag:$0x1] =	stream.indirect.gather [hbm4b:s3+s6], $0x20, s24, s6, $0xb8;
	[tilespmem:$0x9150] =	vst v63  }
0x133: {  	_ = 	snop  }
0x134: {  	[tilespmem:s13], [sflag:$0x1] =	stream.indirect.gather [hbm4b:s3+s6], $0x20, s25, s6, $0xb8;
	[tilespmem:$0x9150] =	vst v63  }
0x135: {  	_ = 	snop  }
0x136: {  	[tilespmem:s15], [sflag:$0x1] =	stream.indirect.gather [hbm4b:s3+s6], $0x20, s26, s6, $0xb8;
	[tilespmem:$0x9150] =	vst v63  }
0x137: {  	_ = 	snop  }
0x138: {  	[tilespmem:s16], [sflag:$0x1] =	stream.indirect.gather [hbm4b:s3+s6], $0x20, s28, s6, $0xb8;
	[tilespmem:$0x9150] =	vst v63  }
0x139: {  	p1 =	sne.s32 s1, $0x1;
	_ =	swait.ge [sflag:s14], $0x7D00  }
.Ltmp2:
0x13a: {  	[sflag:s14] =	ssyncset.done $0x0;
	(pc) =	sbr.rel @p1 .LBB2_4-.Ltmp2, $4  }
0x13b: {  	s17 =	rddreg [dreg:$0x7];
	[sflag:s14] =	ssyncadd.s32 $0xFFFF8300  }
0x13c: {  	[hbm4b:s17+s2] =	stream.linear.scatter [tilespmem:s5], [sflag:$0x2], $0x7D00, $0x38;
	[tilespmem:$0x9150] =	vst v63  }
0x13d: {  	_ =	swait.ge [sflag:s4], $0x7D00  }
0x13e: {  	s1 =	sadd.s32 $0xFFFFFFFF, s1;
	s0 =	rddreg [dreg:$0x2];
	[sflag:s4] =	ssyncset.done $0x0  }
0x13f: {  	s28 =	simm.s32 $0xFD8;
	s31 =	simm.s32 $0xF70  }
0x140: {  	s30 =	simm.s32 $0xF08;
	s29 =	simm.s32 $0xEA0;
	s26 =	simm.s32 $0x1380  }
0x141: {  	s25 =	simm.s32 $0x1318;
	s24 =	simm.s32 $0x12B0;
	s23 =	simm.s32 $0x1248  }
0x142: {  	s22 =	simm.s32 $0x11E0;
	s21 =	simm.s32 $0x1178;
	s20 =	simm.s32 $0x1110  }
0x143: {  	s19 =	simm.s32 $0x10A8;
	s18 =	simm.s32 $0x1040;
	s17 =	stileid.u32  }
.LBB2_6:
0x144: {  	[sflag:s4] =	ssyncadd.s32 @p0 $0xFFFF8300  }
0x145: {  	[tilespmem:s2], [sflag:$0x2] =	stream.linear.gather [hbm4b:s0+s2], $0x1450, $0x38;
	[tilespmem:$0x9150] =	vst v63  }
0x146: {  	_ =	swait.ge [sflag:s4], $0x1450  }
0x147: {  	[sflag:s4] =	ssyncset.done $0x0  }
0x148: {  	[sflag:s4] =	ssyncadd.s32 $0xFFFFEBB0  }
0x149: {  	[tilespmem:s5], [sflag:$0x1] =	stream.indirect.gather [hbm4b:s3+s6], $0x20, s2, s6, $0xb8;
	[tilespmem:$0x9150] =	vst v63  }
0x14a: {  	s0 =	rddreg [dreg:$0x8]  }
0x14b: {  	[tilespmem:s7], [sflag:$0x1] =	stream.indirect.gather [hbm4b:s3+s6], $0x20, s0, s6, $0xb8;
	[tilespmem:$0x9150] =	vst v63  }
0x14c: {  	s1 =	rddreg [dreg:$0x9]  }
0x14d: {  	[tilespmem:s8], [sflag:$0x1] =	stream.indirect.gather [hbm4b:s3+s6], $0x20, s1, s6, $0xb8;
	[tilespmem:$0x9150] =	vst v63  }
0x14e: {  	s0 =	rddreg [dreg:$0xa]  }
0x14f: {  	[tilespmem:s9], [sflag:$0x1] =	stream.indirect.gather [hbm4b:s3+s6], $0x20, s0, s6, $0xb8;
	[tilespmem:$0x9150] =	vst v63  }
0x150: {  	s1 =	rddreg [dreg:$0xb]  }
0x151: {  	[tilespmem:s10], [sflag:$0x1] =	stream.indirect.gather [hbm4b:s3+s6], $0x20, s1, s6, $0xb8;
	[tilespmem:$0x9150] =	vst v63  }
0x152: {  	s0 =	rddreg [dreg:$0xc]  }
0x153: {  	[tilespmem:s11], [sflag:$0x1] =	stream.indirect.gather [hbm4b:s3+s6], $0x20, s0, s6, $0xb8;
	[tilespmem:$0x9150] =	vst v63  }
0x154: {  	s1 =	rddreg [dreg:$0xd]  }
0x155: {  	[tilespmem:s12], [sflag:$0x1] =	stream.indirect.gather [hbm4b:s3+s6], $0x20, s1, s6, $0xb8;
	[tilespmem:$0x9150] =	vst v63  }
0x156: {  	s0 =	rddreg [dreg:$0xe]  }
0x157: {  	[tilespmem:s13], [sflag:$0x1] =	stream.indirect.gather [hbm4b:s3+s6], $0x20, s0, s6, $0xb8;
	[tilespmem:$0x9150] =	vst v63  }
0x158: {  	s1 =	rddreg [dreg:$0xf]  }
0x159: {  	[tilespmem:s15], [sflag:$0x1] =	stream.indirect.gather [hbm4b:s3+s6], $0x20, s1, s6, $0xb8;
	[tilespmem:$0x9150] =	vst v63  }
0x15a: {  	s0 =	rddreg [dreg:$0x10]  }
0x15b: {  	[tilespmem:s16], [sflag:$0x1] =	stream.indirect.gather [hbm4b:s3+s6], $0x20, s0, s6, $0xb8;
	[tilespmem:$0x9150] =	vst v63  }
0x15c: {  	_ =	swait.ge [sflag:s14], $0x7D00  }
0x15d: {  	[sflag:s14] =	ssyncset.done $0x0  }
0x15e: {  	s1 =	rddreg [dreg:$0x3];
	[sflag:s14] =	ssyncadd.s32 $0xFFFF8300  }
0x15f: {  	[hbm4b:s1+s2] =	stream.linear.scatter [tilespmem:s5], [sflag:$0x2], $0x7D00, $0x38;
	[tilespmem:$0x9150] =	vst v63  }
0x160: {  	_ =	swait.ge [sflag:s4], $0x7D00  }
0x161: {  	[sflag:s4] =	ssyncset.done $0x0  }
0x162: {  	s0 =	rddreg [dreg:$0x11];
	[sflag:s4] =	ssyncadd.s32 $0xFFFF8300  }
0x163: {  	[tilespmem:s5], [sflag:$0x1] =	stream.indirect.gather [hbm4b:s3+s6], $0x20, s0, s6, $0xb8;
	[tilespmem:$0x9150] =	vst v63  }
0x164: {  	s1 =	rddreg [dreg:$0x12]  }
0x165: {  	[tilespmem:s7], [sflag:$0x1] =	stream.indirect.gather [hbm4b:s3+s6], $0x20, s1, s6, $0xb8;
	[tilespmem:$0x9150] =	vst v63  }
0x166: {  	s0 =	rddreg [dreg:$0x13]  }
0x167: {  	[tilespmem:s8], [sflag:$0x1] =	stream.indirect.gather [hbm4b:s3+s6], $0x20, s0, s6, $0xb8;
	[tilespmem:$0x9150] =	vst v63  }
0x168: {  	s1 =	rddreg [dreg:$0x14]  }
0x169: {  	[tilespmem:s9], [sflag:$0x1] =	stream.indirect.gather [hbm4b:s3+s6], $0x20, s1, s6, $0xb8;
	[tilespmem:$0x9150] =	vst v63  }
0x16a: {  	s0 =	rddreg [dreg:$0x15]  }
0x16b: {  	[tilespmem:s10], [sflag:$0x1] =	stream.indirect.gather [hbm4b:s3+s6], $0x20, s0, s6, $0xb8;
	[tilespmem:$0x9150] =	vst v63  }
0x16c: {  	s1 =	rddreg [dreg:$0x16]  }
0x16d: {  	[tilespmem:s11], [sflag:$0x1] =	stream.indirect.gather [hbm4b:s3+s6], $0x20, s1, s6, $0xb8;
	[tilespmem:$0x9150] =	vst v63  }
0x16e: {  	s0 =	rddreg [dreg:$0x17]  }
0x16f: {  	[tilespmem:s12], [sflag:$0x1] =	stream.indirect.gather [hbm4b:s3+s6], $0x20, s0, s6, $0xb8;
	[tilespmem:$0x9150] =	vst v63  }
0x170: {  	s1 =	rddreg [dreg:$0x18]  }
0x171: {  	[tilespmem:s13], [sflag:$0x1] =	stream.indirect.gather [hbm4b:s3+s6], $0x20, s1, s6, $0xb8;
	[tilespmem:$0x9150] =	vst v63  }
0x172: {  	s0 =	rddreg [dreg:$0x19]  }
0x173: {  	[tilespmem:s15], [sflag:$0x1] =	stream.indirect.gather [hbm4b:s3+s6], $0x20, s0, s6, $0xb8;
	[tilespmem:$0x9150] =	vst v63  }
0x174: {  	s1 =	rddreg [dreg:$0x1a]  }
0x175: {  	[tilespmem:s16], [sflag:$0x1] =	stream.indirect.gather [hbm4b:s3+s6], $0x20, s1, s6, $0xb8;
	[tilespmem:$0x9150] =	vst v63  }
0x176: {  	_ =	swait.ge [sflag:s14], $0x7D00  }
0x177: {  	[sflag:s14] =	ssyncset.done $0x0  }
0x178: {  	s1 =	rddreg [dreg:$0x4];
	[sflag:s14] =	ssyncadd.s32 $0xFFFF8300  }
0x179: {  	[hbm4b:s1+s2] =	stream.linear.scatter [tilespmem:s5], [sflag:$0x2], $0x7D00, $0x38;
	[tilespmem:$0x9150] =	vst v63  }
0x17a: {  	_ =	swait.ge [sflag:s4], $0x7D00  }
0x17b: {  	s0 =	rddreg [dreg:$0x1b];
	[sflag:s4] =	ssyncset.done $0x0  }
0x17c: {  	s1 =	rddreg [dreg:$0x1c];
	[sflag:s4] =	ssyncadd.s32 $0xFFFF8300  }
0x17d: {  	[tilespmem:s5], [sflag:$0x1] =	stream.indirect.gather [hbm4b:s3+s6], $0x20, s0, s6, $0xb8;
	[tilespmem:$0x9150] =	vst v63  }
0x17e: {  	s0 =	rddreg [dreg:$0x1d]  }
0x17f: {  	[tilespmem:s7], [sflag:$0x1] =	stream.indirect.gather [hbm4b:s3+s6], $0x20, s1, s6, $0xb8;
	[tilespmem:$0x9150] =	vst v63  }
0x180: {  	s1 =	rddreg [dreg:$0x1e]  }
0x181: {  	[tilespmem:s8], [sflag:$0x1] =	stream.indirect.gather [hbm4b:s3+s6], $0x20, s0, s6, $0xb8;
	[tilespmem:$0x9150] =	vst v63  }
0x182: {  	s0 =	rddreg [dreg:$0x1f]  }
0x183: {  	[tilespmem:s9], [sflag:$0x1] =	stream.indirect.gather [hbm4b:s3+s6], $0x20, s1, s6, $0xb8;
	[tilespmem:$0x9150] =	vst v63  }
0x184: {  	s1 =	sld [smem:$0x7F3]  }
0x185: {  	[tilespmem:s10], [sflag:$0x1] =	stream.indirect.gather [hbm4b:s3+s6], $0x20, s0, s6, $0xb8;
	[tilespmem:$0x9150] =	vst v63  }
0x186: {  	s0 =	sld [smem:$0x7F4]  }
0x187: {  	[tilespmem:s11], [sflag:$0x1] =	stream.indirect.gather [hbm4b:s3+s6], $0x20, s1, s6, $0xb8;
	[tilespmem:$0x9150] =	vst v63  }
0x188: {  	s1 =	sld [smem:$0x7F5]  }
0x189: {  	[tilespmem:s12], [sflag:$0x1] =	stream.indirect.gather [hbm4b:s3+s6], $0x20, s0, s6, $0xb8;
	[tilespmem:$0x9150] =	vst v63  }
0x18a: {  	s0 =	sld [smem:$0x7F6]  }
0x18b: {  	[tilespmem:s13], [sflag:$0x1] =	stream.indirect.gather [hbm4b:s3+s6], $0x20, s1, s6, $0xb8;
	[tilespmem:$0x9150] =	vst v63  }
0x18c: {  	s1 =	sld [smem:$0x7F7]  }
0x18d: {  	[tilespmem:s15], [sflag:$0x1] =	stream.indirect.gather [hbm4b:s3+s6], $0x20, s0, s6, $0xb8;
	[tilespmem:$0x9150] =	vst v63  }
0x18e: {  	_ = 	snop  }
0x18f: {  	[tilespmem:s16], [sflag:$0x1] =	stream.indirect.gather [hbm4b:s3+s6], $0x20, s1, s6, $0xb8;
	[tilespmem:$0x9150] =	vst v63  }
0x190: {  	_ =	swait.ge [sflag:s14], $0x7D00  }
0x191: {  	[sflag:s14] =	ssyncset.done $0x0  }
0x192: {  	s1 =	rddreg [dreg:$0x5];
	[sflag:s14] =	ssyncadd.s32 $0xFFFF8300  }
0x193: {  	[hbm4b:s1+s2] =	stream.linear.scatter [tilespmem:s5], [sflag:$0x2], $0x7D00, $0x38;
	[tilespmem:$0x9150] =	vst v63  }
0x194: {  	_ =	swait.ge [sflag:s4], $0x7D00  }
0x195: {  	s0 =	sld [smem:$0x7F8]  }
0x196: {  	[sflag:s4] =	ssyncset.done $0x0  }
0x197: {  	s1 =	sld [smem:$0x7F9];
	[sflag:s4] =	ssyncadd.s32 $0xFFFF8300  }
0x198: {  	[tilespmem:s5], [sflag:$0x1] =	stream.indirect.gather [hbm4b:s3+s6], $0x20, s0, s6, $0xb8;
	[tilespmem:$0x9150] =	vst v63  }
0x199: {  	s0 =	sld [smem:$0x7FA]  }
0x19a: {  	[tilespmem:s7], [sflag:$0x1] =	stream.indirect.gather [hbm4b:s3+s6], $0x20, s1, s6, $0xb8;
	[tilespmem:$0x9150] =	vst v63  }
0x19b: {  	s1 =	sld [smem:$0x7FB]  }
0x19c: {  	[tilespmem:s8], [sflag:$0x1] =	stream.indirect.gather [hbm4b:s3+s6], $0x20, s0, s6, $0xb8;
	[tilespmem:$0x9150] =	vst v63  }
0x19d: {  	s0 =	sld [smem:$0x7FC]  }
0x19e: {  	[tilespmem:s9], [sflag:$0x1] =	stream.indirect.gather [hbm4b:s3+s6], $0x20, s1, s6, $0xb8;
	[tilespmem:$0x9150] =	vst v63  }
0x19f: {  	s1 =	sld [smem:$0x7FD]  }
0x1a0: {  	[tilespmem:s10], [sflag:$0x1] =	stream.indirect.gather [hbm4b:s3+s6], $0x20, s0, s6, $0xb8;
	[tilespmem:$0x9150] =	vst v63  }
0x1a1: {  	_ = 	snop  }
0x1a2: {  	[tilespmem:s11], [sflag:$0x1] =	stream.indirect.gather [hbm4b:s3+s6], $0x20, s1, s6, $0xb8;
	[tilespmem:$0x9150] =	vst v63  }
0x1a3: {  	_ = 	snop  }
0x1a4: {  	[tilespmem:s12], [sflag:$0x1] =	stream.indirect.gather [hbm4b:s3+s6], $0x20, s29, s6, $0xb8;
	[tilespmem:$0x9150] =	vst v63  }
0x1a5: {  	_ = 	snop  }
0x1a6: {  	[tilespmem:s13], [sflag:$0x1] =	stream.indirect.gather [hbm4b:s3+s6], $0x20, s30, s6, $0xb8;
	[tilespmem:$0x9150] =	vst v63  }
0x1a7: {  	_ = 	snop  }
0x1a8: {  	[tilespmem:s15], [sflag:$0x1] =	stream.indirect.gather [hbm4b:s3+s6], $0x20, s31, s6, $0xb8;
	[tilespmem:$0x9150] =	vst v63  }
0x1a9: {  	_ = 	snop  }
0x1aa: {  	[tilespmem:s16], [sflag:$0x1] =	stream.indirect.gather [hbm4b:s3+s6], $0x20, s28, s6, $0xb8;
	[tilespmem:$0x9150] =	vst v63  }
0x1ab: {  	_ =	swait.ge [sflag:s14], $0x7D00  }
0x1ac: {  	[sflag:s14] =	ssyncset.done $0x0  }
0x1ad: {  	s29 =	rddreg [dreg:$0x6];
	[sflag:s14] =	ssyncadd.s32 $0xFFFF8300  }
0x1ae: {  	[hbm4b:s29+s2] =	stream.linear.scatter [tilespmem:s5], [sflag:$0x2], $0x7D00, $0x38;
	[tilespmem:$0x9150] =	vst v63  }
0x1af: {  	_ =	swait.ge [sflag:s4], $0x7D00  }
0x1b0: {  	[sflag:s4] =	ssyncset.done $0x0  }
0x1b1: {  	[sflag:s4] =	ssyncadd.s32 $0xFFFF8300  }
0x1b2: {  	[tilespmem:s5], [sflag:$0x1] =	stream.indirect.gather [hbm4b:s3+s6], $0x20, s18, s6, $0xb8;
	[tilespmem:$0x9150] =	vst v63  }
0x1b3: {  	_ = 	snop  }
0x1b4: {  	[tilespmem:s7], [sflag:$0x1] =	stream.indirect.gather [hbm4b:s3+s6], $0x20, s19, s6, $0xb8;
	[tilespmem:$0x9150] =	vst v63  }
0x1b5: {  	_ = 	snop  }
0x1b6: {  	[tilespmem:s8], [sflag:$0x1] =	stream.indirect.gather [hbm4b:s3+s6], $0x20, s20, s6, $0xb8;
	[tilespmem:$0x9150] =	vst v63  }
0x1b7: {  	_ = 	snop  }
0x1b8: {  	[tilespmem:s9], [sflag:$0x1] =	stream.indirect.gather [hbm4b:s3+s6], $0x20, s21, s6, $0xb8;
	[tilespmem:$0x9150] =	vst v63  }
0x1b9: {  	_ = 	snop  }
0x1ba: {  	[tilespmem:s10], [sflag:$0x1] =	stream.indirect.gather [hbm4b:s3+s6], $0x20, s22, s6, $0xb8;
	[tilespmem:$0x9150] =	vst v63  }
0x1bb: {  	_ = 	snop  }
0x1bc: {  	[tilespmem:s11], [sflag:$0x1] =	stream.indirect.gather [hbm4b:s3+s6], $0x20, s23, s6, $0xb8;
	[tilespmem:$0x9150] =	vst v63  }
0x1bd: {  	_ = 	snop  }
0x1be: {  	[tilespmem:s12], [sflag:$0x1] =	stream.indirect.gather [hbm4b:s3+s6], $0x20, s24, s6, $0xb8;
	[tilespmem:$0x9150] =	vst v63  }
0x1bf: {  	_ = 	snop  }
0x1c0: {  	[tilespmem:s13], [sflag:$0x1] =	stream.indirect.gather [hbm4b:s3+s6], $0x20, s25, s6, $0xb8;
	[tilespmem:$0x9150] =	vst v63  }
0x1c1: {  	_ = 	snop  }
0x1c2: {  	[tilespmem:s15], [sflag:$0x1] =	stream.indirect.gather [hbm4b:s3+s6], $0x20, s26, s6, $0xb8;
	[tilespmem:$0x9150] =	vst v63  }
0x1c3: {  	s30 =	simm.s32 $0x13E8  }
0x1c4: {  	[tilespmem:s16], [sflag:$0x1] =	stream.indirect.gather [hbm4b:s3+s6], $0x20, s30, s6, $0xb8;
	[tilespmem:$0x9150] =	vst v63  }
0x1c5: {  	_ =	swait.ge [sflag:s14], $0x7D00  }
0x1c6: {  	[sflag:s14] =	ssyncset.done $0x0  }
0x1c7: {  	s31 =	rddreg [dreg:$0x7];
	[sflag:s14] =	ssyncadd.s32 $0xFFFF8300  }
0x1c8: {  	[hbm4b:s31+s2] =	stream.linear.scatter [tilespmem:s5], [sflag:$0x2], $0x7D00, $0x38;
	[tilespmem:$0x9150] =	vst v63  }
0x1c9: {  	_ =	swait.ge [sflag:s4], $0x7D00  }
0x1ca: {  	[sflag:s4] =	ssyncset.done $0x0  }
0x1cb: {  	[sflag:s4] =	ssyncadd.s32 $0xFFFF8300  }
0x1cc: {  	_ =	sfence.sel $0x180000  }
0x1cd: {  	[bflag:$0x0] =	sbarrier.arrive $0xFFFF  }
0x1ce: {  	_ =	strace $0x90000047  }
0x1cf: {  	[bflag:$0x2] =	sbarrier.arrive $0xFFFF  }
0x1d0: {  	p0 =	sne.s32 s17, $0x0;
	s0 =	rddreg [dreg:$0x1]  }
0x1d1: {  	s0 =	sadd.s32 @!p0 $0x100000, s0  }
0x1d2: {  	[sflag:s0] =	ssyncadd.tile.s32 @!p0 $0x1;
	_ =	shalt  }
.LBB2_1:
.Ltmp3:
0x1d3: {  	s28 =	simm.s32 $0xFD8;
	(pc) =	sbr.rel .LBB2_6-.Ltmp3, $4  }
0x1d4: {  	s31 =	simm.s32 $0xF70;
	s30 =	simm.s32 $0xF08;
	s29 =	simm.s32 $0xEA0  }
0x1d5: {  	s26 =	simm.s32 $0x1380;
	s25 =	simm.s32 $0x1318;
	s24 =	simm.s32 $0x12B0  }
0x1d6: {  	s23 =	simm.s32 $0x1248;
	s22 =	simm.s32 $0x11E0;
	s21 =	simm.s32 $0x1178  }
0x1d7: {  	s20 =	simm.s32 $0x1110;
	s19 =	simm.s32 $0x10A8;
	s18 =	simm.s32 $0x1040  }
.LBB2_3:
.Ltmp4:
0x1d8: {  	s28 =	simm.s32 $0xFD8;
	s31 =	simm.s32 $0xF70;
	(pc) =	sbr.rel .LBB2_6-.Ltmp4, $4  }
0x1d9: {  	s30 =	simm.s32 $0xF08;
	s29 =	simm.s32 $0xEA0;
	s26 =	simm.s32 $0x1380  }
0x1da: {  	s25 =	simm.s32 $0x1318;
	s24 =	simm.s32 $0x12B0;
	s23 =	simm.s32 $0x1248  }
0x1db: {  	s22 =	simm.s32 $0x11E0;
	s21 =	simm.s32 $0x1178;
	s20 =	simm.s32 $0x1110  }
0x1dc: {  	s19 =	simm.s32 $0x10A8;
	s18 =	simm.s32 $0x1040;
	s17 =	stileid.u32  }
.Lfunc_end2:
_tile_overlayer_lowered:
.L_overlay_start_2:
0x1dd: {  	(tag) =	ssettag $0x2  }
0x1de: {  	s0 =	rddreg [dreg:$0x0];
	s2 =	stileid.u32  }
0x1df: {  	s1 =	rddreg [dreg:$0x1];
	p0 =	sne.s32 s2, $0x0  }
0x1e0: {  	s3 =	rddreg [dreg:$0x2];
	[bflag:$0x3] =	sbarrier.arrive $0xFFFF;
	s2 =	simm.s32 @!p0 $0x1C02  }
0x1e1: {  	[timem:s3], [sflag:s2] =	dma.local @!p0 [hbm:s0], s1  }
0x1e2: {  	s0 =	simm.s32 @!p0 $0x2  }
0x1e3: {  	_ =	swait.ge @!p0 [sflag:s0], s1  }
0x1e4: {  	s1 =	ssub.s32 @!p0 $0x0, s1;
	[sflag:s0] =	ssyncset.done @!p0 $0x0  }
0x1e5: {  	[sflag:s0] =	ssyncadd.s32 @!p0 s1  }
0x1e6: {  	[bflag:$0x3] =	sbarrier.arrive $0xFFFF  }
0x1e7: {  	_ =	shalt  }

</sc_bundles>
